<compile_context>
chip_gen: v7x
topology: tpu7x:2x2x1
jax: 0.10.2.dev20260603
libtpu: 0.0.44.dev20260713+nightly
codegen_flags: <defaults>
</compile_context>

<pallas_src>
import functools

import jax
import jax.numpy as jnp
from jax import lax
from jax.experimental import pallas as pl
from jax.experimental.pallas import tpu as pltpu
from jax.experimental.pallas import tpu_sc as plsc

NFEAT = 128
D = 48
CH = 128
NC = 2
NS = 16
NW = NC * NS
N_PAD = 10240
RPT = N_PAD // NS
NCH = RPT // CH
DEGW = 16
NBUF = 8


def _sc_degree(ed2):
    per_w = ed2.shape[0] // NW
    mesh = plsc.VectorSubcoreMesh(core_axis_name="c", subcore_axis_name="s")

    @functools.partial(
        pl.kernel,
        mesh=mesh,
        out_type=jax.ShapeDtypeStruct((NC, N_PAD), jnp.float32),
        compiler_params=pltpu.CompilerParams(use_tc_tiling_on_sc=False),
        scratch_types=[
            pltpu.VMEM((per_w, CH), jnp.int32),
            pltpu.VMEM((per_w, CH), jnp.int32),
            pltpu.VMEM((CH,), jnp.float32),
            pltpu.VMEM((CH,), jnp.float32),
            pltpu.VMEM((8, per_w), jnp.int32),
            pltpu.VMEM_SHARED((N_PAD,), jnp.float32),
            pltpu.SemaphoreType.DMA,
        ],
    )
    def k(ed_hbm, out_hbm, ed_v, idx_v, ones_v, zbuf, edix, acc, dsem):
        c = lax.axis_index("c")
        s = lax.axis_index("s")
        wid = c * NS + s

        for r in range(CH // 16):
            sl = pl.ds(r * 16, 16)
            ones_v[sl] = jnp.ones((16,), jnp.float32)
            zbuf[sl] = jnp.zeros((16,), jnp.float32)

        for col in range(per_w // 16):
            sl = pl.ds(col * 16, 16)
            edix[0, sl] = wid * per_w + col * 16 + lax.iota(jnp.int32, 16)

        base = s * RPT

        def zero_slab(i, carry):
            pltpu.sync_copy(zbuf, acc.at[pl.ds(base + i * CH, CH)])
            return carry

        lax.fori_loop(0, NCH, zero_slab, 0)

        pltpu.async_copy(ed_hbm.at[edix.at[0]], ed_v, dsem).wait()

        def unpack(r, carry):
            for col in range(CH // 16):
                sl = pl.ds(col * 16, 16)
                idx_v[r, sl] = lax.shift_right_logical(ed_v[r, sl],
                                                       jnp.int32(16))
            return carry

        lax.fori_loop(0, per_w, unpack, 0)
        plsc.subcore_barrier()

        def body(j, carry):
            pltpu.async_copy(ones_v, acc.at[idx_v.at[j]], dsem, add=True)
            return carry

        lax.fori_loop(0, per_w, body, 0)

        def drain(j, carry):
            pltpu.make_async_copy(ones_v, acc.at[idx_v.at[j]], dsem).wait()
            return carry

        lax.fori_loop(0, per_w, drain, 0)
        plsc.subcore_barrier()

        pltpu.sync_copy(acc.at[pl.ds(base, RPT)],
                        out_hbm.at[c, pl.ds(base, RPT)])

    return k(ed2)


def _sc_edges(ed2, h2):
    per_w = ed2.shape[0] // NW
    mesh = plsc.VectorSubcoreMesh(core_axis_name="c", subcore_axis_name="s")

    @functools.partial(
        pl.kernel,
        mesh=mesh,
        out_type=jax.ShapeDtypeStruct((NC, N_PAD, D), jnp.bfloat16),
        compiler_params=pltpu.CompilerParams(use_tc_tiling_on_sc=False),
        scratch_types=[
            pltpu.VMEM((per_w, CH), jnp.int32),
            pltpu.VMEM((per_w, CH), jnp.int32),
            pltpu.VMEM((per_w, CH), jnp.int32),
            pltpu.VMEM((NBUF, CH, D), jnp.bfloat16),
            pltpu.VMEM((NCH, CH), jnp.int32),
            pltpu.VMEM((8, per_w), jnp.int32),
            pltpu.VMEM_SHARED((N_PAD, D), jnp.bfloat16),
            pltpu.VMEM_SHARED((N_PAD, D), jnp.bfloat16),
            pltpu.SemaphoreType.DMA((NBUF,)),
            pltpu.SemaphoreType.DMA((NBUF,)),
            pltpu.SemaphoreType.DMA,
        ],
    )
    def k(ed_hbm, h2_hbm, out_hbm, ed_v, src_v, dst_v, rows, iost,
          edix, h2s, acc, gsem, ssem, xsem):
        c = lax.axis_index("c")
        s = lax.axis_index("s")
        wid = c * NS + s
        base = s * RPT

        def fill_idx(i, carry):
            for col in range(CH // 16):
                sl = pl.ds(col * 16, 16)
                v = base + i * CH + col * 16 + lax.iota(jnp.int32, 16)
                iost[i, sl] = v
            return carry

        lax.fori_loop(0, NCH, fill_idx, 0)
        for col in range(per_w // 16):
            sl = pl.ds(col * 16, 16)
            edix[0, sl] = wid * per_w + col * 16 + lax.iota(jnp.int32, 16)

        def stage_h2(i, carry):
            pltpu.async_copy(h2_hbm.at[iost.at[i]], rows.at[0], xsem).wait()
            pltpu.sync_copy(rows.at[0], h2s.at[pl.ds(base + i * CH, CH)])
            pltpu.sync_copy(rows.at[0], acc.at[pl.ds(base + i * CH, CH)])
            return carry

        lax.fori_loop(0, NCH, stage_h2, 0)

        pltpu.async_copy(ed_hbm.at[edix.at[0]], ed_v, xsem).wait()

        def unpack(r, carry):
            for col in range(CH // 16):
                sl = pl.ds(col * 16, 16)
                v = ed_v[r, sl]
                src_v[r, sl] = lax.bitwise_and(v, jnp.int32(0xFFFF))
                dst_v[r, sl] = lax.shift_right_logical(v, jnp.int32(16))
            return carry

        lax.fori_loop(0, per_w, unpack, 0)
        plsc.subcore_barrier()

        def gsrc(b):
            return h2s

        rounds = per_w // NBUF
        for b in range(NBUF):
            pltpu.async_copy(gsrc(b).at[src_v.at[b]], rows.at[b], gsem.at[b])

        def round_body(r, carry):
            for b in range(NBUF):
                j = r * NBUF + b
                pltpu.make_async_copy(gsrc(b).at[src_v.at[j]], rows.at[b],
                                      gsem.at[b]).wait()
                pltpu.async_copy(rows.at[b], acc.at[dst_v.at[j]], ssem.at[b],
                                 add=True)

            @pl.when(r < rounds - 1)
            def _issue_next():
                for b in range(NBUF):
                    jn = (r + 1) * NBUF + b
                    pltpu.make_async_copy(rows.at[b], acc.at[dst_v.at[jn]],
                                          ssem.at[b]).wait()
                    pltpu.async_copy(gsrc(b).at[src_v.at[jn]], rows.at[b],
                                     gsem.at[b])

            return carry

        lax.fori_loop(0, rounds, round_body, 0)
        for b in range(NBUF):
            pltpu.make_async_copy(rows.at[b], acc.at[dst_v.at[b]],
                                  ssem.at[b]).wait()
        plsc.subcore_barrier()

        def dump(i, carry):
            pltpu.sync_copy(acc.at[pl.ds(base + i * CH, CH)], rows.at[0])
            pltpu.async_copy(rows.at[0], out_hbm.at[c].at[iost.at[i]],
                             xsem).wait()
            return carry

        lax.fori_loop(0, NCH, dump, 0)

    return k(ed2, h2)


def _tc_matmul(x_pad, W_gcn, fcWp):

    def body(x_ref, w_ref, f_ref, g_ref):
        wc = lax.dot_general(w_ref[:], f_ref[:], (((1,), (1,)), ((), ())),
                             preferred_element_type=jnp.float32)
        g_ref[:] = lax.dot_general(x_ref[:], wc, (((1,), (0,)), ((), ())),
                                   preferred_element_type=jnp.float32)

    return pl.pallas_call(
        body,
        out_shape=jax.ShapeDtypeStruct((N_PAD, D), jnp.float32),
    )(x_pad, W_gcn, fcWp)


def _tc_scale(g, degp):

    def body(g_ref, deg_ref, h2_ref):
        deg = deg_ref[0] + deg_ref[1] + 1.0
        dinv = lax.rsqrt(deg)
        h2_ref[:] = (g_ref[:] * dinv).astype(jnp.bfloat16)

    return pl.pallas_call(
        body,
        out_shape=jax.ShapeDtypeStruct((N_PAD, D), jnp.bfloat16),
    )(g, degp)


def _tc_finalize(partials, h2, degp, b2, fcWp, fcb2):

    def body(p_ref, h2_ref, deg_ref, b_ref, f_ref, fb_ref, y_ref):
        deg = deg_ref[0] + deg_ref[1] + 1.0
        dinv = lax.rsqrt(deg)
        tot = (p_ref[0].astype(jnp.float32) + p_ref[1].astype(jnp.float32)
               - h2_ref[:].astype(jnp.float32))
        const = lax.dot_general(b_ref[:], f_ref[:], (((1,), (1,)), ((), ())),
                                preferred_element_type=jnp.float32) + fb_ref[:]
        y_ref[:] = tot * dinv + const

    return pl.pallas_call(
        body,
        out_shape=jax.ShapeDtypeStruct((N_PAD, D), jnp.float32),
    )(partials, h2, degp, b2, fcWp, fcb2)


def kernel(x, edge_index, W_gcn, b_gcn, fc_W, fc_b):
    N = x.shape[0]
    nclass = fc_W.shape[0]
    src = edge_index[0].astype(jnp.int32)
    dst = edge_index[1].astype(jnp.int32)
    E = src.shape[0]
    per_w = -(-E // (NW * CH))
    per_w = -(-per_w // NBUF) * NBUF
    e_pad = NW * per_w * CH
    packed = jnp.bitwise_or(src, jnp.left_shift(dst, 16))
    pad_val = jnp.int32(N | (N << 16))
    ed2 = jnp.full((e_pad,), pad_val, jnp.int32).at[:E].set(packed)
    ed2 = ed2.reshape(NW * per_w, CH)
    x_pad = jnp.zeros((N_PAD, NFEAT), x.dtype).at[:N].set(x)
    fcWp = jnp.zeros((D, NFEAT), fc_W.dtype).at[:nclass].set(fc_W)
    fcb2 = jnp.zeros((1, D), fc_b.dtype).at[0, :nclass].set(fc_b)
    b2 = b_gcn.reshape(1, NFEAT)

    g = _tc_matmul(x_pad, W_gcn, fcWp)
    degp = _sc_degree(ed2).reshape(NC, N_PAD, 1)
    h2 = _tc_scale(g, degp)
    partials = _sc_edges(ed2, h2)
    y48 = _tc_finalize(partials, h2, degp, b2, fcWp, fcb2)
    return y48[:N, :nclass]

# --- scband reference (transcript-rebuilt; emitter-appended) ---
"""Pipeline reference for scband-snr-36249523978623 (READ-ONLY COPY).

The authoritative reference and input builder live on the scoring server;
editing this copy changes nothing except your own understanding.
"""

import jax, jax.numpy as jnp
import numpy as np

NFEAT = 128
NHID = 128
NCLASS = 40
N_NODES = 10000
N_EDGES = 320000


def setup_inputs(seed: int = 0) -> dict:
    key = jax.random.key(seed)
    k1, k2, k3, k4, k5, k6 = jax.random.split(key, 6)
    x = jax.random.normal(k1, (N_NODES, NFEAT), dtype=jnp.float32)
    edge_index = jax.random.randint(k2, (2, N_EDGES), 0, N_NODES, dtype=jnp.int64)
    # GCNConv linear weight (PyG lin: Linear(nfeat, nhid, bias=False) with glorot init)
    W_gcn = jax.random.normal(k3, (NFEAT, NHID), dtype=jnp.float32) * (1.0 / np.sqrt(NFEAT))
    b_gcn = jnp.zeros((NHID,), dtype=jnp.float32)
    # fc: nn.Linear(nhid, nclass)
    fc_W = jax.random.normal(k4, (NCLASS, NHID), dtype=jnp.float32) * (1.0 / np.sqrt(NHID))
    fc_b = jax.random.normal(k5, (NCLASS,), dtype=jnp.float32) * 0.01
    return {"x": x, "edge_index": edge_index, "W_gcn": W_gcn, "b_gcn": b_gcn, "fc_W": fc_W, "fc_b": fc_b}


def gcn_conv(x, edge_index, W, b):
    # Faithful GCNConv: add self-loops, symmetric normalization deg^-1/2 A deg^-1/2
    N = x.shape[0]
    src = edge_index[0]
    dst = edge_index[1]
    loop = jnp.arange(N, dtype=src.dtype)
    src = jnp.concatenate([src, loop])
    dst = jnp.concatenate([dst, loop])
    edge_weight = jnp.ones(src.shape[0], dtype=x.dtype)
    deg = jnp.zeros((N,), dtype=x.dtype).at[dst].add(edge_weight)
    deg_inv_sqrt = jnp.where(deg > 0, deg ** -0.5, 0.0)
    norm = deg_inv_sqrt[src] * deg_inv_sqrt[dst]
    h = x @ W  # linear transform (no bias inside lin)
    msg = h[src] * norm[:, None]
    out = jnp.zeros((N, W.shape[1]), dtype=x.dtype).at[dst].add(msg)
    return out + b


def reference(x, edge_index, W_gcn, b_gcn, fc_W, fc_b):
    h = gcn_conv(x, edge_index, W_gcn, b_gcn)
    y = h @ fc_W.T + fc_b
    return y

if __name__ == "__main__":
    import jax
    _d = setup_inputs()
    print(jax.jit(kernel)(*tuple(_d.values())))

</pallas_src>

<mosaic_0001>
#map = affine_map<(d0, d1) -> (0, 0)>
#map1 = affine_map<(d0, d1) -> (0, 0, 0)>
module attributes {stable_mosaic.version = 14 : i64} {
  func.func @k(%arg0: i32, %arg1: i32, %arg2: memref<2560x128xi32, #tpu.memory_space<hbm>>, %arg3: memref<10240x48xbf16, #tpu.memory_space<hbm>>, %arg4: memref<2x10240x48xbf16, #tpu.memory_space<hbm>>, %arg5: memref<80x128xi32, #tpu.memory_space<vmem>>, %arg6: memref<80x128xi32, #tpu.memory_space<vmem>>, %arg7: memref<80x128xi32, #tpu.memory_space<vmem>>, %arg8: memref<8x128x48xbf16, #tpu.memory_space<vmem>>, %arg9: memref<5x128xi32, #tpu.memory_space<vmem>>, %arg10: memref<8x80xi32, #tpu.memory_space<vmem>>, %arg11: memref<10240x48xbf16, #tpu.memory_space<vmem_shared>>, %arg12: memref<10240x48xbf16, #tpu.memory_space<vmem_shared>>, %arg13: memref<8x!tpu.dma_semaphore, #tpu.memory_space<semaphore_mem>>, %arg14: memref<8x!tpu.dma_semaphore, #tpu.memory_space<semaphore_mem>>, %arg15: memref<!tpu.dma_semaphore, #tpu.memory_space<semaphore_mem>>) attributes {dimension_semantics = [#tpu.dimension_semantics<core_parallel>, #tpu.dimension_semantics<subcore_parallel>], iteration_bounds = array<i64: 2, 16>, scalar_prefetch = 0 : i64, scratch_operands = 11 : i64, tpu.core_type = #tpu.core_type<sc_vector_subcore>, window_params = [{transform_indices = #map}, {transform_indices = #map}, {transform_indices = #map1}]} {
    %mul3A = arith.constant 16 : i32
    %mul3A_0 = arith.muli %arg0, %mul3A : i32
    %add3A = arith.addi %mul3A_0, %arg1 : i32
    %mul3A_1 = arith.constant 640 : i32
    %mul3A_2 = arith.muli %arg1, %mul3A_1 : i32
    %scan3A = arith.constant 0 : i32
    %scan3A_3 = arith.constant 0 : i32
    %scan3A_4 = arith.constant 5 : i32
    %scan3A_5 = arith.addi %scan3A_3, %scan3A_4 : i32
    %scan3A_6 = arith.constant 1 : i32
    scf.for %scan3A_348 = %scan3A_3 to %scan3A_5 step %scan3A_6  : i32 {
      %mul3A_349 = arith.constant 128 : i32
      %mul3A_350 = arith.muli %scan3A_348, %mul3A_349 : i32
      %add3A_351 = arith.addi %mul3A_2, %mul3A_350 : i32
      %add3A_352 = arith.constant 0 : i32
      %add3A_353 = arith.addi %add3A_351, %add3A_352 : i32
      %iota3A_354 = tpu.iota {dimensions = array<i32: 0>} : vector<16xi32>
      %add3A_355 = vector.broadcast %add3A_353 : i32 to vector<16xi32>
      %add3A_356 = arith.addi %add3A_355, %iota3A_354 : vector<16xi32>
      %swap3A_357 = arith.index_cast %scan3A_348 : i32 to index
      %swap3A_358 = arith.constant 0 : index
      %swap3A_359 = tpu.vector_load %arg9[%swap3A_357, %swap3A_358] {strides = array<i32>} : memref<5x128xi32, #tpu.memory_space<vmem>>, vector<1x16xi32>,
      %swap3A_360 = vector.shape_cast %swap3A_359 : vector<1x16xi32> to vector<16xi32>
      %swap3A_361 = vector.shape_cast %add3A_356 : vector<16xi32> to vector<1x16xi32>
      tpu.vector_store %arg9[%swap3A_357, %swap3A_358], %swap3A_361 {strides = array<i32>} : memref<5x128xi32, #tpu.memory_space<vmem>>, vector<1x16xi32>,
      %mul3A_362 = arith.constant 128 : i32
      %mul3A_363 = arith.muli %scan3A_348, %mul3A_362 : i32
      %add3A_364 = arith.addi %mul3A_2, %mul3A_363 : i32
      %add3A_365 = arith.constant 16 : i32
      %add3A_366 = arith.addi %add3A_364, %add3A_365 : i32
      %iota3A_367 = tpu.iota {dimensions = array<i32: 0>} : vector<16xi32>
      %add3A_368 = vector.broadcast %add3A_366 : i32 to vector<16xi32>
      %add3A_369 = arith.addi %add3A_368, %iota3A_367 : vector<16xi32>
      %swap3A_370 = arith.index_cast %scan3A_348 : i32 to index
      %swap3A_371 = arith.constant 16 : index
      %swap3A_372 = tpu.vector_load %arg9[%swap3A_370, %swap3A_371] {strides = array<i32>} : memref<5x128xi32, #tpu.memory_space<vmem>>, vector<1x16xi32>,
      %swap3A_373 = vector.shape_cast %swap3A_372 : vector<1x16xi32> to vector<16xi32>
      %swap3A_374 = vector.shape_cast %add3A_369 : vector<16xi32> to vector<1x16xi32>
      tpu.vector_store %arg9[%swap3A_370, %swap3A_371], %swap3A_374 {strides = array<i32>} : memref<5x128xi32, #tpu.memory_space<vmem>>, vector<1x16xi32>,
      %mul3A_375 = arith.constant 128 : i32
      %mul3A_376 = arith.muli %scan3A_348, %mul3A_375 : i32
      %add3A_377 = arith.addi %mul3A_2, %mul3A_376 : i32
      %add3A_378 = arith.constant 32 : i32
      %add3A_379 = arith.addi %add3A_377, %add3A_378 : i32
      %iota3A_380 = tpu.iota {dimensions = array<i32: 0>} : vector<16xi32>
      %add3A_381 = vector.broadcast %add3A_379 : i32 to vector<16xi32>
      %add3A_382 = arith.addi %add3A_381, %iota3A_380 : vector<16xi32>
      %swap3A_383 = arith.index_cast %scan3A_348 : i32 to index
      %swap3A_384 = arith.constant 32 : index
      %swap3A_385 = tpu.vector_load %arg9[%swap3A_383, %swap3A_384] {strides = array<i32>} : memref<5x128xi32, #tpu.memory_space<vmem>>, vector<1x16xi32>,
      %swap3A_386 = vector.shape_cast %swap3A_385 : vector<1x16xi32> to vector<16xi32>
      %swap3A_387 = vector.shape_cast %add3A_382 : vector<16xi32> to vector<1x16xi32>
      tpu.vector_store %arg9[%swap3A_383, %swap3A_384], %swap3A_387 {strides = array<i32>} : memref<5x128xi32, #tpu.memory_space<vmem>>, vector<1x16xi32>,
      %mul3A_388 = arith.constant 128 : i32
      %mul3A_389 = arith.muli %scan3A_348, %mul3A_388 : i32
      %add3A_390 = arith.addi %mul3A_2, %mul3A_389 : i32
      %add3A_391 = arith.constant 48 : i32
      %add3A_392 = arith.addi %add3A_390, %add3A_391 : i32
      %iota3A_393 = tpu.iota {dimensions = array<i32: 0>} : vector<16xi32>
      %add3A_394 = vector.broadcast %add3A_392 : i32 to vector<16xi32>
      %add3A_395 = arith.addi %add3A_394, %iota3A_393 : vector<16xi32>
      %swap3A_396 = arith.index_cast %scan3A_348 : i32 to index
      %swap3A_397 = arith.constant 48 : index
      %swap3A_398 = tpu.vector_load %arg9[%swap3A_396, %swap3A_397] {strides = array<i32>} : memref<5x128xi32, #tpu.memory_space<vmem>>, vector<1x16xi32>,
      %swap3A_399 = vector.shape_cast %swap3A_398 : vector<1x16xi32> to vector<16xi32>
      %swap3A_400 = vector.shape_cast %add3A_395 : vector<16xi32> to vector<1x16xi32>
      tpu.vector_store %arg9[%swap3A_396, %swap3A_397], %swap3A_400 {strides = array<i32>} : memref<5x128xi32, #tpu.memory_space<vmem>>, vector<1x16xi32>,
      %mul3A_401 = arith.constant 128 : i32
      %mul3A_402 = arith.muli %scan3A_348, %mul3A_401 : i32
      %add3A_403 = arith.addi %mul3A_2, %mul3A_402 : i32
      %add3A_404 = arith.constant 64 : i32
      %add3A_405 = arith.addi %add3A_403, %add3A_404 : i32
      %iota3A_406 = tpu.iota {dimensions = array<i32: 0>} : vector<16xi32>
      %add3A_407 = vector.broadcast %add3A_405 : i32 to vector<16xi32>
      %add3A_408 = arith.addi %add3A_407, %iota3A_406 : vector<16xi32>
      %swap3A_409 = arith.index_cast %scan3A_348 : i32 to index
      %swap3A_410 = arith.constant 64 : index
      %swap3A_411 = tpu.vector_load %arg9[%swap3A_409, %swap3A_410] {strides = array<i32>} : memref<5x128xi32, #tpu.memory_space<vmem>>, vector<1x16xi32>,
      %swap3A_412 = vector.shape_cast %swap3A_411 : vector<1x16xi32> to vector<16xi32>
      %swap3A_413 = vector.shape_cast %add3A_408 : vector<16xi32> to vector<1x16xi32>
      tpu.vector_store %arg9[%swap3A_409, %swap3A_410], %swap3A_413 {strides = array<i32>} : memref<5x128xi32, #tpu.memory_space<vmem>>, vector<1x16xi32>,
      %mul3A_414 = arith.constant 128 : i32
      %mul3A_415 = arith.muli %scan3A_348, %mul3A_414 : i32
      %add3A_416 = arith.addi %mul3A_2, %mul3A_415 : i32
      %add3A_417 = arith.constant 80 : i32
      %add3A_418 = arith.addi %add3A_416, %add3A_417 : i32
      %iota3A_419 = tpu.iota {dimensions = array<i32: 0>} : vector<16xi32>
      %add3A_420 = vector.broadcast %add3A_418 : i32 to vector<16xi32>
      %add3A_421 = arith.addi %add3A_420, %iota3A_419 : vector<16xi32>
      %swap3A_422 = arith.index_cast %scan3A_348 : i32 to index
      %swap3A_423 = arith.constant 80 : index
      %swap3A_424 = tpu.vector_load %arg9[%swap3A_422, %swap3A_423] {strides = array<i32>} : memref<5x128xi32, #tpu.memory_space<vmem>>, vector<1x16xi32>,
      %swap3A_425 = vector.shape_cast %swap3A_424 : vector<1x16xi32> to vector<16xi32>
      %swap3A_426 = vector.shape_cast %add3A_421 : vector<16xi32> to vector<1x16xi32>
      tpu.vector_store %arg9[%swap3A_422, %swap3A_423], %swap3A_426 {strides = array<i32>} : memref<5x128xi32, #tpu.memory_space<vmem>>, vector<1x16xi32>,
      %mul3A_427 = arith.constant 128 : i32
      %mul3A_428 = arith.muli %scan3A_348, %mul3A_427 : i32
      %add3A_429 = arith.addi %mul3A_2, %mul3A_428 : i32
      %add3A_430 = arith.constant 96 : i32
      %add3A_431 = arith.addi %add3A_429, %add3A_430 : i32
      %iota3A_432 = tpu.iota {dimensions = array<i32: 0>} : vector<16xi32>
      %add3A_433 = vector.broadcast %add3A_431 : i32 to vector<16xi32>
      %add3A_434 = arith.addi %add3A_433, %iota3A_432 : vector<16xi32>
      %swap3A_435 = arith.index_cast %scan3A_348 : i32 to index
      %swap3A_436 = arith.constant 96 : index
      %swap3A_437 = tpu.vector_load %arg9[%swap3A_435, %swap3A_436] {strides = array<i32>} : memref<5x128xi32, #tpu.memory_space<vmem>>, vector<1x16xi32>,
      %swap3A_438 = vector.shape_cast %swap3A_437 : vector<1x16xi32> to vector<16xi32>
      %swap3A_439 = vector.shape_cast %add3A_434 : vector<16xi32> to vector<1x16xi32>
      tpu.vector_store %arg9[%swap3A_435, %swap3A_436], %swap3A_439 {strides = array<i32>} : memref<5x128xi32, #tpu.memory_space<vmem>>, vector<1x16xi32>,
      %mul3A_440 = arith.constant 128 : i32
      %mul3A_441 = arith.muli %scan3A_348, %mul3A_440 : i32
      %add3A_442 = arith.addi %mul3A_2, %mul3A_441 : i32
      %add3A_443 = arith.constant 112 : i32
      %add3A_444 = arith.addi %add3A_442, %add3A_443 : i32
      %iota3A_445 = tpu.iota {dimensions = array<i32: 0>} : vector<16xi32>
      %add3A_446 = vector.broadcast %add3A_444 : i32 to vector<16xi32>
      %add3A_447 = arith.addi %add3A_446, %iota3A_445 : vector<16xi32>
      %swap3A_448 = arith.index_cast %scan3A_348 : i32 to index
      %swap3A_449 = arith.constant 112 : index
      %swap3A_450 = tpu.vector_load %arg9[%swap3A_448, %swap3A_449] {strides = array<i32>} : memref<5x128xi32, #tpu.memory_space<vmem>>, vector<1x16xi32>,
      %swap3A_451 = vector.shape_cast %swap3A_450 : vector<1x16xi32> to vector<16xi32>
      %swap3A_452 = vector.shape_cast %add3A_447 : vector<16xi32> to vector<1x16xi32>
      tpu.vector_store %arg9[%swap3A_448, %swap3A_449], %swap3A_452 {strides = array<i32>} : memref<5x128xi32, #tpu.memory_space<vmem>>, vector<1x16xi32>,
    }
    %scan3A_7 = arith.constant 5 : i32
    %mul3A_8 = arith.constant 80 : i32
    %mul3A_9 = arith.muli %add3A, %mul3A_8 : i32
    %add3A_10 = arith.constant 0 : i32
    %add3A_11 = arith.addi %mul3A_9, %add3A_10 : i32
    %iota3A = tpu.iota {dimensions = array<i32: 0>} : vector<16xi32>
    %add3A_12 = vector.broadcast %add3A_11 : i32 to vector<16xi32>
    %add3A_13 = arith.addi %add3A_12, %iota3A : vector<16xi32>
    %swap3A = arith.constant 0 : i32
    %swap3A_14 = arith.index_cast %swap3A : i32 to index
    %swap3A_15 = arith.constant 0 : index
    %swap3A_16 = tpu.vector_load %arg10[%swap3A_14, %swap3A_15] {strides = array<i32>} : memref<8x80xi32, #tpu.memory_space<vmem>>, vector<1x16xi32>,
    %swap3A_17 = vector.shape_cast %swap3A_16 : vector<1x16xi32> to vector<16xi32>
    %swap3A_18 = vector.shape_cast %add3A_13 : vector<16xi32> to vector<1x16xi32>
    tpu.vector_store %arg10[%swap3A_14, %swap3A_15], %swap3A_18 {strides = array<i32>} : memref<8x80xi32, #tpu.memory_space<vmem>>, vector<1x16xi32>,
    %mul3A_19 = arith.constant 80 : i32
    %mul3A_20 = arith.muli %add3A, %mul3A_19 : i32
    %add3A_21 = arith.constant 16 : i32
    %add3A_22 = arith.addi %mul3A_20, %add3A_21 : i32
    %iota3A_23 = tpu.iota {dimensions = array<i32: 0>} : vector<16xi32>
    %add3A_24 = vector.broadcast %add3A_22 : i32 to vector<16xi32>
    %add3A_25 = arith.addi %add3A_24, %iota3A_23 : vector<16xi32>
    %swap3A_26 = arith.constant 0 : i32
    %swap3A_27 = arith.index_cast %swap3A_26 : i32 to index
    %swap3A_28 = arith.constant 16 : index
    %swap3A_29 = tpu.vector_load %arg10[%swap3A_27, %swap3A_28] {strides = array<i32>} : memref<8x80xi32, #tpu.memory_space<vmem>>, vector<1x16xi32>,
    %swap3A_30 = vector.shape_cast %swap3A_29 : vector<1x16xi32> to vector<16xi32>
    %swap3A_31 = vector.shape_cast %add3A_25 : vector<16xi32> to vector<1x16xi32>
    tpu.vector_store %arg10[%swap3A_27, %swap3A_28], %swap3A_31 {strides = array<i32>} : memref<8x80xi32, #tpu.memory_space<vmem>>, vector<1x16xi32>,
    %mul3A_32 = arith.constant 80 : i32
    %mul3A_33 = arith.muli %add3A, %mul3A_32 : i32
    %add3A_34 = arith.constant 32 : i32
    %add3A_35 = arith.addi %mul3A_33, %add3A_34 : i32
    %iota3A_36 = tpu.iota {dimensions = array<i32: 0>} : vector<16xi32>
    %add3A_37 = vector.broadcast %add3A_35 : i32 to vector<16xi32>
    %add3A_38 = arith.addi %add3A_37, %iota3A_36 : vector<16xi32>
    %swap3A_39 = arith.constant 0 : i32
    %swap3A_40 = arith.index_cast %swap3A_39 : i32 to index
    %swap3A_41 = arith.constant 32 : index
    %swap3A_42 = tpu.vector_load %arg10[%swap3A_40, %swap3A_41] {strides = array<i32>} : memref<8x80xi32, #tpu.memory_space<vmem>>, vector<1x16xi32>,
    %swap3A_43 = vector.shape_cast %swap3A_42 : vector<1x16xi32> to vector<16xi32>
    %swap3A_44 = vector.shape_cast %add3A_38 : vector<16xi32> to vector<1x16xi32>
    tpu.vector_store %arg10[%swap3A_40, %swap3A_41], %swap3A_44 {strides = array<i32>} : memref<8x80xi32, #tpu.memory_space<vmem>>, vector<1x16xi32>,
    %mul3A_45 = arith.constant 80 : i32
    %mul3A_46 = arith.muli %add3A, %mul3A_45 : i32
    %add3A_47 = arith.constant 48 : i32
    %add3A_48 = arith.addi %mul3A_46, %add3A_47 : i32
    %iota3A_49 = tpu.iota {dimensions = array<i32: 0>} : vector<16xi32>
    %add3A_50 = vector.broadcast %add3A_48 : i32 to vector<16xi32>
    %add3A_51 = arith.addi %add3A_50, %iota3A_49 : vector<16xi32>
    %swap3A_52 = arith.constant 0 : i32
    %swap3A_53 = arith.index_cast %swap3A_52 : i32 to index
    %swap3A_54 = arith.constant 48 : index
    %swap3A_55 = tpu.vector_load %arg10[%swap3A_53, %swap3A_54] {strides = array<i32>} : memref<8x80xi32, #tpu.memory_space<vmem>>, vector<1x16xi32>,
    %swap3A_56 = vector.shape_cast %swap3A_55 : vector<1x16xi32> to vector<16xi32>
    %swap3A_57 = vector.shape_cast %add3A_51 : vector<16xi32> to vector<1x16xi32>
    tpu.vector_store %arg10[%swap3A_53, %swap3A_54], %swap3A_57 {strides = array<i32>} : memref<8x80xi32, #tpu.memory_space<vmem>>, vector<1x16xi32>,
    %mul3A_58 = arith.constant 80 : i32
    %mul3A_59 = arith.muli %add3A, %mul3A_58 : i32
    %add3A_60 = arith.constant 64 : i32
    %add3A_61 = arith.addi %mul3A_59, %add3A_60 : i32
    %iota3A_62 = tpu.iota {dimensions = array<i32: 0>} : vector<16xi32>
    %add3A_63 = vector.broadcast %add3A_61 : i32 to vector<16xi32>
    %add3A_64 = arith.addi %add3A_63, %iota3A_62 : vector<16xi32>
    %swap3A_65 = arith.constant 0 : i32
    %swap3A_66 = arith.index_cast %swap3A_65 : i32 to index
    %swap3A_67 = arith.constant 64 : index
    %swap3A_68 = tpu.vector_load %arg10[%swap3A_66, %swap3A_67] {strides = array<i32>} : memref<8x80xi32, #tpu.memory_space<vmem>>, vector<1x16xi32>,
    %swap3A_69 = vector.shape_cast %swap3A_68 : vector<1x16xi32> to vector<16xi32>
    %swap3A_70 = vector.shape_cast %add3A_64 : vector<16xi32> to vector<1x16xi32>
    tpu.vector_store %arg10[%swap3A_66, %swap3A_67], %swap3A_70 {strides = array<i32>} : memref<8x80xi32, #tpu.memory_space<vmem>>, vector<1x16xi32>,
    %scan3A_71 = arith.constant 0 : i32
    %scan3A_72 = arith.constant 0 : i32
    %scan3A_73 = arith.constant 5 : i32
    %scan3A_74 = arith.addi %scan3A_72, %scan3A_73 : i32
    %scan3A_75 = arith.constant 1 : i32
    scf.for %scan3A_348 = %scan3A_72 to %scan3A_74 step %scan3A_75  : i32 {
      %dma_start3A_349 = arith.constant 0 : i32
      %dma_start3A_350 = arith.constant 0 : i32
      %dma_start3A_351 = arith.constant 0 : i32
      %dma_start3A_352 = tpu.memref_slice %arg8[%dma_start3A_349, %dma_start3A_350, %dma_start3A_351] : memref<8x128x48xbf16, #tpu.memory_space<vmem>> -> memref<1x128x48xbf16, #tpu.memory_space<vmem>>
      %dma_start3A_353 = tpu.memref_squeeze %dma_start3A_352 : memref<1x128x48xbf16, #tpu.memory_space<vmem>> -> memref<128x48xbf16, #tpu.memory_space<vmem>>
      %dma_start3A_354 = arith.constant 0 : i32
      %dma_start3A_355 = tpu.memref_slice %arg9[%scan3A_348, %dma_start3A_354] : memref<5x128xi32, #tpu.memory_space<vmem>> -> memref<1x128xi32, #tpu.memory_space<vmem>>
      %dma_start3A_356 = tpu.memref_squeeze %dma_start3A_355 : memref<1x128xi32, #tpu.memory_space<vmem>> -> memref<128xi32, #tpu.memory_space<vmem>>
      %dma_start3A_357 = arith.constant 0 : i32
      %dma_start3A_358 = arith.constant 0 : i32
      %dma_start3A_359 = tpu.memref_slice %arg3[%dma_start3A_357, %dma_start3A_358] : memref<10240x48xbf16, #tpu.memory_space<hbm>> -> memref<10240x48xbf16, #tpu.memory_space<hbm>>
      tpu.enqueue_indirect_dma source(%dma_start3A_359 : memref<10240x48xbf16, #tpu.memory_space<hbm>>) target(%dma_start3A_353 : memref<128x48xbf16, #tpu.memory_space<vmem>>) offsets(%dma_start3A_356 : memref<128xi32, #tpu.memory_space<vmem>>) semaphore(%arg15 : memref<!tpu.dma_semaphore, #tpu.memory_space<semaphore_mem>>)
      %dma_wait3A_360 = arith.constant 0 : i32
      %dma_wait3A_361 = arith.constant 0 : i32
      %dma_wait3A_362 = arith.constant 0 : i32
      %dma_wait3A_363 = tpu.memref_slice %arg8[%dma_wait3A_360, %dma_wait3A_361, %dma_wait3A_362] : memref<8x128x48xbf16, #tpu.memory_space<vmem>> -> memref<1x128x48xbf16, #tpu.memory_space<vmem>>
      %dma_wait3A_364 = tpu.memref_squeeze %dma_wait3A_363 : memref<1x128x48xbf16, #tpu.memory_space<vmem>> -> memref<128x48xbf16, #tpu.memory_space<vmem>>
      %dma_wait3A_365 = arith.constant 0 : i32
      %dma_wait3A_366 = tpu.memref_slice %arg9[%scan3A_348, %dma_wait3A_365] : memref<5x128xi32, #tpu.memory_space<vmem>> -> memref<1x128xi32, #tpu.memory_space<vmem>>
      %dma_wait3A_367 = tpu.memref_squeeze %dma_wait3A_366 : memref<1x128xi32, #tpu.memory_space<vmem>> -> memref<128xi32, #tpu.memory_space<vmem>>
      %dma_wait3A_368 = arith.constant 0 : i32
      %dma_wait3A_369 = arith.constant 0 : i32
      %dma_wait3A_370 = tpu.memref_slice %arg3[%dma_wait3A_368, %dma_wait3A_369] : memref<10240x48xbf16, #tpu.memory_space<hbm>> -> memref<10240x48xbf16, #tpu.memory_space<hbm>>
      tpu.wait_indirect_dma semaphore(%arg15 : memref<!tpu.dma_semaphore, #tpu.memory_space<semaphore_mem>>) src(%dma_wait3A_370 : memref<10240x48xbf16, #tpu.memory_space<hbm>>) dst(%dma_wait3A_364 : memref<128x48xbf16, #tpu.memory_space<vmem>>)
      %mul3A_371 = arith.constant 128 : i32
      %mul3A_372 = arith.muli %scan3A_348, %mul3A_371 : i32
      %add3A_373 = arith.addi %mul3A_2, %mul3A_372 : i32
      %run_scoped3A = arith.constant 0 : i32
      "tpu.region"() ({
        %run_scoped3A_378 = tpu.sem_alloc : memref<!tpu.dma_semaphore, #tpu.memory_space<semaphore_mem>>
        %dma_start3A_379 = arith.constant 0 : i32
        %dma_start3A_380 = arith.constant 0 : i32
        %dma_start3A_381 = tpu.memref_slice %arg8[%run_scoped3A, %dma_start3A_379, %dma_start3A_380] : memref<8x128x48xbf16, #tpu.memory_space<vmem>> -> memref<1x128x48xbf16, #tpu.memory_space<vmem>>
        %dma_start3A_382 = tpu.memref_squeeze %dma_start3A_381 : memref<1x128x48xbf16, #tpu.memory_space<vmem>> -> memref<128x48xbf16, #tpu.memory_space<vmem>>
        %dma_start3A_383 = arith.constant 0 : i32
        %dma_start3A_384 = tpu.memref_slice %arg11[%add3A_373, %dma_start3A_383] : memref<10240x48xbf16, #tpu.memory_space<vmem_shared>> -> memref<128x48xbf16, #tpu.memory_space<vmem_shared>>
        %dma_start3A_385 = arith.constant 0 : i32
        %dma_start3A_386 = tpu.memref_slice %arg11[%add3A_373, %dma_start3A_385] : memref<10240x48xbf16, #tpu.memory_space<vmem_shared>> -> memref<128x48xbf16, #tpu.memory_space<vmem_shared>>
        %dma_start3A_387 = arith.constant 0 : i32
        %dma_start3A_388 = arith.constant 0 : i32
        %dma_start3A_389 = tpu.memref_slice %arg8[%run_scoped3A, %dma_start3A_387, %dma_start3A_388] : memref<8x128x48xbf16, #tpu.memory_space<vmem>> -> memref<1x128x48xbf16, #tpu.memory_space<vmem>>
        %dma_start3A_390 = tpu.memref_squeeze %dma_start3A_389 : memref<1x128x48xbf16, #tpu.memory_space<vmem>> -> memref<128x48xbf16, #tpu.memory_space<vmem>>
        tpu.enqueue_dma source(%dma_start3A_390 : memref<128x48xbf16, #tpu.memory_space<vmem>>) target(%dma_start3A_386 : memref<128x48xbf16, #tpu.memory_space<vmem_shared>>) target_semaphore(%run_scoped3A_378 : memref<!tpu.dma_semaphore, #tpu.memory_space<semaphore_mem>>)
        %dma_wait3A_391 = arith.constant 0 : i32
        %dma_wait3A_392 = arith.constant 0 : i32
        %dma_wait3A_393 = tpu.memref_slice %arg8[%run_scoped3A, %dma_wait3A_391, %dma_wait3A_392] : memref<8x128x48xbf16, #tpu.memory_space<vmem>> -> memref<1x128x48xbf16, #tpu.memory_space<vmem>>
        %dma_wait3A_394 = tpu.memref_squeeze %dma_wait3A_393 : memref<1x128x48xbf16, #tpu.memory_space<vmem>> -> memref<128x48xbf16, #tpu.memory_space<vmem>>
        %dma_wait3A_395 = arith.constant 0 : i32
        %dma_wait3A_396 = tpu.memref_slice %arg11[%add3A_373, %dma_wait3A_395] : memref<10240x48xbf16, #tpu.memory_space<vmem_shared>> -> memref<128x48xbf16, #tpu.memory_space<vmem_shared>>
        %dma_wait3A_397 = arith.constant 0 : i32
        %dma_wait3A_398 = tpu.memref_slice %arg11[%add3A_373, %dma_wait3A_397] : memref<10240x48xbf16, #tpu.memory_space<vmem_shared>> -> memref<128x48xbf16, #tpu.memory_space<vmem_shared>>
        %dma_wait3A_399 = arith.constant 0 : i32
        %dma_wait3A_400 = arith.constant 0 : i32
        %dma_wait3A_401 = tpu.memref_slice %arg8[%run_scoped3A, %dma_wait3A_399, %dma_wait3A_400] : memref<8x128x48xbf16, #tpu.memory_space<vmem>> -> memref<1x128x48xbf16, #tpu.memory_space<vmem>>
        %dma_wait3A_402 = tpu.memref_squeeze %dma_wait3A_401 : memref<1x128x48xbf16, #tpu.memory_space<vmem>> -> memref<128x48xbf16, #tpu.memory_space<vmem>>
        tpu.wait_dma2 semaphore(%run_scoped3A_378 : memref<!tpu.dma_semaphore, #tpu.memory_space<semaphore_mem>>) src(%dma_wait3A_402 : memref<128x48xbf16, #tpu.memory_space<vmem>>) dst(%dma_wait3A_398 : memref<128x48xbf16, #tpu.memory_space<vmem_shared>>)
        tpu.yield
      }) : () -> ()
      %mul3A_374 = arith.constant 128 : i32
      %mul3A_375 = arith.muli %scan3A_348, %mul3A_374 : i32
      %add3A_376 = arith.addi %mul3A_2, %mul3A_375 : i32
      %run_scoped3A_377 = arith.constant 0 : i32
      "tpu.region"() ({
        %run_scoped3A_378 = tpu.sem_alloc : memref<!tpu.dma_semaphore, #tpu.memory_space<semaphore_mem>>
        %dma_start3A_379 = arith.constant 0 : i32
        %dma_start3A_380 = arith.constant 0 : i32
        %dma_start3A_381 = tpu.memref_slice %arg8[%run_scoped3A_377, %dma_start3A_379, %dma_start3A_380] : memref<8x128x48xbf16, #tpu.memory_space<vmem>> -> memref<1x128x48xbf16, #tpu.memory_space<vmem>>
        %dma_start3A_382 = tpu.memref_squeeze %dma_start3A_381 : memref<1x128x48xbf16, #tpu.memory_space<vmem>> -> memref<128x48xbf16, #tpu.memory_space<vmem>>
        %dma_start3A_383 = arith.constant 0 : i32
        %dma_start3A_384 = tpu.memref_slice %arg12[%add3A_376, %dma_start3A_383] : memref<10240x48xbf16, #tpu.memory_space<vmem_shared>> -> memref<128x48xbf16, #tpu.memory_space<vmem_shared>>
        %dma_start3A_385 = arith.constant 0 : i32
        %dma_start3A_386 = tpu.memref_slice %arg12[%add3A_376, %dma_start3A_385] : memref<10240x48xbf16, #tpu.memory_space<vmem_shared>> -> memref<128x48xbf16, #tpu.memory_space<vmem_shared>>
        %dma_start3A_387 = arith.constant 0 : i32
        %dma_start3A_388 = arith.constant 0 : i32
        %dma_start3A_389 = tpu.memref_slice %arg8[%run_scoped3A_377, %dma_start3A_387, %dma_start3A_388] : memref<8x128x48xbf16, #tpu.memory_space<vmem>> -> memref<1x128x48xbf16, #tpu.memory_space<vmem>>
        %dma_start3A_390 = tpu.memref_squeeze %dma_start3A_389 : memref<1x128x48xbf16, #tpu.memory_space<vmem>> -> memref<128x48xbf16, #tpu.memory_space<vmem>>
        tpu.enqueue_dma source(%dma_start3A_390 : memref<128x48xbf16, #tpu.memory_space<vmem>>) target(%dma_start3A_386 : memref<128x48xbf16, #tpu.memory_space<vmem_shared>>) target_semaphore(%run_scoped3A_378 : memref<!tpu.dma_semaphore, #tpu.memory_space<semaphore_mem>>)
        %dma_wait3A_391 = arith.constant 0 : i32
        %dma_wait3A_392 = arith.constant 0 : i32
        %dma_wait3A_393 = tpu.memref_slice %arg8[%run_scoped3A_377, %dma_wait3A_391, %dma_wait3A_392] : memref<8x128x48xbf16, #tpu.memory_space<vmem>> -> memref<1x128x48xbf16, #tpu.memory_space<vmem>>
        %dma_wait3A_394 = tpu.memref_squeeze %dma_wait3A_393 : memref<1x128x48xbf16, #tpu.memory_space<vmem>> -> memref<128x48xbf16, #tpu.memory_space<vmem>>
        %dma_wait3A_395 = arith.constant 0 : i32
        %dma_wait3A_396 = tpu.memref_slice %arg12[%add3A_376, %dma_wait3A_395] : memref<10240x48xbf16, #tpu.memory_space<vmem_shared>> -> memref<128x48xbf16, #tpu.memory_space<vmem_shared>>
        %dma_wait3A_397 = arith.constant 0 : i32
        %dma_wait3A_398 = tpu.memref_slice %arg12[%add3A_376, %dma_wait3A_397] : memref<10240x48xbf16, #tpu.memory_space<vmem_shared>> -> memref<128x48xbf16, #tpu.memory_space<vmem_shared>>
        %dma_wait3A_399 = arith.constant 0 : i32
        %dma_wait3A_400 = arith.constant 0 : i32
        %dma_wait3A_401 = tpu.memref_slice %arg8[%run_scoped3A_377, %dma_wait3A_399, %dma_wait3A_400] : memref<8x128x48xbf16, #tpu.memory_space<vmem>> -> memref<1x128x48xbf16, #tpu.memory_space<vmem>>
        %dma_wait3A_402 = tpu.memref_squeeze %dma_wait3A_401 : memref<1x128x48xbf16, #tpu.memory_space<vmem>> -> memref<128x48xbf16, #tpu.memory_space<vmem>>
        tpu.wait_dma2 semaphore(%run_scoped3A_378 : memref<!tpu.dma_semaphore, #tpu.memory_space<semaphore_mem>>) src(%dma_wait3A_402 : memref<128x48xbf16, #tpu.memory_space<vmem>>) dst(%dma_wait3A_398 : memref<128x48xbf16, #tpu.memory_space<vmem_shared>>)
        tpu.yield
      }) : () -> ()
    }
    %scan3A_76 = arith.constant 5 : i32
    %dma_start3A = arith.constant 0 : i32
    %dma_start3A_77 = arith.constant 0 : i32
    %dma_start3A_78 = tpu.memref_slice %arg10[%dma_start3A, %dma_start3A_77] : memref<8x80xi32, #tpu.memory_space<vmem>> -> memref<1x80xi32, #tpu.memory_space<vmem>>
    %dma_start3A_79 = tpu.memref_squeeze %dma_start3A_78 : memref<1x80xi32, #tpu.memory_space<vmem>> -> memref<80xi32, #tpu.memory_space<vmem>>
    %dma_start3A_80 = arith.constant 0 : i32
    %dma_start3A_81 = arith.constant 0 : i32
    %dma_start3A_82 = tpu.memref_slice %arg2[%dma_start3A_80, %dma_start3A_81] : memref<2560x128xi32, #tpu.memory_space<hbm>> -> memref<2560x128xi32, #tpu.memory_space<hbm>>
    tpu.enqueue_indirect_dma source(%dma_start3A_82 : memref<2560x128xi32, #tpu.memory_space<hbm>>) target(%arg5 : memref<80x128xi32, #tpu.memory_space<vmem>>) offsets(%dma_start3A_79 : memref<80xi32, #tpu.memory_space<vmem>>) semaphore(%arg15 : memref<!tpu.dma_semaphore, #tpu.memory_space<semaphore_mem>>)
    %dma_wait3A = arith.constant 0 : i32
    %dma_wait3A_83 = arith.constant 0 : i32
    %dma_wait3A_84 = tpu.memref_slice %arg10[%dma_wait3A, %dma_wait3A_83] : memref<8x80xi32, #tpu.memory_space<vmem>> -> memref<1x80xi32, #tpu.memory_space<vmem>>
    %dma_wait3A_85 = tpu.memref_squeeze %dma_wait3A_84 : memref<1x80xi32, #tpu.memory_space<vmem>> -> memref<80xi32, #tpu.memory_space<vmem>>
    %dma_wait3A_86 = arith.constant 0 : i32
    %dma_wait3A_87 = arith.constant 0 : i32
    %dma_wait3A_88 = tpu.memref_slice %arg2[%dma_wait3A_86, %dma_wait3A_87] : memref<2560x128xi32, #tpu.memory_space<hbm>> -> memref<2560x128xi32, #tpu.memory_space<hbm>>
    tpu.wait_indirect_dma semaphore(%arg15 : memref<!tpu.dma_semaphore, #tpu.memory_space<semaphore_mem>>) src(%dma_wait3A_88 : memref<2560x128xi32, #tpu.memory_space<hbm>>) dst(%arg5 : memref<80x128xi32, #tpu.memory_space<vmem>>)
    %scan3A_89 = arith.constant 0 : i32
    %scan3A_90 = arith.constant 0 : i32
    %scan3A_91 = arith.constant 80 : i32
    %scan3A_92 = arith.addi %scan3A_90, %scan3A_91 : i32
    %scan3A_93 = arith.constant 1 : i32
    scf.for %scan3A_348 = %scan3A_90 to %scan3A_92 step %scan3A_93  : i32 {
      %get3A = arith.index_cast %scan3A_348 : i32 to index
      %get3A_349 = arith.constant 0 : index
      %get3A_350 = tpu.vector_load %arg5[%get3A, %get3A_349] {strides = array<i32>} : memref<80x128xi32, #tpu.memory_space<vmem>>, vector<1x16xi32>,
      %get3A_351 = vector.shape_cast %get3A_350 : vector<1x16xi32> to vector<16xi32>
      %and3A = arith.constant 65535 : i32
      %and3A_352 = vector.broadcast %and3A : i32 to vector<16xi32>
      %and3A_353 = arith.andi %get3A_351, %and3A_352 : vector<16xi32>
      %swap3A_354 = arith.index_cast %scan3A_348 : i32 to index
      %swap3A_355 = arith.constant 0 : index
      %swap3A_356 = tpu.vector_load %arg6[%swap3A_354, %swap3A_355] {strides = array<i32>} : memref<80x128xi32, #tpu.memory_space<vmem>>, vector<1x16xi32>,
      %swap3A_357 = vector.shape_cast %swap3A_356 : vector<1x16xi32> to vector<16xi32>
      %swap3A_358 = vector.shape_cast %and3A_353 : vector<16xi32> to vector<1x16xi32>
      tpu.vector_store %arg6[%swap3A_354, %swap3A_355], %swap3A_358 {strides = array<i32>} : memref<80x128xi32, #tpu.memory_space<vmem>>, vector<1x16xi32>,
      %shift_right_logical3A = arith.constant 16 : i32
      %shift_right_logical3A_359 = vector.broadcast %shift_right_logical3A : i32 to vector<16xi32>
      %shift_right_logical3A_360 = arith.shrui %get3A_351, %shift_right_logical3A_359 : vector<16xi32>
      %swap3A_361 = arith.index_cast %scan3A_348 : i32 to index
      %swap3A_362 = arith.constant 0 : index
      %swap3A_363 = tpu.vector_load %arg7[%swap3A_361, %swap3A_362] {strides = array<i32>} : memref<80x128xi32, #tpu.memory_space<vmem>>, vector<1x16xi32>,
      %swap3A_364 = vector.shape_cast %swap3A_363 : vector<1x16xi32> to vector<16xi32>
      %swap3A_365 = vector.shape_cast %shift_right_logical3A_360 : vector<16xi32> to vector<1x16xi32>
      tpu.vector_store %arg7[%swap3A_361, %swap3A_362], %swap3A_365 {strides = array<i32>} : memref<80x128xi32, #tpu.memory_space<vmem>>, vector<1x16xi32>,
      %get3A_366 = arith.index_cast %scan3A_348 : i32 to index
      %get3A_367 = arith.constant 16 : index
      %get3A_368 = tpu.vector_load %arg5[%get3A_366, %get3A_367] {strides = array<i32>} : memref<80x128xi32, #tpu.memory_space<vmem>>, vector<1x16xi32>,
      %get3A_369 = vector.shape_cast %get3A_368 : vector<1x16xi32> to vector<16xi32>
      %and3A_370 = arith.constant 65535 : i32
      %and3A_371 = vector.broadcast %and3A_370 : i32 to vector<16xi32>
      %and3A_372 = arith.andi %get3A_369, %and3A_371 : vector<16xi32>
      %swap3A_373 = arith.index_cast %scan3A_348 : i32 to index
      %swap3A_374 = arith.constant 16 : index
      %swap3A_375 = tpu.vector_load %arg6[%swap3A_373, %swap3A_374] {strides = array<i32>} : memref<80x128xi32, #tpu.memory_space<vmem>>, vector<1x16xi32>,
      %swap3A_376 = vector.shape_cast %swap3A_375 : vector<1x16xi32> to vector<16xi32>
      %swap3A_377 = vector.shape_cast %and3A_372 : vector<16xi32> to vector<1x16xi32>
      tpu.vector_store %arg6[%swap3A_373, %swap3A_374], %swap3A_377 {strides = array<i32>} : memref<80x128xi32, #tpu.memory_space<vmem>>, vector<1x16xi32>,
      %shift_right_logical3A_378 = arith.constant 16 : i32
      %shift_right_logical3A_379 = vector.broadcast %shift_right_logical3A_378 : i32 to vector<16xi32>
      %shift_right_logical3A_380 = arith.shrui %get3A_369, %shift_right_logical3A_379 : vector<16xi32>
      %swap3A_381 = arith.index_cast %scan3A_348 : i32 to index
      %swap3A_382 = arith.constant 16 : index
      %swap3A_383 = tpu.vector_load %arg7[%swap3A_381, %swap3A_382] {strides = array<i32>} : memref<80x128xi32, #tpu.memory_space<vmem>>, vector<1x16xi32>,
      %swap3A_384 = vector.shape_cast %swap3A_383 : vector<1x16xi32> to vector<16xi32>
      %swap3A_385 = vector.shape_cast %shift_right_logical3A_380 : vector<16xi32> to vector<1x16xi32>
      tpu.vector_store %arg7[%swap3A_381, %swap3A_382], %swap3A_385 {strides = array<i32>} : memref<80x128xi32, #tpu.memory_space<vmem>>, vector<1x16xi32>,
      %get3A_386 = arith.index_cast %scan3A_348 : i32 to index
      %get3A_387 = arith.constant 32 : index
      %get3A_388 = tpu.vector_load %arg5[%get3A_386, %get3A_387] {strides = array<i32>} : memref<80x128xi32, #tpu.memory_space<vmem>>, vector<1x16xi32>,
      %get3A_389 = vector.shape_cast %get3A_388 : vector<1x16xi32> to vector<16xi32>
      %and3A_390 = arith.constant 65535 : i32
      %and3A_391 = vector.broadcast %and3A_390 : i32 to vector<16xi32>
      %and3A_392 = arith.andi %get3A_389, %and3A_391 : vector<16xi32>
      %swap3A_393 = arith.index_cast %scan3A_348 : i32 to index
      %swap3A_394 = arith.constant 32 : index
      %swap3A_395 = tpu.vector_load %arg6[%swap3A_393, %swap3A_394] {strides = array<i32>} : memref<80x128xi32, #tpu.memory_space<vmem>>, vector<1x16xi32>,
      %swap3A_396 = vector.shape_cast %swap3A_395 : vector<1x16xi32> to vector<16xi32>
      %swap3A_397 = vector.shape_cast %and3A_392 : vector<16xi32> to vector<1x16xi32>
      tpu.vector_store %arg6[%swap3A_393, %swap3A_394], %swap3A_397 {strides = array<i32>} : memref<80x128xi32, #tpu.memory_space<vmem>>, vector<1x16xi32>,
      %shift_right_logical3A_398 = arith.constant 16 : i32
      %shift_right_logical3A_399 = vector.broadcast %shift_right_logical3A_398 : i32 to vector<16xi32>
      %shift_right_logical3A_400 = arith.shrui %get3A_389, %shift_right_logical3A_399 : vector<16xi32>
      %swap3A_401 = arith.index_cast %scan3A_348 : i32 to index
      %swap3A_402 = arith.constant 32 : index
      %swap3A_403 = tpu.vector_load %arg7[%swap3A_401, %swap3A_402] {strides = array<i32>} : memref<80x128xi32, #tpu.memory_space<vmem>>, vector<1x16xi32>,
      %swap3A_404 = vector.shape_cast %swap3A_403 : vector<1x16xi32> to vector<16xi32>
      %swap3A_405 = vector.shape_cast %shift_right_logical3A_400 : vector<16xi32> to vector<1x16xi32>
      tpu.vector_store %arg7[%swap3A_401, %swap3A_402], %swap3A_405 {strides = array<i32>} : memref<80x128xi32, #tpu.memory_space<vmem>>, vector<1x16xi32>,
      %get3A_406 = arith.index_cast %scan3A_348 : i32 to index
      %get3A_407 = arith.constant 48 : index
      %get3A_408 = tpu.vector_load %arg5[%get3A_406, %get3A_407] {strides = array<i32>} : memref<80x128xi32, #tpu.memory_space<vmem>>, vector<1x16xi32>,
      %get3A_409 = vector.shape_cast %get3A_408 : vector<1x16xi32> to vector<16xi32>
      %and3A_410 = arith.constant 65535 : i32
      %and3A_411 = vector.broadcast %and3A_410 : i32 to vector<16xi32>
      %and3A_412 = arith.andi %get3A_409, %and3A_411 : vector<16xi32>
      %swap3A_413 = arith.index_cast %scan3A_348 : i32 to index
      %swap3A_414 = arith.constant 48 : index
      %swap3A_415 = tpu.vector_load %arg6[%swap3A_413, %swap3A_414] {strides = array<i32>} : memref<80x128xi32, #tpu.memory_space<vmem>>, vector<1x16xi32>,
      %swap3A_416 = vector.shape_cast %swap3A_415 : vector<1x16xi32> to vector<16xi32>
      %swap3A_417 = vector.shape_cast %and3A_412 : vector<16xi32> to vector<1x16xi32>
      tpu.vector_store %arg6[%swap3A_413, %swap3A_414], %swap3A_417 {strides = array<i32>} : memref<80x128xi32, #tpu.memory_space<vmem>>, vector<1x16xi32>,
      %shift_right_logical3A_418 = arith.constant 16 : i32
      %shift_right_logical3A_419 = vector.broadcast %shift_right_logical3A_418 : i32 to vector<16xi32>
      %shift_right_logical3A_420 = arith.shrui %get3A_409, %shift_right_logical3A_419 : vector<16xi32>
      %swap3A_421 = arith.index_cast %scan3A_348 : i32 to index
      %swap3A_422 = arith.constant 48 : index
      %swap3A_423 = tpu.vector_load %arg7[%swap3A_421, %swap3A_422] {strides = array<i32>} : memref<80x128xi32, #tpu.memory_space<vmem>>, vector<1x16xi32>,
      %swap3A_424 = vector.shape_cast %swap3A_423 : vector<1x16xi32> to vector<16xi32>
      %swap3A_425 = vector.shape_cast %shift_right_logical3A_420 : vector<16xi32> to vector<1x16xi32>
      tpu.vector_store %arg7[%swap3A_421, %swap3A_422], %swap3A_425 {strides = array<i32>} : memref<80x128xi32, #tpu.memory_space<vmem>>, vector<1x16xi32>,
      %get3A_426 = arith.index_cast %scan3A_348 : i32 to index
      %get3A_427 = arith.constant 64 : index
      %get3A_428 = tpu.vector_load %arg5[%get3A_426, %get3A_427] {strides = array<i32>} : memref<80x128xi32, #tpu.memory_space<vmem>>, vector<1x16xi32>,
      %get3A_429 = vector.shape_cast %get3A_428 : vector<1x16xi32> to vector<16xi32>
      %and3A_430 = arith.constant 65535 : i32
      %and3A_431 = vector.broadcast %and3A_430 : i32 to vector<16xi32>
      %and3A_432 = arith.andi %get3A_429, %and3A_431 : vector<16xi32>
      %swap3A_433 = arith.index_cast %scan3A_348 : i32 to index
      %swap3A_434 = arith.constant 64 : index
      %swap3A_435 = tpu.vector_load %arg6[%swap3A_433, %swap3A_434] {strides = array<i32>} : memref<80x128xi32, #tpu.memory_space<vmem>>, vector<1x16xi32>,
      %swap3A_436 = vector.shape_cast %swap3A_435 : vector<1x16xi32> to vector<16xi32>
      %swap3A_437 = vector.shape_cast %and3A_432 : vector<16xi32> to vector<1x16xi32>
      tpu.vector_store %arg6[%swap3A_433, %swap3A_434], %swap3A_437 {strides = array<i32>} : memref<80x128xi32, #tpu.memory_space<vmem>>, vector<1x16xi32>,
      %shift_right_logical3A_438 = arith.constant 16 : i32
      %shift_right_logical3A_439 = vector.broadcast %shift_right_logical3A_438 : i32 to vector<16xi32>
      %shift_right_logical3A_440 = arith.shrui %get3A_429, %shift_right_logical3A_439 : vector<16xi32>
      %swap3A_441 = arith.index_cast %scan3A_348 : i32 to index
      %swap3A_442 = arith.constant 64 : index
      %swap3A_443 = tpu.vector_load %arg7[%swap3A_441, %swap3A_442] {strides = array<i32>} : memref<80x128xi32, #tpu.memory_space<vmem>>, vector<1x16xi32>,
      %swap3A_444 = vector.shape_cast %swap3A_443 : vector<1x16xi32> to vector<16xi32>
      %swap3A_445 = vector.shape_cast %shift_right_logical3A_440 : vector<16xi32> to vector<1x16xi32>
      tpu.vector_store %arg7[%swap3A_441, %swap3A_442], %swap3A_445 {strides = array<i32>} : memref<80x128xi32, #tpu.memory_space<vmem>>, vector<1x16xi32>,
      %get3A_446 = arith.index_cast %scan3A_348 : i32 to index
      %get3A_447 = arith.constant 80 : index
      %get3A_448 = tpu.vector_load %arg5[%get3A_446, %get3A_447] {strides = array<i32>} : memref<80x128xi32, #tpu.memory_space<vmem>>, vector<1x16xi32>,
      %get3A_449 = vector.shape_cast %get3A_448 : vector<1x16xi32> to vector<16xi32>
      %and3A_450 = arith.constant 65535 : i32
      %and3A_451 = vector.broadcast %and3A_450 : i32 to vector<16xi32>
      %and3A_452 = arith.andi %get3A_449, %and3A_451 : vector<16xi32>
      %swap3A_453 = arith.index_cast %scan3A_348 : i32 to index
      %swap3A_454 = arith.constant 80 : index
      %swap3A_455 = tpu.vector_load %arg6[%swap3A_453, %swap3A_454] {strides = array<i32>} : memref<80x128xi32, #tpu.memory_space<vmem>>, vector<1x16xi32>,
      %swap3A_456 = vector.shape_cast %swap3A_455 : vector<1x16xi32> to vector<16xi32>
      %swap3A_457 = vector.shape_cast %and3A_452 : vector<16xi32> to vector<1x16xi32>
      tpu.vector_store %arg6[%swap3A_453, %swap3A_454], %swap3A_457 {strides = array<i32>} : memref<80x128xi32, #tpu.memory_space<vmem>>, vector<1x16xi32>,
      %shift_right_logical3A_458 = arith.constant 16 : i32
      %shift_right_logical3A_459 = vector.broadcast %shift_right_logical3A_458 : i32 to vector<16xi32>
      %shift_right_logical3A_460 = arith.shrui %get3A_449, %shift_right_logical3A_459 : vector<16xi32>
      %swap3A_461 = arith.index_cast %scan3A_348 : i32 to index
      %swap3A_462 = arith.constant 80 : index
      %swap3A_463 = tpu.vector_load %arg7[%swap3A_461, %swap3A_462] {strides = array<i32>} : memref<80x128xi32, #tpu.memory_space<vmem>>, vector<1x16xi32>,
      %swap3A_464 = vector.shape_cast %swap3A_463 : vector<1x16xi32> to vector<16xi32>
      %swap3A_465 = vector.shape_cast %shift_right_logical3A_460 : vector<16xi32> to vector<1x16xi32>
      tpu.vector_store %arg7[%swap3A_461, %swap3A_462], %swap3A_465 {strides = array<i32>} : memref<80x128xi32, #tpu.memory_space<vmem>>, vector<1x16xi32>,
      %get3A_466 = arith.index_cast %scan3A_348 : i32 to index
      %get3A_467 = arith.constant 96 : index
      %get3A_468 = tpu.vector_load %arg5[%get3A_466, %get3A_467] {strides = array<i32>} : memref<80x128xi32, #tpu.memory_space<vmem>>, vector<1x16xi32>,
      %get3A_469 = vector.shape_cast %get3A_468 : vector<1x16xi32> to vector<16xi32>
      %and3A_470 = arith.constant 65535 : i32
      %and3A_471 = vector.broadcast %and3A_470 : i32 to vector<16xi32>
      %and3A_472 = arith.andi %get3A_469, %and3A_471 : vector<16xi32>
      %swap3A_473 = arith.index_cast %scan3A_348 : i32 to index
      %swap3A_474 = arith.constant 96 : index
      %swap3A_475 = tpu.vector_load %arg6[%swap3A_473, %swap3A_474] {strides = array<i32>} : memref<80x128xi32, #tpu.memory_space<vmem>>, vector<1x16xi32>,
      %swap3A_476 = vector.shape_cast %swap3A_475 : vector<1x16xi32> to vector<16xi32>
      %swap3A_477 = vector.shape_cast %and3A_472 : vector<16xi32> to vector<1x16xi32>
      tpu.vector_store %arg6[%swap3A_473, %swap3A_474], %swap3A_477 {strides = array<i32>} : memref<80x128xi32, #tpu.memory_space<vmem>>, vector<1x16xi32>,
      %shift_right_logical3A_478 = arith.constant 16 : i32
      %shift_right_logical3A_479 = vector.broadcast %shift_right_logical3A_478 : i32 to vector<16xi32>
      %shift_right_logical3A_480 = arith.shrui %get3A_469, %shift_right_logical3A_479 : vector<16xi32>
      %swap3A_481 = arith.index_cast %scan3A_348 : i32 to index
      %swap3A_482 = arith.constant 96 : index
      %swap3A_483 = tpu.vector_load %arg7[%swap3A_481, %swap3A_482] {strides = array<i32>} : memref<80x128xi32, #tpu.memory_space<vmem>>, vector<1x16xi32>,
      %swap3A_484 = vector.shape_cast %swap3A_483 : vector<1x16xi32> to vector<16xi32>
      %swap3A_485 = vector.shape_cast %shift_right_logical3A_480 : vector<16xi32> to vector<1x16xi32>
      tpu.vector_store %arg7[%swap3A_481, %swap3A_482], %swap3A_485 {strides = array<i32>} : memref<80x128xi32, #tpu.memory_space<vmem>>, vector<1x16xi32>,
      %get3A_486 = arith.index_cast %scan3A_348 : i32 to index
      %get3A_487 = arith.constant 112 : index
      %get3A_488 = tpu.vector_load %arg5[%get3A_486, %get3A_487] {strides = array<i32>} : memref<80x128xi32, #tpu.memory_space<vmem>>, vector<1x16xi32>,
      %get3A_489 = vector.shape_cast %get3A_488 : vector<1x16xi32> to vector<16xi32>
      %and3A_490 = arith.constant 65535 : i32
      %and3A_491 = vector.broadcast %and3A_490 : i32 to vector<16xi32>
      %and3A_492 = arith.andi %get3A_489, %and3A_491 : vector<16xi32>
      %swap3A_493 = arith.index_cast %scan3A_348 : i32 to index
      %swap3A_494 = arith.constant 112 : index
      %swap3A_495 = tpu.vector_load %arg6[%swap3A_493, %swap3A_494] {strides = array<i32>} : memref<80x128xi32, #tpu.memory_space<vmem>>, vector<1x16xi32>,
      %swap3A_496 = vector.shape_cast %swap3A_495 : vector<1x16xi32> to vector<16xi32>
      %swap3A_497 = vector.shape_cast %and3A_492 : vector<16xi32> to vector<1x16xi32>
      tpu.vector_store %arg6[%swap3A_493, %swap3A_494], %swap3A_497 {strides = array<i32>} : memref<80x128xi32, #tpu.memory_space<vmem>>, vector<1x16xi32>,
      %shift_right_logical3A_498 = arith.constant 16 : i32
      %shift_right_logical3A_499 = vector.broadcast %shift_right_logical3A_498 : i32 to vector<16xi32>
      %shift_right_logical3A_500 = arith.shrui %get3A_489, %shift_right_logical3A_499 : vector<16xi32>
      %swap3A_501 = arith.index_cast %scan3A_348 : i32 to index
      %swap3A_502 = arith.constant 112 : index
      %swap3A_503 = tpu.vector_load %arg7[%swap3A_501, %swap3A_502] {strides = array<i32>} : memref<80x128xi32, #tpu.memory_space<vmem>>, vector<1x16xi32>,
      %swap3A_504 = vector.shape_cast %swap3A_503 : vector<1x16xi32> to vector<16xi32>
      %swap3A_505 = vector.shape_cast %shift_right_logical3A_500 : vector<16xi32> to vector<1x16xi32>
      tpu.vector_store %arg7[%swap3A_501, %swap3A_502], %swap3A_505 {strides = array<i32>} : memref<80x128xi32, #tpu.memory_space<vmem>>, vector<1x16xi32>,
    }
    %scan3A_94 = arith.constant 80 : i32
    %barrier3A = arith.constant 0 : index
    tpu.barrier barrier_id(%barrier3A)
    %dma_start3A_95 = arith.constant 0 : i32
    %dma_start3A_96 = arith.constant 0 : i32
    %dma_start3A_97 = arith.constant 0 : i32
    %dma_start3A_98 = arith.constant 0 : i32
    %dma_start3A_99 = arith.constant 0 : i32
    %dma_start3A_100 = tpu.memref_slice %arg8[%dma_start3A_96, %dma_start3A_98, %dma_start3A_99] : memref<8x128x48xbf16, #tpu.memory_space<vmem>> -> memref<1x128x48xbf16, #tpu.memory_space<vmem>>
    %dma_start3A_101 = tpu.memref_squeeze %dma_start3A_100 : memref<1x128x48xbf16, #tpu.memory_space<vmem>> -> memref<128x48xbf16, #tpu.memory_space<vmem>>
    %dma_start3A_102 = arith.constant 0 : i32
    %dma_start3A_103 = tpu.memref_slice %arg6[%dma_start3A_95, %dma_start3A_102] : memref<80x128xi32, #tpu.memory_space<vmem>> -> memref<1x128xi32, #tpu.memory_space<vmem>>
    %dma_start3A_104 = tpu.memref_squeeze %dma_start3A_103 : memref<1x128xi32, #tpu.memory_space<vmem>> -> memref<128xi32, #tpu.memory_space<vmem>>
    %dma_start3A_105 = arith.constant 0 : i32
    %dma_start3A_106 = arith.constant 0 : i32
    %dma_start3A_107 = tpu.memref_slice %arg11[%dma_start3A_105, %dma_start3A_106] : memref<10240x48xbf16, #tpu.memory_space<vmem_shared>> -> memref<10240x48xbf16, #tpu.memory_space<vmem_shared>>
    %dma_start3A_108 = tpu.memref_slice %arg13[%dma_start3A_97] : memref<8x!tpu.dma_semaphore, #tpu.memory_space<semaphore_mem>> -> memref<1x!tpu.dma_semaphore, #tpu.memory_space<semaphore_mem>>
    %dma_start3A_109 = tpu.memref_squeeze %dma_start3A_108 : memref<1x!tpu.dma_semaphore, #tpu.memory_space<semaphore_mem>> -> memref<!tpu.dma_semaphore, #tpu.memory_space<semaphore_mem>>
    tpu.enqueue_indirect_dma source(%dma_start3A_107 : memref<10240x48xbf16, #tpu.memory_space<vmem_shared>>) target(%dma_start3A_101 : memref<128x48xbf16, #tpu.memory_space<vmem>>) offsets(%dma_start3A_104 : memref<128xi32, #tpu.memory_space<vmem>>) semaphore(%dma_start3A_109 : memref<!tpu.dma_semaphore, #tpu.memory_space<semaphore_mem>>)
    %dma_start3A_110 = arith.constant 1 : i32
    %dma_start3A_111 = arith.constant 1 : i32
    %dma_start3A_112 = arith.constant 1 : i32
    %dma_start3A_113 = arith.constant 0 : i32
    %dma_start3A_114 = arith.constant 0 : i32
    %dma_start3A_115 = tpu.memref_slice %arg8[%dma_start3A_111, %dma_start3A_113, %dma_start3A_114] : memref<8x128x48xbf16, #tpu.memory_space<vmem>> -> memref<1x128x48xbf16, #tpu.memory_space<vmem>>
    %dma_start3A_116 = tpu.memref_squeeze %dma_start3A_115 : memref<1x128x48xbf16, #tpu.memory_space<vmem>> -> memref<128x48xbf16, #tpu.memory_space<vmem>>
    %dma_start3A_117 = arith.constant 0 : i32
    %dma_start3A_118 = tpu.memref_slice %arg6[%dma_start3A_110, %dma_start3A_117] : memref<80x128xi32, #tpu.memory_space<vmem>> -> memref<1x128xi32, #tpu.memory_space<vmem>>
    %dma_start3A_119 = tpu.memref_squeeze %dma_start3A_118 : memref<1x128xi32, #tpu.memory_space<vmem>> -> memref<128xi32, #tpu.memory_space<vmem>>
    %dma_start3A_120 = arith.constant 0 : i32
    %dma_start3A_121 = arith.constant 0 : i32
    %dma_start3A_122 = tpu.memref_slice %arg11[%dma_start3A_120, %dma_start3A_121] : memref<10240x48xbf16, #tpu.memory_space<vmem_shared>> -> memref<10240x48xbf16, #tpu.memory_space<vmem_shared>>
    %dma_start3A_123 = tpu.memref_slice %arg13[%dma_start3A_112] : memref<8x!tpu.dma_semaphore, #tpu.memory_space<semaphore_mem>> -> memref<1x!tpu.dma_semaphore, #tpu.memory_space<semaphore_mem>>
    %dma_start3A_124 = tpu.memref_squeeze %dma_start3A_123 : memref<1x!tpu.dma_semaphore, #tpu.memory_space<semaphore_mem>> -> memref<!tpu.dma_semaphore, #tpu.memory_space<semaphore_mem>>
    tpu.enqueue_indirect_dma source(%dma_start3A_122 : memref<10240x48xbf16, #tpu.memory_space<vmem_shared>>) target(%dma_start3A_116 : memref<128x48xbf16, #tpu.memory_space<vmem>>) offsets(%dma_start3A_119 : memref<128xi32, #tpu.memory_space<vmem>>) semaphore(%dma_start3A_124 : memref<!tpu.dma_semaphore, #tpu.memory_space<semaphore_mem>>)
    %dma_start3A_125 = arith.constant 2 : i32
    %dma_start3A_126 = arith.constant 2 : i32
    %dma_start3A_127 = arith.constant 2 : i32
    %dma_start3A_128 = arith.constant 0 : i32
    %dma_start3A_129 = arith.constant 0 : i32
    %dma_start3A_130 = tpu.memref_slice %arg8[%dma_start3A_126, %dma_start3A_128, %dma_start3A_129] : memref<8x128x48xbf16, #tpu.memory_space<vmem>> -> memref<1x128x48xbf16, #tpu.memory_space<vmem>>
    %dma_start3A_131 = tpu.memref_squeeze %dma_start3A_130 : memref<1x128x48xbf16, #tpu.memory_space<vmem>> -> memref<128x48xbf16, #tpu.memory_space<vmem>>
    %dma_start3A_132 = arith.constant 0 : i32
    %dma_start3A_133 = tpu.memref_slice %arg6[%dma_start3A_125, %dma_start3A_132] : memref<80x128xi32, #tpu.memory_space<vmem>> -> memref<1x128xi32, #tpu.memory_space<vmem>>
    %dma_start3A_134 = tpu.memref_squeeze %dma_start3A_133 : memref<1x128xi32, #tpu.memory_space<vmem>> -> memref<128xi32, #tpu.memory_space<vmem>>
    %dma_start3A_135 = arith.constant 0 : i32
    %dma_start3A_136 = arith.constant 0 : i32
    %dma_start3A_137 = tpu.memref_slice %arg11[%dma_start3A_135, %dma_start3A_136] : memref<10240x48xbf16, #tpu.memory_space<vmem_shared>> -> memref<10240x48xbf16, #tpu.memory_space<vmem_shared>>
    %dma_start3A_138 = tpu.memref_slice %arg13[%dma_start3A_127] : memref<8x!tpu.dma_semaphore, #tpu.memory_space<semaphore_mem>> -> memref<1x!tpu.dma_semaphore, #tpu.memory_space<semaphore_mem>>
    %dma_start3A_139 = tpu.memref_squeeze %dma_start3A_138 : memref<1x!tpu.dma_semaphore, #tpu.memory_space<semaphore_mem>> -> memref<!tpu.dma_semaphore, #tpu.memory_space<semaphore_mem>>
    tpu.enqueue_indirect_dma source(%dma_start3A_137 : memref<10240x48xbf16, #tpu.memory_space<vmem_shared>>) target(%dma_start3A_131 : memref<128x48xbf16, #tpu.memory_space<vmem>>) offsets(%dma_start3A_134 : memref<128xi32, #tpu.memory_space<vmem>>) semaphore(%dma_start3A_139 : memref<!tpu.dma_semaphore, #tpu.memory_space<semaphore_mem>>)
    %dma_start3A_140 = arith.constant 3 : i32
    %dma_start3A_141 = arith.constant 3 : i32
    %dma_start3A_142 = arith.constant 3 : i32
    %dma_start3A_143 = arith.constant 0 : i32
    %dma_start3A_144 = arith.constant 0 : i32
    %dma_start3A_145 = tpu.memref_slice %arg8[%dma_start3A_141, %dma_start3A_143, %dma_start3A_144] : memref<8x128x48xbf16, #tpu.memory_space<vmem>> -> memref<1x128x48xbf16, #tpu.memory_space<vmem>>
    %dma_start3A_146 = tpu.memref_squeeze %dma_start3A_145 : memref<1x128x48xbf16, #tpu.memory_space<vmem>> -> memref<128x48xbf16, #tpu.memory_space<vmem>>
    %dma_start3A_147 = arith.constant 0 : i32
    %dma_start3A_148 = tpu.memref_slice %arg6[%dma_start3A_140, %dma_start3A_147] : memref<80x128xi32, #tpu.memory_space<vmem>> -> memref<1x128xi32, #tpu.memory_space<vmem>>
    %dma_start3A_149 = tpu.memref_squeeze %dma_start3A_148 : memref<1x128xi32, #tpu.memory_space<vmem>> -> memref<128xi32, #tpu.memory_space<vmem>>
    %dma_start3A_150 = arith.constant 0 : i32
    %dma_start3A_151 = arith.constant 0 : i32
    %dma_start3A_152 = tpu.memref_slice %arg11[%dma_start3A_150, %dma_start3A_151] : memref<10240x48xbf16, #tpu.memory_space<vmem_shared>> -> memref<10240x48xbf16, #tpu.memory_space<vmem_shared>>
    %dma_start3A_153 = tpu.memref_slice %arg13[%dma_start3A_142] : memref<8x!tpu.dma_semaphore, #tpu.memory_space<semaphore_mem>> -> memref<1x!tpu.dma_semaphore, #tpu.memory_space<semaphore_mem>>
    %dma_start3A_154 = tpu.memref_squeeze %dma_start3A_153 : memref<1x!tpu.dma_semaphore, #tpu.memory_space<semaphore_mem>> -> memref<!tpu.dma_semaphore, #tpu.memory_space<semaphore_mem>>
    tpu.enqueue_indirect_dma source(%dma_start3A_152 : memref<10240x48xbf16, #tpu.memory_space<vmem_shared>>) target(%dma_start3A_146 : memref<128x48xbf16, #tpu.memory_space<vmem>>) offsets(%dma_start3A_149 : memref<128xi32, #tpu.memory_space<vmem>>) semaphore(%dma_start3A_154 : memref<!tpu.dma_semaphore, #tpu.memory_space<semaphore_mem>>)
    %dma_start3A_155 = arith.constant 4 : i32
    %dma_start3A_156 = arith.constant 4 : i32
    %dma_start3A_157 = arith.constant 4 : i32
    %dma_start3A_158 = arith.constant 0 : i32
    %dma_start3A_159 = arith.constant 0 : i32
    %dma_start3A_160 = tpu.memref_slice %arg8[%dma_start3A_156, %dma_start3A_158, %dma_start3A_159] : memref<8x128x48xbf16, #tpu.memory_space<vmem>> -> memref<1x128x48xbf16, #tpu.memory_space<vmem>>
    %dma_start3A_161 = tpu.memref_squeeze %dma_start3A_160 : memref<1x128x48xbf16, #tpu.memory_space<vmem>> -> memref<128x48xbf16, #tpu.memory_space<vmem>>
    %dma_start3A_162 = arith.constant 0 : i32
    %dma_start3A_163 = tpu.memref_slice %arg6[%dma_start3A_155, %dma_start3A_162] : memref<80x128xi32, #tpu.memory_space<vmem>> -> memref<1x128xi32, #tpu.memory_space<vmem>>
    %dma_start3A_164 = tpu.memref_squeeze %dma_start3A_163 : memref<1x128xi32, #tpu.memory_space<vmem>> -> memref<128xi32, #tpu.memory_space<vmem>>
    %dma_start3A_165 = arith.constant 0 : i32
    %dma_start3A_166 = arith.constant 0 : i32
    %dma_start3A_167 = tpu.memref_slice %arg11[%dma_start3A_165, %dma_start3A_166] : memref<10240x48xbf16, #tpu.memory_space<vmem_shared>> -> memref<10240x48xbf16, #tpu.memory_space<vmem_shared>>
    %dma_start3A_168 = tpu.memref_slice %arg13[%dma_start3A_157] : memref<8x!tpu.dma_semaphore, #tpu.memory_space<semaphore_mem>> -> memref<1x!tpu.dma_semaphore, #tpu.memory_space<semaphore_mem>>
    %dma_start3A_169 = tpu.memref_squeeze %dma_start3A_168 : memref<1x!tpu.dma_semaphore, #tpu.memory_space<semaphore_mem>> -> memref<!tpu.dma_semaphore, #tpu.memory_space<semaphore_mem>>
    tpu.enqueue_indirect_dma source(%dma_start3A_167 : memref<10240x48xbf16, #tpu.memory_space<vmem_shared>>) target(%dma_start3A_161 : memref<128x48xbf16, #tpu.memory_space<vmem>>) offsets(%dma_start3A_164 : memref<128xi32, #tpu.memory_space<vmem>>) semaphore(%dma_start3A_169 : memref<!tpu.dma_semaphore, #tpu.memory_space<semaphore_mem>>)
    %dma_start3A_170 = arith.constant 5 : i32
    %dma_start3A_171 = arith.constant 5 : i32
    %dma_start3A_172 = arith.constant 5 : i32
    %dma_start3A_173 = arith.constant 0 : i32
    %dma_start3A_174 = arith.constant 0 : i32
    %dma_start3A_175 = tpu.memref_slice %arg8[%dma_start3A_171, %dma_start3A_173, %dma_start3A_174] : memref<8x128x48xbf16, #tpu.memory_space<vmem>> -> memref<1x128x48xbf16, #tpu.memory_space<vmem>>
    %dma_start3A_176 = tpu.memref_squeeze %dma_start3A_175 : memref<1x128x48xbf16, #tpu.memory_space<vmem>> -> memref<128x48xbf16, #tpu.memory_space<vmem>>
    %dma_start3A_177 = arith.constant 0 : i32
    %dma_start3A_178 = tpu.memref_slice %arg6[%dma_start3A_170, %dma_start3A_177] : memref<80x128xi32, #tpu.memory_space<vmem>> -> memref<1x128xi32, #tpu.memory_space<vmem>>
    %dma_start3A_179 = tpu.memref_squeeze %dma_start3A_178 : memref<1x128xi32, #tpu.memory_space<vmem>> -> memref<128xi32, #tpu.memory_space<vmem>>
    %dma_start3A_180 = arith.constant 0 : i32
    %dma_start3A_181 = arith.constant 0 : i32
    %dma_start3A_182 = tpu.memref_slice %arg11[%dma_start3A_180, %dma_start3A_181] : memref<10240x48xbf16, #tpu.memory_space<vmem_shared>> -> memref<10240x48xbf16, #tpu.memory_space<vmem_shared>>
    %dma_start3A_183 = tpu.memref_slice %arg13[%dma_start3A_172] : memref<8x!tpu.dma_semaphore, #tpu.memory_space<semaphore_mem>> -> memref<1x!tpu.dma_semaphore, #tpu.memory_space<semaphore_mem>>
    %dma_start3A_184 = tpu.memref_squeeze %dma_start3A_183 : memref<1x!tpu.dma_semaphore, #tpu.memory_space<semaphore_mem>> -> memref<!tpu.dma_semaphore, #tpu.memory_space<semaphore_mem>>
    tpu.enqueue_indirect_dma source(%dma_start3A_182 : memref<10240x48xbf16, #tpu.memory_space<vmem_shared>>) target(%dma_start3A_176 : memref<128x48xbf16, #tpu.memory_space<vmem>>) offsets(%dma_start3A_179 : memref<128xi32, #tpu.memory_space<vmem>>) semaphore(%dma_start3A_184 : memref<!tpu.dma_semaphore, #tpu.memory_space<semaphore_mem>>)
    %dma_start3A_185 = arith.constant 6 : i32
    %dma_start3A_186 = arith.constant 6 : i32
    %dma_start3A_187 = arith.constant 6 : i32
    %dma_start3A_188 = arith.constant 0 : i32
    %dma_start3A_189 = arith.constant 0 : i32
    %dma_start3A_190 = tpu.memref_slice %arg8[%dma_start3A_186, %dma_start3A_188, %dma_start3A_189] : memref<8x128x48xbf16, #tpu.memory_space<vmem>> -> memref<1x128x48xbf16, #tpu.memory_space<vmem>>
    %dma_start3A_191 = tpu.memref_squeeze %dma_start3A_190 : memref<1x128x48xbf16, #tpu.memory_space<vmem>> -> memref<128x48xbf16, #tpu.memory_space<vmem>>
    %dma_start3A_192 = arith.constant 0 : i32
    %dma_start3A_193 = tpu.memref_slice %arg6[%dma_start3A_185, %dma_start3A_192] : memref<80x128xi32, #tpu.memory_space<vmem>> -> memref<1x128xi32, #tpu.memory_space<vmem>>
    %dma_start3A_194 = tpu.memref_squeeze %dma_start3A_193 : memref<1x128xi32, #tpu.memory_space<vmem>> -> memref<128xi32, #tpu.memory_space<vmem>>
    %dma_start3A_195 = arith.constant 0 : i32
    %dma_start3A_196 = arith.constant 0 : i32
    %dma_start3A_197 = tpu.memref_slice %arg11[%dma_start3A_195, %dma_start3A_196] : memref<10240x48xbf16, #tpu.memory_space<vmem_shared>> -> memref<10240x48xbf16, #tpu.memory_space<vmem_shared>>
    %dma_start3A_198 = tpu.memref_slice %arg13[%dma_start3A_187] : memref<8x!tpu.dma_semaphore, #tpu.memory_space<semaphore_mem>> -> memref<1x!tpu.dma_semaphore, #tpu.memory_space<semaphore_mem>>
    %dma_start3A_199 = tpu.memref_squeeze %dma_start3A_198 : memref<1x!tpu.dma_semaphore, #tpu.memory_space<semaphore_mem>> -> memref<!tpu.dma_semaphore, #tpu.memory_space<semaphore_mem>>
    tpu.enqueue_indirect_dma source(%dma_start3A_197 : memref<10240x48xbf16, #tpu.memory_space<vmem_shared>>) target(%dma_start3A_191 : memref<128x48xbf16, #tpu.memory_space<vmem>>) offsets(%dma_start3A_194 : memref<128xi32, #tpu.memory_space<vmem>>) semaphore(%dma_start3A_199 : memref<!tpu.dma_semaphore, #tpu.memory_space<semaphore_mem>>)
    %dma_start3A_200 = arith.constant 7 : i32
    %dma_start3A_201 = arith.constant 7 : i32
    %dma_start3A_202 = arith.constant 7 : i32
    %dma_start3A_203 = arith.constant 0 : i32
    %dma_start3A_204 = arith.constant 0 : i32
    %dma_start3A_205 = tpu.memref_slice %arg8[%dma_start3A_201, %dma_start3A_203, %dma_start3A_204] : memref<8x128x48xbf16, #tpu.memory_space<vmem>> -> memref<1x128x48xbf16, #tpu.memory_space<vmem>>
    %dma_start3A_206 = tpu.memref_squeeze %dma_start3A_205 : memref<1x128x48xbf16, #tpu.memory_space<vmem>> -> memref<128x48xbf16, #tpu.memory_space<vmem>>
    %dma_start3A_207 = arith.constant 0 : i32
    %dma_start3A_208 = tpu.memref_slice %arg6[%dma_start3A_200, %dma_start3A_207] : memref<80x128xi32, #tpu.memory_space<vmem>> -> memref<1x128xi32, #tpu.memory_space<vmem>>
    %dma_start3A_209 = tpu.memref_squeeze %dma_start3A_208 : memref<1x128xi32, #tpu.memory_space<vmem>> -> memref<128xi32, #tpu.memory_space<vmem>>
    %dma_start3A_210 = arith.constant 0 : i32
    %dma_start3A_211 = arith.constant 0 : i32
    %dma_start3A_212 = tpu.memref_slice %arg11[%dma_start3A_210, %dma_start3A_211] : memref<10240x48xbf16, #tpu.memory_space<vmem_shared>> -> memref<10240x48xbf16, #tpu.memory_space<vmem_shared>>
    %dma_start3A_213 = tpu.memref_slice %arg13[%dma_start3A_202] : memref<8x!tpu.dma_semaphore, #tpu.memory_space<semaphore_mem>> -> memref<1x!tpu.dma_semaphore, #tpu.memory_space<semaphore_mem>>
    %dma_start3A_214 = tpu.memref_squeeze %dma_start3A_213 : memref<1x!tpu.dma_semaphore, #tpu.memory_space<semaphore_mem>> -> memref<!tpu.dma_semaphore, #tpu.memory_space<semaphore_mem>>
    tpu.enqueue_indirect_dma source(%dma_start3A_212 : memref<10240x48xbf16, #tpu.memory_space<vmem_shared>>) target(%dma_start3A_206 : memref<128x48xbf16, #tpu.memory_space<vmem>>) offsets(%dma_start3A_209 : memref<128xi32, #tpu.memory_space<vmem>>) semaphore(%dma_start3A_214 : memref<!tpu.dma_semaphore, #tpu.memory_space<semaphore_mem>>)
    %scan3A_215 = arith.constant 0 : i32
    %scan3A_216 = arith.constant 0 : i32
    %scan3A_217 = arith.constant 10 : i32
    %scan3A_218 = arith.addi %scan3A_216, %scan3A_217 : i32
    %scan3A_219 = arith.constant 1 : i32
    scf.for %scan3A_348 = %scan3A_216 to %scan3A_218 step %scan3A_219  : i32 {
      %mul3A_349 = arith.constant 8 : i32
      %mul3A_350 = arith.muli %scan3A_348, %mul3A_349 : i32
      %add3A_351 = arith.constant 0 : i32
      %add3A_352 = arith.addi %mul3A_350, %add3A_351 : i32
      %dma_wait3A_353 = arith.constant 0 : i32
      %dma_wait3A_354 = arith.constant 0 : i32
      %dma_wait3A_355 = arith.constant 0 : i32
      %dma_wait3A_356 = arith.constant 0 : i32
      %dma_wait3A_357 = tpu.memref_slice %arg8[%dma_wait3A_353, %dma_wait3A_355, %dma_wait3A_356] : memref<8x128x48xbf16, #tpu.memory_space<vmem>> -> memref<1x128x48xbf16, #tpu.memory_space<vmem>>
      %dma_wait3A_358 = tpu.memref_squeeze %dma_wait3A_357 : memref<1x128x48xbf16, #tpu.memory_space<vmem>> -> memref<128x48xbf16, #tpu.memory_space<vmem>>
      %dma_wait3A_359 = arith.constant 0 : i32
      %dma_wait3A_360 = tpu.memref_slice %arg6[%add3A_352, %dma_wait3A_359] : memref<80x128xi32, #tpu.memory_space<vmem>> -> memref<1x128xi32, #tpu.memory_space<vmem>>
      %dma_wait3A_361 = tpu.memref_squeeze %dma_wait3A_360 : memref<1x128xi32, #tpu.memory_space<vmem>> -> memref<128xi32, #tpu.memory_space<vmem>>
      %dma_wait3A_362 = arith.constant 0 : i32
      %dma_wait3A_363 = arith.constant 0 : i32
      %dma_wait3A_364 = tpu.memref_slice %arg11[%dma_wait3A_362, %dma_wait3A_363] : memref<10240x48xbf16, #tpu.memory_space<vmem_shared>> -> memref<10240x48xbf16, #tpu.memory_space<vmem_shared>>
      %dma_wait3A_365 = tpu.memref_slice %arg13[%dma_wait3A_354] : memref<8x!tpu.dma_semaphore, #tpu.memory_space<semaphore_mem>> -> memref<1x!tpu.dma_semaphore, #tpu.memory_space<semaphore_mem>>
      %dma_wait3A_366 = tpu.memref_squeeze %dma_wait3A_365 : memref<1x!tpu.dma_semaphore, #tpu.memory_space<semaphore_mem>> -> memref<!tpu.dma_semaphore, #tpu.memory_space<semaphore_mem>>
      tpu.wait_indirect_dma semaphore(%dma_wait3A_366 : memref<!tpu.dma_semaphore, #tpu.memory_space<semaphore_mem>>) src(%dma_wait3A_364 : memref<10240x48xbf16, #tpu.memory_space<vmem_shared>>) dst(%dma_wait3A_358 : memref<128x48xbf16, #tpu.memory_space<vmem>>)
      %dma_start3A_367 = arith.constant 0 : i32
      %dma_start3A_368 = arith.constant 0 : i32
      %dma_start3A_369 = arith.constant 0 : i32
      %dma_start3A_370 = arith.constant 0 : i32
      %dma_start3A_371 = tpu.memref_slice %arg8[%dma_start3A_367, %dma_start3A_369, %dma_start3A_370] : memref<8x128x48xbf16, #tpu.memory_space<vmem>> -> memref<1x128x48xbf16, #tpu.memory_space<vmem>>
      %dma_start3A_372 = tpu.memref_squeeze %dma_start3A_371 : memref<1x128x48xbf16, #tpu.memory_space<vmem>> -> memref<128x48xbf16, #tpu.memory_space<vmem>>
      %dma_start3A_373 = arith.constant 0 : i32
      %dma_start3A_374 = tpu.memref_slice %arg7[%add3A_352, %dma_start3A_373] : memref<80x128xi32, #tpu.memory_space<vmem>> -> memref<1x128xi32, #tpu.memory_space<vmem>>
      %dma_start3A_375 = tpu.memref_squeeze %dma_start3A_374 : memref<1x128xi32, #tpu.memory_space<vmem>> -> memref<128xi32, #tpu.memory_space<vmem>>
      %dma_start3A_376 = arith.constant 0 : i32
      %dma_start3A_377 = arith.constant 0 : i32
      %dma_start3A_378 = tpu.memref_slice %arg12[%dma_start3A_376, %dma_start3A_377] : memref<10240x48xbf16, #tpu.memory_space<vmem_shared>> -> memref<10240x48xbf16, #tpu.memory_space<vmem_shared>>
      %dma_start3A_379 = tpu.memref_slice %arg14[%dma_start3A_368] : memref<8x!tpu.dma_semaphore, #tpu.memory_space<semaphore_mem>> -> memref<1x!tpu.dma_semaphore, #tpu.memory_space<semaphore_mem>>
      %dma_start3A_380 = tpu.memref_squeeze %dma_start3A_379 : memref<1x!tpu.dma_semaphore, #tpu.memory_space<semaphore_mem>> -> memref<!tpu.dma_semaphore, #tpu.memory_space<semaphore_mem>>
      tpu.enqueue_indirect_dma source(%dma_start3A_372 : memref<128x48xbf16, #tpu.memory_space<vmem>>) target(%dma_start3A_378 : memref<10240x48xbf16, #tpu.memory_space<vmem_shared>>) offsets(%dma_start3A_375 : memref<128xi32, #tpu.memory_space<vmem>>) semaphore(%dma_start3A_380 : memref<!tpu.dma_semaphore, #tpu.memory_space<semaphore_mem>>) {add = true}
      %mul3A_381 = arith.constant 8 : i32
      %mul3A_382 = arith.muli %scan3A_348, %mul3A_381 : i32
      %add3A_383 = arith.constant 1 : i32
      %add3A_384 = arith.addi %mul3A_382, %add3A_383 : i32
      %dma_wait3A_385 = arith.constant 1 : i32
      %dma_wait3A_386 = arith.constant 1 : i32
      %dma_wait3A_387 = arith.constant 0 : i32
      %dma_wait3A_388 = arith.constant 0 : i32
      %dma_wait3A_389 = tpu.memref_slice %arg8[%dma_wait3A_385, %dma_wait3A_387, %dma_wait3A_388] : memref<8x128x48xbf16, #tpu.memory_space<vmem>> -> memref<1x128x48xbf16, #tpu.memory_space<vmem>>
      %dma_wait3A_390 = tpu.memref_squeeze %dma_wait3A_389 : memref<1x128x48xbf16, #tpu.memory_space<vmem>> -> memref<128x48xbf16, #tpu.memory_space<vmem>>
      %dma_wait3A_391 = arith.constant 0 : i32
      %dma_wait3A_392 = tpu.memref_slice %arg6[%add3A_384, %dma_wait3A_391] : memref<80x128xi32, #tpu.memory_space<vmem>> -> memref<1x128xi32, #tpu.memory_space<vmem>>
      %dma_wait3A_393 = tpu.memref_squeeze %dma_wait3A_392 : memref<1x128xi32, #tpu.memory_space<vmem>> -> memref<128xi32, #tpu.memory_space<vmem>>
      %dma_wait3A_394 = arith.constant 0 : i32
      %dma_wait3A_395 = arith.constant 0 : i32
      %dma_wait3A_396 = tpu.memref_slice %arg11[%dma_wait3A_394, %dma_wait3A_395] : memref<10240x48xbf16, #tpu.memory_space<vmem_shared>> -> memref<10240x48xbf16, #tpu.memory_space<vmem_shared>>
      %dma_wait3A_397 = tpu.memref_slice %arg13[%dma_wait3A_386] : memref<8x!tpu.dma_semaphore, #tpu.memory_space<semaphore_mem>> -> memref<1x!tpu.dma_semaphore, #tpu.memory_space<semaphore_mem>>
      %dma_wait3A_398 = tpu.memref_squeeze %dma_wait3A_397 : memref<1x!tpu.dma_semaphore, #tpu.memory_space<semaphore_mem>> -> memref<!tpu.dma_semaphore, #tpu.memory_space<semaphore_mem>>
      tpu.wait_indirect_dma semaphore(%dma_wait3A_398 : memref<!tpu.dma_semaphore, #tpu.memory_space<semaphore_mem>>) src(%dma_wait3A_396 : memref<10240x48xbf16, #tpu.memory_space<vmem_shared>>) dst(%dma_wait3A_390 : memref<128x48xbf16, #tpu.memory_space<vmem>>)
      %dma_start3A_399 = arith.constant 1 : i32
      %dma_start3A_400 = arith.constant 1 : i32
      %dma_start3A_401 = arith.constant 0 : i32
      %dma_start3A_402 = arith.constant 0 : i32
      %dma_start3A_403 = tpu.memref_slice %arg8[%dma_start3A_399, %dma_start3A_401, %dma_start3A_402] : memref<8x128x48xbf16, #tpu.memory_space<vmem>> -> memref<1x128x48xbf16, #tpu.memory_space<vmem>>
      %dma_start3A_404 = tpu.memref_squeeze %dma_start3A_403 : memref<1x128x48xbf16, #tpu.memory_space<vmem>> -> memref<128x48xbf16, #tpu.memory_space<vmem>>
      %dma_start3A_405 = arith.constant 0 : i32
      %dma_start3A_406 = tpu.memref_slice %arg7[%add3A_384, %dma_start3A_405] : memref<80x128xi32, #tpu.memory_space<vmem>> -> memref<1x128xi32, #tpu.memory_space<vmem>>
      %dma_start3A_407 = tpu.memref_squeeze %dma_start3A_406 : memref<1x128xi32, #tpu.memory_space<vmem>> -> memref<128xi32, #tpu.memory_space<vmem>>
      %dma_start3A_408 = arith.constant 0 : i32
      %dma_start3A_409 = arith.constant 0 : i32
      %dma_start3A_410 = tpu.memref_slice %arg12[%dma_start3A_408, %dma_start3A_409] : memref<10240x48xbf16, #tpu.memory_space<vmem_shared>> -> memref<10240x48xbf16, #tpu.memory_space<vmem_shared>>
      %dma_start3A_411 = tpu.memref_slice %arg14[%dma_start3A_400] : memref<8x!tpu.dma_semaphore, #tpu.memory_space<semaphore_mem>> -> memref<1x!tpu.dma_semaphore, #tpu.memory_space<semaphore_mem>>
      %dma_start3A_412 = tpu.memref_squeeze %dma_start3A_411 : memref<1x!tpu.dma_semaphore, #tpu.memory_space<semaphore_mem>> -> memref<!tpu.dma_semaphore, #tpu.memory_space<semaphore_mem>>
      tpu.enqueue_indirect_dma source(%dma_start3A_404 : memref<128x48xbf16, #tpu.memory_space<vmem>>) target(%dma_start3A_410 : memref<10240x48xbf16, #tpu.memory_space<vmem_shared>>) offsets(%dma_start3A_407 : memref<128xi32, #tpu.memory_space<vmem>>) semaphore(%dma_start3A_412 : memref<!tpu.dma_semaphore, #tpu.memory_space<semaphore_mem>>) {add = true}
      %mul3A_413 = arith.constant 8 : i32
      %mul3A_414 = arith.muli %scan3A_348, %mul3A_413 : i32
      %add3A_415 = arith.constant 2 : i32
      %add3A_416 = arith.addi %mul3A_414, %add3A_415 : i32
      %dma_wait3A_417 = arith.constant 2 : i32
      %dma_wait3A_418 = arith.constant 2 : i32
      %dma_wait3A_419 = arith.constant 0 : i32
      %dma_wait3A_420 = arith.constant 0 : i32
      %dma_wait3A_421 = tpu.memref_slice %arg8[%dma_wait3A_417, %dma_wait3A_419, %dma_wait3A_420] : memref<8x128x48xbf16, #tpu.memory_space<vmem>> -> memref<1x128x48xbf16, #tpu.memory_space<vmem>>
      %dma_wait3A_422 = tpu.memref_squeeze %dma_wait3A_421 : memref<1x128x48xbf16, #tpu.memory_space<vmem>> -> memref<128x48xbf16, #tpu.memory_space<vmem>>
      %dma_wait3A_423 = arith.constant 0 : i32
      %dma_wait3A_424 = tpu.memref_slice %arg6[%add3A_416, %dma_wait3A_423] : memref<80x128xi32, #tpu.memory_space<vmem>> -> memref<1x128xi32, #tpu.memory_space<vmem>>
      %dma_wait3A_425 = tpu.memref_squeeze %dma_wait3A_424 : memref<1x128xi32, #tpu.memory_space<vmem>> -> memref<128xi32, #tpu.memory_space<vmem>>
      %dma_wait3A_426 = arith.constant 0 : i32
      %dma_wait3A_427 = arith.constant 0 : i32
      %dma_wait3A_428 = tpu.memref_slice %arg11[%dma_wait3A_426, %dma_wait3A_427] : memref<10240x48xbf16, #tpu.memory_space<vmem_shared>> -> memref<10240x48xbf16, #tpu.memory_space<vmem_shared>>
      %dma_wait3A_429 = tpu.memref_slice %arg13[%dma_wait3A_418] : memref<8x!tpu.dma_semaphore, #tpu.memory_space<semaphore_mem>> -> memref<1x!tpu.dma_semaphore, #tpu.memory_space<semaphore_mem>>
      %dma_wait3A_430 = tpu.memref_squeeze %dma_wait3A_429 : memref<1x!tpu.dma_semaphore, #tpu.memory_space<semaphore_mem>> -> memref<!tpu.dma_semaphore, #tpu.memory_space<semaphore_mem>>
      tpu.wait_indirect_dma semaphore(%dma_wait3A_430 : memref<!tpu.dma_semaphore, #tpu.memory_space<semaphore_mem>>) src(%dma_wait3A_428 : memref<10240x48xbf16, #tpu.memory_space<vmem_shared>>) dst(%dma_wait3A_422 : memref<128x48xbf16, #tpu.memory_space<vmem>>)
      %dma_start3A_431 = arith.constant 2 : i32
      %dma_start3A_432 = arith.constant 2 : i32
      %dma_start3A_433 = arith.constant 0 : i32
      %dma_start3A_434 = arith.constant 0 : i32
      %dma_start3A_435 = tpu.memref_slice %arg8[%dma_start3A_431, %dma_start3A_433, %dma_start3A_434] : memref<8x128x48xbf16, #tpu.memory_space<vmem>> -> memref<1x128x48xbf16, #tpu.memory_space<vmem>>
      %dma_start3A_436 = tpu.memref_squeeze %dma_start3A_435 : memref<1x128x48xbf16, #tpu.memory_space<vmem>> -> memref<128x48xbf16, #tpu.memory_space<vmem>>
      %dma_start3A_437 = arith.constant 0 : i32
      %dma_start3A_438 = tpu.memref_slice %arg7[%add3A_416, %dma_start3A_437] : memref<80x128xi32, #tpu.memory_space<vmem>> -> memref<1x128xi32, #tpu.memory_space<vmem>>
      %dma_start3A_439 = tpu.memref_squeeze %dma_start3A_438 : memref<1x128xi32, #tpu.memory_space<vmem>> -> memref<128xi32, #tpu.memory_space<vmem>>
      %dma_start3A_440 = arith.constant 0 : i32
      %dma_start3A_441 = arith.constant 0 : i32
      %dma_start3A_442 = tpu.memref_slice %arg12[%dma_start3A_440, %dma_start3A_441] : memref<10240x48xbf16, #tpu.memory_space<vmem_shared>> -> memref<10240x48xbf16, #tpu.memory_space<vmem_shared>>
      %dma_start3A_443 = tpu.memref_slice %arg14[%dma_start3A_432] : memref<8x!tpu.dma_semaphore, #tpu.memory_space<semaphore_mem>> -> memref<1x!tpu.dma_semaphore, #tpu.memory_space<semaphore_mem>>
      %dma_start3A_444 = tpu.memref_squeeze %dma_start3A_443 : memref<1x!tpu.dma_semaphore, #tpu.memory_space<semaphore_mem>> -> memref<!tpu.dma_semaphore, #tpu.memory_space<semaphore_mem>>
      tpu.enqueue_indirect_dma source(%dma_start3A_436 : memref<128x48xbf16, #tpu.memory_space<vmem>>) target(%dma_start3A_442 : memref<10240x48xbf16, #tpu.memory_space<vmem_shared>>) offsets(%dma_start3A_439 : memref<128xi32, #tpu.memory_space<vmem>>) semaphore(%dma_start3A_444 : memref<!tpu.dma_semaphore, #tpu.memory_space<semaphore_mem>>) {add = true}
      %mul3A_445 = arith.constant 8 : i32
      %mul3A_446 = arith.muli %scan3A_348, %mul3A_445 : i32
      %add3A_447 = arith.constant 3 : i32
      %add3A_448 = arith.addi %mul3A_446, %add3A_447 : i32
      %dma_wait3A_449 = arith.constant 3 : i32
      %dma_wait3A_450 = arith.constant 3 : i32
      %dma_wait3A_451 = arith.constant 0 : i32
      %dma_wait3A_452 = arith.constant 0 : i32
      %dma_wait3A_453 = tpu.memref_slice %arg8[%dma_wait3A_449, %dma_wait3A_451, %dma_wait3A_452] : memref<8x128x48xbf16, #tpu.memory_space<vmem>> -> memref<1x128x48xbf16, #tpu.memory_space<vmem>>
      %dma_wait3A_454 = tpu.memref_squeeze %dma_wait3A_453 : memref<1x128x48xbf16, #tpu.memory_space<vmem>> -> memref<128x48xbf16, #tpu.memory_space<vmem>>
      %dma_wait3A_455 = arith.constant 0 : i32
      %dma_wait3A_456 = tpu.memref_slice %arg6[%add3A_448, %dma_wait3A_455] : memref<80x128xi32, #tpu.memory_space<vmem>> -> memref<1x128xi32, #tpu.memory_space<vmem>>
      %dma_wait3A_457 = tpu.memref_squeeze %dma_wait3A_456 : memref<1x128xi32, #tpu.memory_space<vmem>> -> memref<128xi32, #tpu.memory_space<vmem>>
      %dma_wait3A_458 = arith.constant 0 : i32
      %dma_wait3A_459 = arith.constant 0 : i32
      %dma_wait3A_460 = tpu.memref_slice %arg11[%dma_wait3A_458, %dma_wait3A_459] : memref<10240x48xbf16, #tpu.memory_space<vmem_shared>> -> memref<10240x48xbf16, #tpu.memory_space<vmem_shared>>
      %dma_wait3A_461 = tpu.memref_slice %arg13[%dma_wait3A_450] : memref<8x!tpu.dma_semaphore, #tpu.memory_space<semaphore_mem>> -> memref<1x!tpu.dma_semaphore, #tpu.memory_space<semaphore_mem>>
      %dma_wait3A_462 = tpu.memref_squeeze %dma_wait3A_461 : memref<1x!tpu.dma_semaphore, #tpu.memory_space<semaphore_mem>> -> memref<!tpu.dma_semaphore, #tpu.memory_space<semaphore_mem>>
      tpu.wait_indirect_dma semaphore(%dma_wait3A_462 : memref<!tpu.dma_semaphore, #tpu.memory_space<semaphore_mem>>) src(%dma_wait3A_460 : memref<10240x48xbf16, #tpu.memory_space<vmem_shared>>) dst(%dma_wait3A_454 : memref<128x48xbf16, #tpu.memory_space<vmem>>)
      %dma_start3A_463 = arith.constant 3 : i32
      %dma_start3A_464 = arith.constant 3 : i32
      %dma_start3A_465 = arith.constant 0 : i32
      %dma_start3A_466 = arith.constant 0 : i32
      %dma_start3A_467 = tpu.memref_slice %arg8[%dma_start3A_463, %dma_start3A_465, %dma_start3A_466] : memref<8x128x48xbf16, #tpu.memory_space<vmem>> -> memref<1x128x48xbf16, #tpu.memory_space<vmem>>
      %dma_start3A_468 = tpu.memref_squeeze %dma_start3A_467 : memref<1x128x48xbf16, #tpu.memory_space<vmem>> -> memref<128x48xbf16, #tpu.memory_space<vmem>>
      %dma_start3A_469 = arith.constant 0 : i32
      %dma_start3A_470 = tpu.memref_slice %arg7[%add3A_448, %dma_start3A_469] : memref<80x128xi32, #tpu.memory_space<vmem>> -> memref<1x128xi32, #tpu.memory_space<vmem>>
      %dma_start3A_471 = tpu.memref_squeeze %dma_start3A_470 : memref<1x128xi32, #tpu.memory_space<vmem>> -> memref<128xi32, #tpu.memory_space<vmem>>
      %dma_start3A_472 = arith.constant 0 : i32
      %dma_start3A_473 = arith.constant 0 : i32
      %dma_start3A_474 = tpu.memref_slice %arg12[%dma_start3A_472, %dma_start3A_473] : memref<10240x48xbf16, #tpu.memory_space<vmem_shared>> -> memref<10240x48xbf16, #tpu.memory_space<vmem_shared>>
      %dma_start3A_475 = tpu.memref_slice %arg14[%dma_start3A_464] : memref<8x!tpu.dma_semaphore, #tpu.memory_space<semaphore_mem>> -> memref<1x!tpu.dma_semaphore, #tpu.memory_space<semaphore_mem>>
      %dma_start3A_476 = tpu.memref_squeeze %dma_start3A_475 : memref<1x!tpu.dma_semaphore, #tpu.memory_space<semaphore_mem>> -> memref<!tpu.dma_semaphore, #tpu.memory_space<semaphore_mem>>
      tpu.enqueue_indirect_dma source(%dma_start3A_468 : memref<128x48xbf16, #tpu.memory_space<vmem>>) target(%dma_start3A_474 : memref<10240x48xbf16, #tpu.memory_space<vmem_shared>>) offsets(%dma_start3A_471 : memref<128xi32, #tpu.memory_space<vmem>>) semaphore(%dma_start3A_476 : memref<!tpu.dma_semaphore, #tpu.memory_space<semaphore_mem>>) {add = true}
      %mul3A_477 = arith.constant 8 : i32
      %mul3A_478 = arith.muli %scan3A_348, %mul3A_477 : i32
      %add3A_479 = arith.constant 4 : i32
      %add3A_480 = arith.addi %mul3A_478, %add3A_479 : i32
      %dma_wait3A_481 = arith.constant 4 : i32
      %dma_wait3A_482 = arith.constant 4 : i32
      %dma_wait3A_483 = arith.constant 0 : i32
      %dma_wait3A_484 = arith.constant 0 : i32
      %dma_wait3A_485 = tpu.memref_slice %arg8[%dma_wait3A_481, %dma_wait3A_483, %dma_wait3A_484] : memref<8x128x48xbf16, #tpu.memory_space<vmem>> -> memref<1x128x48xbf16, #tpu.memory_space<vmem>>
      %dma_wait3A_486 = tpu.memref_squeeze %dma_wait3A_485 : memref<1x128x48xbf16, #tpu.memory_space<vmem>> -> memref<128x48xbf16, #tpu.memory_space<vmem>>
      %dma_wait3A_487 = arith.constant 0 : i32
      %dma_wait3A_488 = tpu.memref_slice %arg6[%add3A_480, %dma_wait3A_487] : memref<80x128xi32, #tpu.memory_space<vmem>> -> memref<1x128xi32, #tpu.memory_space<vmem>>
      %dma_wait3A_489 = tpu.memref_squeeze %dma_wait3A_488 : memref<1x128xi32, #tpu.memory_space<vmem>> -> memref<128xi32, #tpu.memory_space<vmem>>
      %dma_wait3A_490 = arith.constant 0 : i32
      %dma_wait3A_491 = arith.constant 0 : i32
      %dma_wait3A_492 = tpu.memref_slice %arg11[%dma_wait3A_490, %dma_wait3A_491] : memref<10240x48xbf16, #tpu.memory_space<vmem_shared>> -> memref<10240x48xbf16, #tpu.memory_space<vmem_shared>>
      %dma_wait3A_493 = tpu.memref_slice %arg13[%dma_wait3A_482] : memref<8x!tpu.dma_semaphore, #tpu.memory_space<semaphore_mem>> -> memref<1x!tpu.dma_semaphore, #tpu.memory_space<semaphore_mem>>
      %dma_wait3A_494 = tpu.memref_squeeze %dma_wait3A_493 : memref<1x!tpu.dma_semaphore, #tpu.memory_space<semaphore_mem>> -> memref<!tpu.dma_semaphore, #tpu.memory_space<semaphore_mem>>
      tpu.wait_indirect_dma semaphore(%dma_wait3A_494 : memref<!tpu.dma_semaphore, #tpu.memory_space<semaphore_mem>>) src(%dma_wait3A_492 : memref<10240x48xbf16, #tpu.memory_space<vmem_shared>>) dst(%dma_wait3A_486 : memref<128x48xbf16, #tpu.memory_space<vmem>>)
      %dma_start3A_495 = arith.constant 4 : i32
      %dma_start3A_496 = arith.constant 4 : i32
      %dma_start3A_497 = arith.constant 0 : i32
      %dma_start3A_498 = arith.constant 0 : i32
      %dma_start3A_499 = tpu.memref_slice %arg8[%dma_start3A_495, %dma_start3A_497, %dma_start3A_498] : memref<8x128x48xbf16, #tpu.memory_space<vmem>> -> memref<1x128x48xbf16, #tpu.memory_space<vmem>>
      %dma_start3A_500 = tpu.memref_squeeze %dma_start3A_499 : memref<1x128x48xbf16, #tpu.memory_space<vmem>> -> memref<128x48xbf16, #tpu.memory_space<vmem>>
      %dma_start3A_501 = arith.constant 0 : i32
      %dma_start3A_502 = tpu.memref_slice %arg7[%add3A_480, %dma_start3A_501] : memref<80x128xi32, #tpu.memory_space<vmem>> -> memref<1x128xi32, #tpu.memory_space<vmem>>
      %dma_start3A_503 = tpu.memref_squeeze %dma_start3A_502 : memref<1x128xi32, #tpu.memory_space<vmem>> -> memref<128xi32, #tpu.memory_space<vmem>>
      %dma_start3A_504 = arith.constant 0 : i32
      %dma_start3A_505 = arith.constant 0 : i32
      %dma_start3A_506 = tpu.memref_slice %arg12[%dma_start3A_504, %dma_start3A_505] : memref<10240x48xbf16, #tpu.memory_space<vmem_shared>> -> memref<10240x48xbf16, #tpu.memory_space<vmem_shared>>
      %dma_start3A_507 = tpu.memref_slice %arg14[%dma_start3A_496] : memref<8x!tpu.dma_semaphore, #tpu.memory_space<semaphore_mem>> -> memref<1x!tpu.dma_semaphore, #tpu.memory_space<semaphore_mem>>
      %dma_start3A_508 = tpu.memref_squeeze %dma_start3A_507 : memref<1x!tpu.dma_semaphore, #tpu.memory_space<semaphore_mem>> -> memref<!tpu.dma_semaphore, #tpu.memory_space<semaphore_mem>>
      tpu.enqueue_indirect_dma source(%dma_start3A_500 : memref<128x48xbf16, #tpu.memory_space<vmem>>) target(%dma_start3A_506 : memref<10240x48xbf16, #tpu.memory_space<vmem_shared>>) offsets(%dma_start3A_503 : memref<128xi32, #tpu.memory_space<vmem>>) semaphore(%dma_start3A_508 : memref<!tpu.dma_semaphore, #tpu.memory_space<semaphore_mem>>) {add = true}
      %mul3A_509 = arith.constant 8 : i32
      %mul3A_510 = arith.muli %scan3A_348, %mul3A_509 : i32
      %add3A_511 = arith.constant 5 : i32
      %add3A_512 = arith.addi %mul3A_510, %add3A_511 : i32
      %dma_wait3A_513 = arith.constant 5 : i32
      %dma_wait3A_514 = arith.constant 5 : i32
      %dma_wait3A_515 = arith.constant 0 : i32
      %dma_wait3A_516 = arith.constant 0 : i32
      %dma_wait3A_517 = tpu.memref_slice %arg8[%dma_wait3A_513, %dma_wait3A_515, %dma_wait3A_516] : memref<8x128x48xbf16, #tpu.memory_space<vmem>> -> memref<1x128x48xbf16, #tpu.memory_space<vmem>>
      %dma_wait3A_518 = tpu.memref_squeeze %dma_wait3A_517 : memref<1x128x48xbf16, #tpu.memory_space<vmem>> -> memref<128x48xbf16, #tpu.memory_space<vmem>>
      %dma_wait3A_519 = arith.constant 0 : i32
      %dma_wait3A_520 = tpu.memref_slice %arg6[%add3A_512, %dma_wait3A_519] : memref<80x128xi32, #tpu.memory_space<vmem>> -> memref<1x128xi32, #tpu.memory_space<vmem>>
      %dma_wait3A_521 = tpu.memref_squeeze %dma_wait3A_520 : memref<1x128xi32, #tpu.memory_space<vmem>> -> memref<128xi32, #tpu.memory_space<vmem>>
      %dma_wait3A_522 = arith.constant 0 : i32
      %dma_wait3A_523 = arith.constant 0 : i32
      %dma_wait3A_524 = tpu.memref_slice %arg11[%dma_wait3A_522, %dma_wait3A_523] : memref<10240x48xbf16, #tpu.memory_space<vmem_shared>> -> memref<10240x48xbf16, #tpu.memory_space<vmem_shared>>
      %dma_wait3A_525 = tpu.memref_slice %arg13[%dma_wait3A_514] : memref<8x!tpu.dma_semaphore, #tpu.memory_space<semaphore_mem>> -> memref<1x!tpu.dma_semaphore, #tpu.memory_space<semaphore_mem>>
      %dma_wait3A_526 = tpu.memref_squeeze %dma_wait3A_525 : memref<1x!tpu.dma_semaphore, #tpu.memory_space<semaphore_mem>> -> memref<!tpu.dma_semaphore, #tpu.memory_space<semaphore_mem>>
      tpu.wait_indirect_dma semaphore(%dma_wait3A_526 : memref<!tpu.dma_semaphore, #tpu.memory_space<semaphore_mem>>) src(%dma_wait3A_524 : memref<10240x48xbf16, #tpu.memory_space<vmem_shared>>) dst(%dma_wait3A_518 : memref<128x48xbf16, #tpu.memory_space<vmem>>)
      %dma_start3A_527 = arith.constant 5 : i32
      %dma_start3A_528 = arith.constant 5 : i32
      %dma_start3A_529 = arith.constant 0 : i32
      %dma_start3A_530 = arith.constant 0 : i32
      %dma_start3A_531 = tpu.memref_slice %arg8[%dma_start3A_527, %dma_start3A_529, %dma_start3A_530] : memref<8x128x48xbf16, #tpu.memory_space<vmem>> -> memref<1x128x48xbf16, #tpu.memory_space<vmem>>
      %dma_start3A_532 = tpu.memref_squeeze %dma_start3A_531 : memref<1x128x48xbf16, #tpu.memory_space<vmem>> -> memref<128x48xbf16, #tpu.memory_space<vmem>>
      %dma_start3A_533 = arith.constant 0 : i32
      %dma_start3A_534 = tpu.memref_slice %arg7[%add3A_512, %dma_start3A_533] : memref<80x128xi32, #tpu.memory_space<vmem>> -> memref<1x128xi32, #tpu.memory_space<vmem>>
      %dma_start3A_535 = tpu.memref_squeeze %dma_start3A_534 : memref<1x128xi32, #tpu.memory_space<vmem>> -> memref<128xi32, #tpu.memory_space<vmem>>
      %dma_start3A_536 = arith.constant 0 : i32
      %dma_start3A_537 = arith.constant 0 : i32
      %dma_start3A_538 = tpu.memref_slice %arg12[%dma_start3A_536, %dma_start3A_537] : memref<10240x48xbf16, #tpu.memory_space<vmem_shared>> -> memref<10240x48xbf16, #tpu.memory_space<vmem_shared>>
      %dma_start3A_539 = tpu.memref_slice %arg14[%dma_start3A_528] : memref<8x!tpu.dma_semaphore, #tpu.memory_space<semaphore_mem>> -> memref<1x!tpu.dma_semaphore, #tpu.memory_space<semaphore_mem>>
      %dma_start3A_540 = tpu.memref_squeeze %dma_start3A_539 : memref<1x!tpu.dma_semaphore, #tpu.memory_space<semaphore_mem>> -> memref<!tpu.dma_semaphore, #tpu.memory_space<semaphore_mem>>
      tpu.enqueue_indirect_dma source(%dma_start3A_532 : memref<128x48xbf16, #tpu.memory_space<vmem>>) target(%dma_start3A_538 : memref<10240x48xbf16, #tpu.memory_space<vmem_shared>>) offsets(%dma_start3A_535 : memref<128xi32, #tpu.memory_space<vmem>>) semaphore(%dma_start3A_540 : memref<!tpu.dma_semaphore, #tpu.memory_space<semaphore_mem>>) {add = true}
      %mul3A_541 = arith.constant 8 : i32
      %mul3A_542 = arith.muli %scan3A_348, %mul3A_541 : i32
      %add3A_543 = arith.constant 6 : i32
      %add3A_544 = arith.addi %mul3A_542, %add3A_543 : i32
      %dma_wait3A_545 = arith.constant 6 : i32
      %dma_wait3A_546 = arith.constant 6 : i32
      %dma_wait3A_547 = arith.constant 0 : i32
      %dma_wait3A_548 = arith.constant 0 : i32
      %dma_wait3A_549 = tpu.memref_slice %arg8[%dma_wait3A_545, %dma_wait3A_547, %dma_wait3A_548] : memref<8x128x48xbf16, #tpu.memory_space<vmem>> -> memref<1x128x48xbf16, #tpu.memory_space<vmem>>
      %dma_wait3A_550 = tpu.memref_squeeze %dma_wait3A_549 : memref<1x128x48xbf16, #tpu.memory_space<vmem>> -> memref<128x48xbf16, #tpu.memory_space<vmem>>
      %dma_wait3A_551 = arith.constant 0 : i32
      %dma_wait3A_552 = tpu.memref_slice %arg6[%add3A_544, %dma_wait3A_551] : memref<80x128xi32, #tpu.memory_space<vmem>> -> memref<1x128xi32, #tpu.memory_space<vmem>>
      %dma_wait3A_553 = tpu.memref_squeeze %dma_wait3A_552 : memref<1x128xi32, #tpu.memory_space<vmem>> -> memref<128xi32, #tpu.memory_space<vmem>>
      %dma_wait3A_554 = arith.constant 0 : i32
      %dma_wait3A_555 = arith.constant 0 : i32
      %dma_wait3A_556 = tpu.memref_slice %arg11[%dma_wait3A_554, %dma_wait3A_555] : memref<10240x48xbf16, #tpu.memory_space<vmem_shared>> -> memref<10240x48xbf16, #tpu.memory_space<vmem_shared>>
      %dma_wait3A_557 = tpu.memref_slice %arg13[%dma_wait3A_546] : memref<8x!tpu.dma_semaphore, #tpu.memory_space<semaphore_mem>> -> memref<1x!tpu.dma_semaphore, #tpu.memory_space<semaphore_mem>>
      %dma_wait3A_558 = tpu.memref_squeeze %dma_wait3A_557 : memref<1x!tpu.dma_semaphore, #tpu.memory_space<semaphore_mem>> -> memref<!tpu.dma_semaphore, #tpu.memory_space<semaphore_mem>>
      tpu.wait_indirect_dma semaphore(%dma_wait3A_558 : memref<!tpu.dma_semaphore, #tpu.memory_space<semaphore_mem>>) src(%dma_wait3A_556 : memref<10240x48xbf16, #tpu.memory_space<vmem_shared>>) dst(%dma_wait3A_550 : memref<128x48xbf16, #tpu.memory_space<vmem>>)
      %dma_start3A_559 = arith.constant 6 : i32
      %dma_start3A_560 = arith.constant 6 : i32
      %dma_start3A_561 = arith.constant 0 : i32
      %dma_start3A_562 = arith.constant 0 : i32
      %dma_start3A_563 = tpu.memref_slice %arg8[%dma_start3A_559, %dma_start3A_561, %dma_start3A_562] : memref<8x128x48xbf16, #tpu.memory_space<vmem>> -> memref<1x128x48xbf16, #tpu.memory_space<vmem>>
      %dma_start3A_564 = tpu.memref_squeeze %dma_start3A_563 : memref<1x128x48xbf16, #tpu.memory_space<vmem>> -> memref<128x48xbf16, #tpu.memory_space<vmem>>
      %dma_start3A_565 = arith.constant 0 : i32
      %dma_start3A_566 = tpu.memref_slice %arg7[%add3A_544, %dma_start3A_565] : memref<80x128xi32, #tpu.memory_space<vmem>> -> memref<1x128xi32, #tpu.memory_space<vmem>>
      %dma_start3A_567 = tpu.memref_squeeze %dma_start3A_566 : memref<1x128xi32, #tpu.memory_space<vmem>> -> memref<128xi32, #tpu.memory_space<vmem>>
      %dma_start3A_568 = arith.constant 0 : i32
      %dma_start3A_569 = arith.constant 0 : i32
      %dma_start3A_570 = tpu.memref_slice %arg12[%dma_start3A_568, %dma_start3A_569] : memref<10240x48xbf16, #tpu.memory_space<vmem_shared>> -> memref<10240x48xbf16, #tpu.memory_space<vmem_shared>>
      %dma_start3A_571 = tpu.memref_slice %arg14[%dma_start3A_560] : memref<8x!tpu.dma_semaphore, #tpu.memory_space<semaphore_mem>> -> memref<1x!tpu.dma_semaphore, #tpu.memory_space<semaphore_mem>>
      %dma_start3A_572 = tpu.memref_squeeze %dma_start3A_571 : memref<1x!tpu.dma_semaphore, #tpu.memory_space<semaphore_mem>> -> memref<!tpu.dma_semaphore, #tpu.memory_space<semaphore_mem>>
      tpu.enqueue_indirect_dma source(%dma_start3A_564 : memref<128x48xbf16, #tpu.memory_space<vmem>>) target(%dma_start3A_570 : memref<10240x48xbf16, #tpu.memory_space<vmem_shared>>) offsets(%dma_start3A_567 : memref<128xi32, #tpu.memory_space<vmem>>) semaphore(%dma_start3A_572 : memref<!tpu.dma_semaphore, #tpu.memory_space<semaphore_mem>>) {add = true}
      %mul3A_573 = arith.constant 8 : i32
      %mul3A_574 = arith.muli %scan3A_348, %mul3A_573 : i32
      %add3A_575 = arith.constant 7 : i32
      %add3A_576 = arith.addi %mul3A_574, %add3A_575 : i32
      %dma_wait3A_577 = arith.constant 7 : i32
      %dma_wait3A_578 = arith.constant 7 : i32
      %dma_wait3A_579 = arith.constant 0 : i32
      %dma_wait3A_580 = arith.constant 0 : i32
      %dma_wait3A_581 = tpu.memref_slice %arg8[%dma_wait3A_577, %dma_wait3A_579, %dma_wait3A_580] : memref<8x128x48xbf16, #tpu.memory_space<vmem>> -> memref<1x128x48xbf16, #tpu.memory_space<vmem>>
      %dma_wait3A_582 = tpu.memref_squeeze %dma_wait3A_581 : memref<1x128x48xbf16, #tpu.memory_space<vmem>> -> memref<128x48xbf16, #tpu.memory_space<vmem>>
      %dma_wait3A_583 = arith.constant 0 : i32
      %dma_wait3A_584 = tpu.memref_slice %arg6[%add3A_576, %dma_wait3A_583] : memref<80x128xi32, #tpu.memory_space<vmem>> -> memref<1x128xi32, #tpu.memory_space<vmem>>
      %dma_wait3A_585 = tpu.memref_squeeze %dma_wait3A_584 : memref<1x128xi32, #tpu.memory_space<vmem>> -> memref<128xi32, #tpu.memory_space<vmem>>
      %dma_wait3A_586 = arith.constant 0 : i32
      %dma_wait3A_587 = arith.constant 0 : i32
      %dma_wait3A_588 = tpu.memref_slice %arg11[%dma_wait3A_586, %dma_wait3A_587] : memref<10240x48xbf16, #tpu.memory_space<vmem_shared>> -> memref<10240x48xbf16, #tpu.memory_space<vmem_shared>>
      %dma_wait3A_589 = tpu.memref_slice %arg13[%dma_wait3A_578] : memref<8x!tpu.dma_semaphore, #tpu.memory_space<semaphore_mem>> -> memref<1x!tpu.dma_semaphore, #tpu.memory_space<semaphore_mem>>
      %dma_wait3A_590 = tpu.memref_squeeze %dma_wait3A_589 : memref<1x!tpu.dma_semaphore, #tpu.memory_space<semaphore_mem>> -> memref<!tpu.dma_semaphore, #tpu.memory_space<semaphore_mem>>
      tpu.wait_indirect_dma semaphore(%dma_wait3A_590 : memref<!tpu.dma_semaphore, #tpu.memory_space<semaphore_mem>>) src(%dma_wait3A_588 : memref<10240x48xbf16, #tpu.memory_space<vmem_shared>>) dst(%dma_wait3A_582 : memref<128x48xbf16, #tpu.memory_space<vmem>>)
      %dma_start3A_591 = arith.constant 7 : i32
      %dma_start3A_592 = arith.constant 7 : i32
      %dma_start3A_593 = arith.constant 0 : i32
      %dma_start3A_594 = arith.constant 0 : i32
      %dma_start3A_595 = tpu.memref_slice %arg8[%dma_start3A_591, %dma_start3A_593, %dma_start3A_594] : memref<8x128x48xbf16, #tpu.memory_space<vmem>> -> memref<1x128x48xbf16, #tpu.memory_space<vmem>>
      %dma_start3A_596 = tpu.memref_squeeze %dma_start3A_595 : memref<1x128x48xbf16, #tpu.memory_space<vmem>> -> memref<128x48xbf16, #tpu.memory_space<vmem>>
      %dma_start3A_597 = arith.constant 0 : i32
      %dma_start3A_598 = tpu.memref_slice %arg7[%add3A_576, %dma_start3A_597] : memref<80x128xi32, #tpu.memory_space<vmem>> -> memref<1x128xi32, #tpu.memory_space<vmem>>
      %dma_start3A_599 = tpu.memref_squeeze %dma_start3A_598 : memref<1x128xi32, #tpu.memory_space<vmem>> -> memref<128xi32, #tpu.memory_space<vmem>>
      %dma_start3A_600 = arith.constant 0 : i32
      %dma_start3A_601 = arith.constant 0 : i32
      %dma_start3A_602 = tpu.memref_slice %arg12[%dma_start3A_600, %dma_start3A_601] : memref<10240x48xbf16, #tpu.memory_space<vmem_shared>> -> memref<10240x48xbf16, #tpu.memory_space<vmem_shared>>
      %dma_start3A_603 = tpu.memref_slice %arg14[%dma_start3A_592] : memref<8x!tpu.dma_semaphore, #tpu.memory_space<semaphore_mem>> -> memref<1x!tpu.dma_semaphore, #tpu.memory_space<semaphore_mem>>
      %dma_start3A_604 = tpu.memref_squeeze %dma_start3A_603 : memref<1x!tpu.dma_semaphore, #tpu.memory_space<semaphore_mem>> -> memref<!tpu.dma_semaphore, #tpu.memory_space<semaphore_mem>>
      tpu.enqueue_indirect_dma source(%dma_start3A_596 : memref<128x48xbf16, #tpu.memory_space<vmem>>) target(%dma_start3A_602 : memref<10240x48xbf16, #tpu.memory_space<vmem_shared>>) offsets(%dma_start3A_599 : memref<128xi32, #tpu.memory_space<vmem>>) semaphore(%dma_start3A_604 : memref<!tpu.dma_semaphore, #tpu.memory_space<semaphore_mem>>) {add = true}
      %lt3A = arith.constant 9 : i32
      %lt3A_605 = arith.cmpi slt, %scan3A_348, %lt3A : i32
      %convert_element_type3A = arith.extui %lt3A_605 : i1 to i32
      %cond3A = arith.constant 0 : i32
      %cond3A_606 = arith.cmpi ne, %convert_element_type3A, %cond3A : i32
      scf.if %cond3A_606 {
        %add3A_607 = arith.constant 1 : i32
        %add3A_608 = arith.addi %scan3A_348, %add3A_607 : i32
        %mul3A_609 = arith.constant 8 : i32
        %mul3A_610 = arith.muli %add3A_608, %mul3A_609 : i32
        %add3A_611 = arith.constant 0 : i32
        %add3A_612 = arith.addi %mul3A_610, %add3A_611 : i32
        %dma_wait3A_613 = arith.constant 0 : i32
        %dma_wait3A_614 = arith.constant 0 : i32
        %dma_wait3A_615 = arith.constant 0 : i32
        %dma_wait3A_616 = arith.constant 0 : i32
        %dma_wait3A_617 = tpu.memref_slice %arg8[%dma_wait3A_613, %dma_wait3A_615, %dma_wait3A_616] : memref<8x128x48xbf16, #tpu.memory_space<vmem>> -> memref<1x128x48xbf16, #tpu.memory_space<vmem>>
        %dma_wait3A_618 = tpu.memref_squeeze %dma_wait3A_617 : memref<1x128x48xbf16, #tpu.memory_space<vmem>> -> memref<128x48xbf16, #tpu.memory_space<vmem>>
        %dma_wait3A_619 = arith.constant 0 : i32
        %dma_wait3A_620 = tpu.memref_slice %arg7[%add3A_612, %dma_wait3A_619] : memref<80x128xi32, #tpu.memory_space<vmem>> -> memref<1x128xi32, #tpu.memory_space<vmem>>
        %dma_wait3A_621 = tpu.memref_squeeze %dma_wait3A_620 : memref<1x128xi32, #tpu.memory_space<vmem>> -> memref<128xi32, #tpu.memory_space<vmem>>
        %dma_wait3A_622 = arith.constant 0 : i32
        %dma_wait3A_623 = arith.constant 0 : i32
        %dma_wait3A_624 = tpu.memref_slice %arg12[%dma_wait3A_622, %dma_wait3A_623] : memref<10240x48xbf16, #tpu.memory_space<vmem_shared>> -> memref<10240x48xbf16, #tpu.memory_space<vmem_shared>>
        %dma_wait3A_625 = tpu.memref_slice %arg14[%dma_wait3A_614] : memref<8x!tpu.dma_semaphore, #tpu.memory_space<semaphore_mem>> -> memref<1x!tpu.dma_semaphore, #tpu.memory_space<semaphore_mem>>
        %dma_wait3A_626 = tpu.memref_squeeze %dma_wait3A_625 : memref<1x!tpu.dma_semaphore, #tpu.memory_space<semaphore_mem>> -> memref<!tpu.dma_semaphore, #tpu.memory_space<semaphore_mem>>
        tpu.wait_indirect_dma semaphore(%dma_wait3A_626 : memref<!tpu.dma_semaphore, #tpu.memory_space<semaphore_mem>>) src(%dma_wait3A_618 : memref<128x48xbf16, #tpu.memory_space<vmem>>) dst(%dma_wait3A_624 : memref<10240x48xbf16, #tpu.memory_space<vmem_shared>>)
        %dma_start3A_627 = arith.constant 0 : i32
        %dma_start3A_628 = arith.constant 0 : i32
        %dma_start3A_629 = arith.constant 0 : i32
        %dma_start3A_630 = arith.constant 0 : i32
        %dma_start3A_631 = tpu.memref_slice %arg8[%dma_start3A_627, %dma_start3A_629, %dma_start3A_630] : memref<8x128x48xbf16, #tpu.memory_space<vmem>> -> memref<1x128x48xbf16, #tpu.memory_space<vmem>>
        %dma_start3A_632 = tpu.memref_squeeze %dma_start3A_631 : memref<1x128x48xbf16, #tpu.memory_space<vmem>> -> memref<128x48xbf16, #tpu.memory_space<vmem>>
        %dma_start3A_633 = arith.constant 0 : i32
        %dma_start3A_634 = tpu.memref_slice %arg6[%add3A_612, %dma_start3A_633] : memref<80x128xi32, #tpu.memory_space<vmem>> -> memref<1x128xi32, #tpu.memory_space<vmem>>
        %dma_start3A_635 = tpu.memref_squeeze %dma_start3A_634 : memref<1x128xi32, #tpu.memory_space<vmem>> -> memref<128xi32, #tpu.memory_space<vmem>>
        %dma_start3A_636 = arith.constant 0 : i32
        %dma_start3A_637 = arith.constant 0 : i32
        %dma_start3A_638 = tpu.memref_slice %arg11[%dma_start3A_636, %dma_start3A_637] : memref<10240x48xbf16, #tpu.memory_space<vmem_shared>> -> memref<10240x48xbf16, #tpu.memory_space<vmem_shared>>
        %dma_start3A_639 = tpu.memref_slice %arg13[%dma_start3A_628] : memref<8x!tpu.dma_semaphore, #tpu.memory_space<semaphore_mem>> -> memref<1x!tpu.dma_semaphore, #tpu.memory_space<semaphore_mem>>
        %dma_start3A_640 = tpu.memref_squeeze %dma_start3A_639 : memref<1x!tpu.dma_semaphore, #tpu.memory_space<semaphore_mem>> -> memref<!tpu.dma_semaphore, #tpu.memory_space<semaphore_mem>>
        tpu.enqueue_indirect_dma source(%dma_start3A_638 : memref<10240x48xbf16, #tpu.memory_space<vmem_shared>>) target(%dma_start3A_632 : memref<128x48xbf16, #tpu.memory_space<vmem>>) offsets(%dma_start3A_635 : memref<128xi32, #tpu.memory_space<vmem>>) semaphore(%dma_start3A_640 : memref<!tpu.dma_semaphore, #tpu.memory_space<semaphore_mem>>)
        %add3A_641 = arith.constant 1 : i32
        %add3A_642 = arith.addi %scan3A_348, %add3A_641 : i32
        %mul3A_643 = arith.constant 8 : i32
        %mul3A_644 = arith.muli %add3A_642, %mul3A_643 : i32
        %add3A_645 = arith.constant 1 : i32
        %add3A_646 = arith.addi %mul3A_644, %add3A_645 : i32
        %dma_wait3A_647 = arith.constant 1 : i32
        %dma_wait3A_648 = arith.constant 1 : i32
        %dma_wait3A_649 = arith.constant 0 : i32
        %dma_wait3A_650 = arith.constant 0 : i32
        %dma_wait3A_651 = tpu.memref_slice %arg8[%dma_wait3A_647, %dma_wait3A_649, %dma_wait3A_650] : memref<8x128x48xbf16, #tpu.memory_space<vmem>> -> memref<1x128x48xbf16, #tpu.memory_space<vmem>>
        %dma_wait3A_652 = tpu.memref_squeeze %dma_wait3A_651 : memref<1x128x48xbf16, #tpu.memory_space<vmem>> -> memref<128x48xbf16, #tpu.memory_space<vmem>>
        %dma_wait3A_653 = arith.constant 0 : i32
        %dma_wait3A_654 = tpu.memref_slice %arg7[%add3A_646, %dma_wait3A_653] : memref<80x128xi32, #tpu.memory_space<vmem>> -> memref<1x128xi32, #tpu.memory_space<vmem>>
        %dma_wait3A_655 = tpu.memref_squeeze %dma_wait3A_654 : memref<1x128xi32, #tpu.memory_space<vmem>> -> memref<128xi32, #tpu.memory_space<vmem>>
        %dma_wait3A_656 = arith.constant 0 : i32
        %dma_wait3A_657 = arith.constant 0 : i32
        %dma_wait3A_658 = tpu.memref_slice %arg12[%dma_wait3A_656, %dma_wait3A_657] : memref<10240x48xbf16, #tpu.memory_space<vmem_shared>> -> memref<10240x48xbf16, #tpu.memory_space<vmem_shared>>
        %dma_wait3A_659 = tpu.memref_slice %arg14[%dma_wait3A_648] : memref<8x!tpu.dma_semaphore, #tpu.memory_space<semaphore_mem>> -> memref<1x!tpu.dma_semaphore, #tpu.memory_space<semaphore_mem>>
        %dma_wait3A_660 = tpu.memref_squeeze %dma_wait3A_659 : memref<1x!tpu.dma_semaphore, #tpu.memory_space<semaphore_mem>> -> memref<!tpu.dma_semaphore, #tpu.memory_space<semaphore_mem>>
        tpu.wait_indirect_dma semaphore(%dma_wait3A_660 : memref<!tpu.dma_semaphore, #tpu.memory_space<semaphore_mem>>) src(%dma_wait3A_652 : memref<128x48xbf16, #tpu.memory_space<vmem>>) dst(%dma_wait3A_658 : memref<10240x48xbf16, #tpu.memory_space<vmem_shared>>)
        %dma_start3A_661 = arith.constant 1 : i32
        %dma_start3A_662 = arith.constant 1 : i32
        %dma_start3A_663 = arith.constant 0 : i32
        %dma_start3A_664 = arith.constant 0 : i32
        %dma_start3A_665 = tpu.memref_slice %arg8[%dma_start3A_661, %dma_start3A_663, %dma_start3A_664] : memref<8x128x48xbf16, #tpu.memory_space<vmem>> -> memref<1x128x48xbf16, #tpu.memory_space<vmem>>
        %dma_start3A_666 = tpu.memref_squeeze %dma_start3A_665 : memref<1x128x48xbf16, #tpu.memory_space<vmem>> -> memref<128x48xbf16, #tpu.memory_space<vmem>>
        %dma_start3A_667 = arith.constant 0 : i32
        %dma_start3A_668 = tpu.memref_slice %arg6[%add3A_646, %dma_start3A_667] : memref<80x128xi32, #tpu.memory_space<vmem>> -> memref<1x128xi32, #tpu.memory_space<vmem>>
        %dma_start3A_669 = tpu.memref_squeeze %dma_start3A_668 : memref<1x128xi32, #tpu.memory_space<vmem>> -> memref<128xi32, #tpu.memory_space<vmem>>
        %dma_start3A_670 = arith.constant 0 : i32
        %dma_start3A_671 = arith.constant 0 : i32
        %dma_start3A_672 = tpu.memref_slice %arg11[%dma_start3A_670, %dma_start3A_671] : memref<10240x48xbf16, #tpu.memory_space<vmem_shared>> -> memref<10240x48xbf16, #tpu.memory_space<vmem_shared>>
        %dma_start3A_673 = tpu.memref_slice %arg13[%dma_start3A_662] : memref<8x!tpu.dma_semaphore, #tpu.memory_space<semaphore_mem>> -> memref<1x!tpu.dma_semaphore, #tpu.memory_space<semaphore_mem>>
        %dma_start3A_674 = tpu.memref_squeeze %dma_start3A_673 : memref<1x!tpu.dma_semaphore, #tpu.memory_space<semaphore_mem>> -> memref<!tpu.dma_semaphore, #tpu.memory_space<semaphore_mem>>
        tpu.enqueue_indirect_dma source(%dma_start3A_672 : memref<10240x48xbf16, #tpu.memory_space<vmem_shared>>) target(%dma_start3A_666 : memref<128x48xbf16, #tpu.memory_space<vmem>>) offsets(%dma_start3A_669 : memref<128xi32, #tpu.memory_space<vmem>>) semaphore(%dma_start3A_674 : memref<!tpu.dma_semaphore, #tpu.memory_space<semaphore_mem>>)
        %add3A_675 = arith.constant 1 : i32
        %add3A_676 = arith.addi %scan3A_348, %add3A_675 : i32
        %mul3A_677 = arith.constant 8 : i32
        %mul3A_678 = arith.muli %add3A_676, %mul3A_677 : i32
        %add3A_679 = arith.constant 2 : i32
        %add3A_680 = arith.addi %mul3A_678, %add3A_679 : i32
        %dma_wait3A_681 = arith.constant 2 : i32
        %dma_wait3A_682 = arith.constant 2 : i32
        %dma_wait3A_683 = arith.constant 0 : i32
        %dma_wait3A_684 = arith.constant 0 : i32
        %dma_wait3A_685 = tpu.memref_slice %arg8[%dma_wait3A_681, %dma_wait3A_683, %dma_wait3A_684] : memref<8x128x48xbf16, #tpu.memory_space<vmem>> -> memref<1x128x48xbf16, #tpu.memory_space<vmem>>
        %dma_wait3A_686 = tpu.memref_squeeze %dma_wait3A_685 : memref<1x128x48xbf16, #tpu.memory_space<vmem>> -> memref<128x48xbf16, #tpu.memory_space<vmem>>
        %dma_wait3A_687 = arith.constant 0 : i32
        %dma_wait3A_688 = tpu.memref_slice %arg7[%add3A_680, %dma_wait3A_687] : memref<80x128xi32, #tpu.memory_space<vmem>> -> memref<1x128xi32, #tpu.memory_space<vmem>>
        %dma_wait3A_689 = tpu.memref_squeeze %dma_wait3A_688 : memref<1x128xi32, #tpu.memory_space<vmem>> -> memref<128xi32, #tpu.memory_space<vmem>>
        %dma_wait3A_690 = arith.constant 0 : i32
        %dma_wait3A_691 = arith.constant 0 : i32
        %dma_wait3A_692 = tpu.memref_slice %arg12[%dma_wait3A_690, %dma_wait3A_691] : memref<10240x48xbf16, #tpu.memory_space<vmem_shared>> -> memref<10240x48xbf16, #tpu.memory_space<vmem_shared>>
        %dma_wait3A_693 = tpu.memref_slice %arg14[%dma_wait3A_682] : memref<8x!tpu.dma_semaphore, #tpu.memory_space<semaphore_mem>> -> memref<1x!tpu.dma_semaphore, #tpu.memory_space<semaphore_mem>>
        %dma_wait3A_694 = tpu.memref_squeeze %dma_wait3A_693 : memref<1x!tpu.dma_semaphore, #tpu.memory_space<semaphore_mem>> -> memref<!tpu.dma_semaphore, #tpu.memory_space<semaphore_mem>>
        tpu.wait_indirect_dma semaphore(%dma_wait3A_694 : memref<!tpu.dma_semaphore, #tpu.memory_space<semaphore_mem>>) src(%dma_wait3A_686 : memref<128x48xbf16, #tpu.memory_space<vmem>>) dst(%dma_wait3A_692 : memref<10240x48xbf16, #tpu.memory_space<vmem_shared>>)
        %dma_start3A_695 = arith.constant 2 : i32
        %dma_start3A_696 = arith.constant 2 : i32
        %dma_start3A_697 = arith.constant 0 : i32
        %dma_start3A_698 = arith.constant 0 : i32
        %dma_start3A_699 = tpu.memref_slice %arg8[%dma_start3A_695, %dma_start3A_697, %dma_start3A_698] : memref<8x128x48xbf16, #tpu.memory_space<vmem>> -> memref<1x128x48xbf16, #tpu.memory_space<vmem>>
        %dma_start3A_700 = tpu.memref_squeeze %dma_start3A_699 : memref<1x128x48xbf16, #tpu.memory_space<vmem>> -> memref<128x48xbf16, #tpu.memory_space<vmem>>
        %dma_start3A_701 = arith.constant 0 : i32
        %dma_start3A_702 = tpu.memref_slice %arg6[%add3A_680, %dma_start3A_701] : memref<80x128xi32, #tpu.memory_space<vmem>> -> memref<1x128xi32, #tpu.memory_space<vmem>>
        %dma_start3A_703 = tpu.memref_squeeze %dma_start3A_702 : memref<1x128xi32, #tpu.memory_space<vmem>> -> memref<128xi32, #tpu.memory_space<vmem>>
        %dma_start3A_704 = arith.constant 0 : i32
        %dma_start3A_705 = arith.constant 0 : i32
        %dma_start3A_706 = tpu.memref_slice %arg11[%dma_start3A_704, %dma_start3A_705] : memref<10240x48xbf16, #tpu.memory_space<vmem_shared>> -> memref<10240x48xbf16, #tpu.memory_space<vmem_shared>>
        %dma_start3A_707 = tpu.memref_slice %arg13[%dma_start3A_696] : memref<8x!tpu.dma_semaphore, #tpu.memory_space<semaphore_mem>> -> memref<1x!tpu.dma_semaphore, #tpu.memory_space<semaphore_mem>>
        %dma_start3A_708 = tpu.memref_squeeze %dma_start3A_707 : memref<1x!tpu.dma_semaphore, #tpu.memory_space<semaphore_mem>> -> memref<!tpu.dma_semaphore, #tpu.memory_space<semaphore_mem>>
        tpu.enqueue_indirect_dma source(%dma_start3A_706 : memref<10240x48xbf16, #tpu.memory_space<vmem_shared>>) target(%dma_start3A_700 : memref<128x48xbf16, #tpu.memory_space<vmem>>) offsets(%dma_start3A_703 : memref<128xi32, #tpu.memory_space<vmem>>) semaphore(%dma_start3A_708 : memref<!tpu.dma_semaphore, #tpu.memory_space<semaphore_mem>>)
        %add3A_709 = arith.constant 1 : i32
        %add3A_710 = arith.addi %scan3A_348, %add3A_709 : i32
        %mul3A_711 = arith.constant 8 : i32
        %mul3A_712 = arith.muli %add3A_710, %mul3A_711 : i32
        %add3A_713 = arith.constant 3 : i32
        %add3A_714 = arith.addi %mul3A_712, %add3A_713 : i32
        %dma_wait3A_715 = arith.constant 3 : i32
        %dma_wait3A_716 = arith.constant 3 : i32
        %dma_wait3A_717 = arith.constant 0 : i32
        %dma_wait3A_718 = arith.constant 0 : i32
        %dma_wait3A_719 = tpu.memref_slice %arg8[%dma_wait3A_715, %dma_wait3A_717, %dma_wait3A_718] : memref<8x128x48xbf16, #tpu.memory_space<vmem>> -> memref<1x128x48xbf16, #tpu.memory_space<vmem>>
        %dma_wait3A_720 = tpu.memref_squeeze %dma_wait3A_719 : memref<1x128x48xbf16, #tpu.memory_space<vmem>> -> memref<128x48xbf16, #tpu.memory_space<vmem>>
        %dma_wait3A_721 = arith.constant 0 : i32
        %dma_wait3A_722 = tpu.memref_slice %arg7[%add3A_714, %dma_wait3A_721] : memref<80x128xi32, #tpu.memory_space<vmem>> -> memref<1x128xi32, #tpu.memory_space<vmem>>
        %dma_wait3A_723 = tpu.memref_squeeze %dma_wait3A_722 : memref<1x128xi32, #tpu.memory_space<vmem>> -> memref<128xi32, #tpu.memory_space<vmem>>
        %dma_wait3A_724 = arith.constant 0 : i32
        %dma_wait3A_725 = arith.constant 0 : i32
        %dma_wait3A_726 = tpu.memref_slice %arg12[%dma_wait3A_724, %dma_wait3A_725] : memref<10240x48xbf16, #tpu.memory_space<vmem_shared>> -> memref<10240x48xbf16, #tpu.memory_space<vmem_shared>>
        %dma_wait3A_727 = tpu.memref_slice %arg14[%dma_wait3A_716] : memref<8x!tpu.dma_semaphore, #tpu.memory_space<semaphore_mem>> -> memref<1x!tpu.dma_semaphore, #tpu.memory_space<semaphore_mem>>
        %dma_wait3A_728 = tpu.memref_squeeze %dma_wait3A_727 : memref<1x!tpu.dma_semaphore, #tpu.memory_space<semaphore_mem>> -> memref<!tpu.dma_semaphore, #tpu.memory_space<semaphore_mem>>
        tpu.wait_indirect_dma semaphore(%dma_wait3A_728 : memref<!tpu.dma_semaphore, #tpu.memory_space<semaphore_mem>>) src(%dma_wait3A_720 : memref<128x48xbf16, #tpu.memory_space<vmem>>) dst(%dma_wait3A_726 : memref<10240x48xbf16, #tpu.memory_space<vmem_shared>>)
        %dma_start3A_729 = arith.constant 3 : i32
        %dma_start3A_730 = arith.constant 3 : i32
        %dma_start3A_731 = arith.constant 0 : i32
        %dma_start3A_732 = arith.constant 0 : i32
        %dma_start3A_733 = tpu.memref_slice %arg8[%dma_start3A_729, %dma_start3A_731, %dma_start3A_732] : memref<8x128x48xbf16, #tpu.memory_space<vmem>> -> memref<1x128x48xbf16, #tpu.memory_space<vmem>>
        %dma_start3A_734 = tpu.memref_squeeze %dma_start3A_733 : memref<1x128x48xbf16, #tpu.memory_space<vmem>> -> memref<128x48xbf16, #tpu.memory_space<vmem>>
        %dma_start3A_735 = arith.constant 0 : i32
        %dma_start3A_736 = tpu.memref_slice %arg6[%add3A_714, %dma_start3A_735] : memref<80x128xi32, #tpu.memory_space<vmem>> -> memref<1x128xi32, #tpu.memory_space<vmem>>
        %dma_start3A_737 = tpu.memref_squeeze %dma_start3A_736 : memref<1x128xi32, #tpu.memory_space<vmem>> -> memref<128xi32, #tpu.memory_space<vmem>>
        %dma_start3A_738 = arith.constant 0 : i32
        %dma_start3A_739 = arith.constant 0 : i32
        %dma_start3A_740 = tpu.memref_slice %arg11[%dma_start3A_738, %dma_start3A_739] : memref<10240x48xbf16, #tpu.memory_space<vmem_shared>> -> memref<10240x48xbf16, #tpu.memory_space<vmem_shared>>
        %dma_start3A_741 = tpu.memref_slice %arg13[%dma_start3A_730] : memref<8x!tpu.dma_semaphore, #tpu.memory_space<semaphore_mem>> -> memref<1x!tpu.dma_semaphore, #tpu.memory_space<semaphore_mem>>
        %dma_start3A_742 = tpu.memref_squeeze %dma_start3A_741 : memref<1x!tpu.dma_semaphore, #tpu.memory_space<semaphore_mem>> -> memref<!tpu.dma_semaphore, #tpu.memory_space<semaphore_mem>>
        tpu.enqueue_indirect_dma source(%dma_start3A_740 : memref<10240x48xbf16, #tpu.memory_space<vmem_shared>>) target(%dma_start3A_734 : memref<128x48xbf16, #tpu.memory_space<vmem>>) offsets(%dma_start3A_737 : memref<128xi32, #tpu.memory_space<vmem>>) semaphore(%dma_start3A_742 : memref<!tpu.dma_semaphore, #tpu.memory_space<semaphore_mem>>)
        %add3A_743 = arith.constant 1 : i32
        %add3A_744 = arith.addi %scan3A_348, %add3A_743 : i32
        %mul3A_745 = arith.constant 8 : i32
        %mul3A_746 = arith.muli %add3A_744, %mul3A_745 : i32
        %add3A_747 = arith.constant 4 : i32
        %add3A_748 = arith.addi %mul3A_746, %add3A_747 : i32
        %dma_wait3A_749 = arith.constant 4 : i32
        %dma_wait3A_750 = arith.constant 4 : i32
        %dma_wait3A_751 = arith.constant 0 : i32
        %dma_wait3A_752 = arith.constant 0 : i32
        %dma_wait3A_753 = tpu.memref_slice %arg8[%dma_wait3A_749, %dma_wait3A_751, %dma_wait3A_752] : memref<8x128x48xbf16, #tpu.memory_space<vmem>> -> memref<1x128x48xbf16, #tpu.memory_space<vmem>>
        %dma_wait3A_754 = tpu.memref_squeeze %dma_wait3A_753 : memref<1x128x48xbf16, #tpu.memory_space<vmem>> -> memref<128x48xbf16, #tpu.memory_space<vmem>>
        %dma_wait3A_755 = arith.constant 0 : i32
        %dma_wait3A_756 = tpu.memref_slice %arg7[%add3A_748, %dma_wait3A_755] : memref<80x128xi32, #tpu.memory_space<vmem>> -> memref<1x128xi32, #tpu.memory_space<vmem>>
        %dma_wait3A_757 = tpu.memref_squeeze %dma_wait3A_756 : memref<1x128xi32, #tpu.memory_space<vmem>> -> memref<128xi32, #tpu.memory_space<vmem>>
        %dma_wait3A_758 = arith.constant 0 : i32
        %dma_wait3A_759 = arith.constant 0 : i32
        %dma_wait3A_760 = tpu.memref_slice %arg12[%dma_wait3A_758, %dma_wait3A_759] : memref<10240x48xbf16, #tpu.memory_space<vmem_shared>> -> memref<10240x48xbf16, #tpu.memory_space<vmem_shared>>
        %dma_wait3A_761 = tpu.memref_slice %arg14[%dma_wait3A_750] : memref<8x!tpu.dma_semaphore, #tpu.memory_space<semaphore_mem>> -> memref<1x!tpu.dma_semaphore, #tpu.memory_space<semaphore_mem>>
        %dma_wait3A_762 = tpu.memref_squeeze %dma_wait3A_761 : memref<1x!tpu.dma_semaphore, #tpu.memory_space<semaphore_mem>> -> memref<!tpu.dma_semaphore, #tpu.memory_space<semaphore_mem>>
        tpu.wait_indirect_dma semaphore(%dma_wait3A_762 : memref<!tpu.dma_semaphore, #tpu.memory_space<semaphore_mem>>) src(%dma_wait3A_754 : memref<128x48xbf16, #tpu.memory_space<vmem>>) dst(%dma_wait3A_760 : memref<10240x48xbf16, #tpu.memory_space<vmem_shared>>)
        %dma_start3A_763 = arith.constant 4 : i32
        %dma_start3A_764 = arith.constant 4 : i32
        %dma_start3A_765 = arith.constant 0 : i32
        %dma_start3A_766 = arith.constant 0 : i32
        %dma_start3A_767 = tpu.memref_slice %arg8[%dma_start3A_763, %dma_start3A_765, %dma_start3A_766] : memref<8x128x48xbf16, #tpu.memory_space<vmem>> -> memref<1x128x48xbf16, #tpu.memory_space<vmem>>
        %dma_start3A_768 = tpu.memref_squeeze %dma_start3A_767 : memref<1x128x48xbf16, #tpu.memory_space<vmem>> -> memref<128x48xbf16, #tpu.memory_space<vmem>>
        %dma_start3A_769 = arith.constant 0 : i32
        %dma_start3A_770 = tpu.memref_slice %arg6[%add3A_748, %dma_start3A_769] : memref<80x128xi32, #tpu.memory_space<vmem>> -> memref<1x128xi32, #tpu.memory_space<vmem>>
        %dma_start3A_771 = tpu.memref_squeeze %dma_start3A_770 : memref<1x128xi32, #tpu.memory_space<vmem>> -> memref<128xi32, #tpu.memory_space<vmem>>
        %dma_start3A_772 = arith.constant 0 : i32
        %dma_start3A_773 = arith.constant 0 : i32
        %dma_start3A_774 = tpu.memref_slice %arg11[%dma_start3A_772, %dma_start3A_773] : memref<10240x48xbf16, #tpu.memory_space<vmem_shared>> -> memref<10240x48xbf16, #tpu.memory_space<vmem_shared>>
        %dma_start3A_775 = tpu.memref_slice %arg13[%dma_start3A_764] : memref<8x!tpu.dma_semaphore, #tpu.memory_space<semaphore_mem>> -> memref<1x!tpu.dma_semaphore, #tpu.memory_space<semaphore_mem>>
        %dma_start3A_776 = tpu.memref_squeeze %dma_start3A_775 : memref<1x!tpu.dma_semaphore, #tpu.memory_space<semaphore_mem>> -> memref<!tpu.dma_semaphore, #tpu.memory_space<semaphore_mem>>
        tpu.enqueue_indirect_dma source(%dma_start3A_774 : memref<10240x48xbf16, #tpu.memory_space<vmem_shared>>) target(%dma_start3A_768 : memref<128x48xbf16, #tpu.memory_space<vmem>>) offsets(%dma_start3A_771 : memref<128xi32, #tpu.memory_space<vmem>>) semaphore(%dma_start3A_776 : memref<!tpu.dma_semaphore, #tpu.memory_space<semaphore_mem>>)
        %add3A_777 = arith.constant 1 : i32
        %add3A_778 = arith.addi %scan3A_348, %add3A_777 : i32
        %mul3A_779 = arith.constant 8 : i32
        %mul3A_780 = arith.muli %add3A_778, %mul3A_779 : i32
        %add3A_781 = arith.constant 5 : i32
        %add3A_782 = arith.addi %mul3A_780, %add3A_781 : i32
        %dma_wait3A_783 = arith.constant 5 : i32
        %dma_wait3A_784 = arith.constant 5 : i32
        %dma_wait3A_785 = arith.constant 0 : i32
        %dma_wait3A_786 = arith.constant 0 : i32
        %dma_wait3A_787 = tpu.memref_slice %arg8[%dma_wait3A_783, %dma_wait3A_785, %dma_wait3A_786] : memref<8x128x48xbf16, #tpu.memory_space<vmem>> -> memref<1x128x48xbf16, #tpu.memory_space<vmem>>
        %dma_wait3A_788 = tpu.memref_squeeze %dma_wait3A_787 : memref<1x128x48xbf16, #tpu.memory_space<vmem>> -> memref<128x48xbf16, #tpu.memory_space<vmem>>
        %dma_wait3A_789 = arith.constant 0 : i32
        %dma_wait3A_790 = tpu.memref_slice %arg7[%add3A_782, %dma_wait3A_789] : memref<80x128xi32, #tpu.memory_space<vmem>> -> memref<1x128xi32, #tpu.memory_space<vmem>>
        %dma_wait3A_791 = tpu.memref_squeeze %dma_wait3A_790 : memref<1x128xi32, #tpu.memory_space<vmem>> -> memref<128xi32, #tpu.memory_space<vmem>>
        %dma_wait3A_792 = arith.constant 0 : i32
        %dma_wait3A_793 = arith.constant 0 : i32
        %dma_wait3A_794 = tpu.memref_slice %arg12[%dma_wait3A_792, %dma_wait3A_793] : memref<10240x48xbf16, #tpu.memory_space<vmem_shared>> -> memref<10240x48xbf16, #tpu.memory_space<vmem_shared>>
        %dma_wait3A_795 = tpu.memref_slice %arg14[%dma_wait3A_784] : memref<8x!tpu.dma_semaphore, #tpu.memory_space<semaphore_mem>> -> memref<1x!tpu.dma_semaphore, #tpu.memory_space<semaphore_mem>>
        %dma_wait3A_796 = tpu.memref_squeeze %dma_wait3A_795 : memref<1x!tpu.dma_semaphore, #tpu.memory_space<semaphore_mem>> -> memref<!tpu.dma_semaphore, #tpu.memory_space<semaphore_mem>>
        tpu.wait_indirect_dma semaphore(%dma_wait3A_796 : memref<!tpu.dma_semaphore, #tpu.memory_space<semaphore_mem>>) src(%dma_wait3A_788 : memref<128x48xbf16, #tpu.memory_space<vmem>>) dst(%dma_wait3A_794 : memref<10240x48xbf16, #tpu.memory_space<vmem_shared>>)
        %dma_start3A_797 = arith.constant 5 : i32
        %dma_start3A_798 = arith.constant 5 : i32
        %dma_start3A_799 = arith.constant 0 : i32
        %dma_start3A_800 = arith.constant 0 : i32
        %dma_start3A_801 = tpu.memref_slice %arg8[%dma_start3A_797, %dma_start3A_799, %dma_start3A_800] : memref<8x128x48xbf16, #tpu.memory_space<vmem>> -> memref<1x128x48xbf16, #tpu.memory_space<vmem>>
        %dma_start3A_802 = tpu.memref_squeeze %dma_start3A_801 : memref<1x128x48xbf16, #tpu.memory_space<vmem>> -> memref<128x48xbf16, #tpu.memory_space<vmem>>
        %dma_start3A_803 = arith.constant 0 : i32
        %dma_start3A_804 = tpu.memref_slice %arg6[%add3A_782, %dma_start3A_803] : memref<80x128xi32, #tpu.memory_space<vmem>> -> memref<1x128xi32, #tpu.memory_space<vmem>>
        %dma_start3A_805 = tpu.memref_squeeze %dma_start3A_804 : memref<1x128xi32, #tpu.memory_space<vmem>> -> memref<128xi32, #tpu.memory_space<vmem>>
        %dma_start3A_806 = arith.constant 0 : i32
        %dma_start3A_807 = arith.constant 0 : i32
        %dma_start3A_808 = tpu.memref_slice %arg11[%dma_start3A_806, %dma_start3A_807] : memref<10240x48xbf16, #tpu.memory_space<vmem_shared>> -> memref<10240x48xbf16, #tpu.memory_space<vmem_shared>>
        %dma_start3A_809 = tpu.memref_slice %arg13[%dma_start3A_798] : memref<8x!tpu.dma_semaphore, #tpu.memory_space<semaphore_mem>> -> memref<1x!tpu.dma_semaphore, #tpu.memory_space<semaphore_mem>>
        %dma_start3A_810 = tpu.memref_squeeze %dma_start3A_809 : memref<1x!tpu.dma_semaphore, #tpu.memory_space<semaphore_mem>> -> memref<!tpu.dma_semaphore, #tpu.memory_space<semaphore_mem>>
        tpu.enqueue_indirect_dma source(%dma_start3A_808 : memref<10240x48xbf16, #tpu.memory_space<vmem_shared>>) target(%dma_start3A_802 : memref<128x48xbf16, #tpu.memory_space<vmem>>) offsets(%dma_start3A_805 : memref<128xi32, #tpu.memory_space<vmem>>) semaphore(%dma_start3A_810 : memref<!tpu.dma_semaphore, #tpu.memory_space<semaphore_mem>>)
        %add3A_811 = arith.constant 1 : i32
        %add3A_812 = arith.addi %scan3A_348, %add3A_811 : i32
        %mul3A_813 = arith.constant 8 : i32
        %mul3A_814 = arith.muli %add3A_812, %mul3A_813 : i32
        %add3A_815 = arith.constant 6 : i32
        %add3A_816 = arith.addi %mul3A_814, %add3A_815 : i32
        %dma_wait3A_817 = arith.constant 6 : i32
        %dma_wait3A_818 = arith.constant 6 : i32
        %dma_wait3A_819 = arith.constant 0 : i32
        %dma_wait3A_820 = arith.constant 0 : i32
        %dma_wait3A_821 = tpu.memref_slice %arg8[%dma_wait3A_817, %dma_wait3A_819, %dma_wait3A_820] : memref<8x128x48xbf16, #tpu.memory_space<vmem>> -> memref<1x128x48xbf16, #tpu.memory_space<vmem>>
        %dma_wait3A_822 = tpu.memref_squeeze %dma_wait3A_821 : memref<1x128x48xbf16, #tpu.memory_space<vmem>> -> memref<128x48xbf16, #tpu.memory_space<vmem>>
        %dma_wait3A_823 = arith.constant 0 : i32
        %dma_wait3A_824 = tpu.memref_slice %arg7[%add3A_816, %dma_wait3A_823] : memref<80x128xi32, #tpu.memory_space<vmem>> -> memref<1x128xi32, #tpu.memory_space<vmem>>
        %dma_wait3A_825 = tpu.memref_squeeze %dma_wait3A_824 : memref<1x128xi32, #tpu.memory_space<vmem>> -> memref<128xi32, #tpu.memory_space<vmem>>
        %dma_wait3A_826 = arith.constant 0 : i32
        %dma_wait3A_827 = arith.constant 0 : i32
        %dma_wait3A_828 = tpu.memref_slice %arg12[%dma_wait3A_826, %dma_wait3A_827] : memref<10240x48xbf16, #tpu.memory_space<vmem_shared>> -> memref<10240x48xbf16, #tpu.memory_space<vmem_shared>>
        %dma_wait3A_829 = tpu.memref_slice %arg14[%dma_wait3A_818] : memref<8x!tpu.dma_semaphore, #tpu.memory_space<semaphore_mem>> -> memref<1x!tpu.dma_semaphore, #tpu.memory_space<semaphore_mem>>
        %dma_wait3A_830 = tpu.memref_squeeze %dma_wait3A_829 : memref<1x!tpu.dma_semaphore, #tpu.memory_space<semaphore_mem>> -> memref<!tpu.dma_semaphore, #tpu.memory_space<semaphore_mem>>
        tpu.wait_indirect_dma semaphore(%dma_wait3A_830 : memref<!tpu.dma_semaphore, #tpu.memory_space<semaphore_mem>>) src(%dma_wait3A_822 : memref<128x48xbf16, #tpu.memory_space<vmem>>) dst(%dma_wait3A_828 : memref<10240x48xbf16, #tpu.memory_space<vmem_shared>>)
        %dma_start3A_831 = arith.constant 6 : i32
        %dma_start3A_832 = arith.constant 6 : i32
        %dma_start3A_833 = arith.constant 0 : i32
        %dma_start3A_834 = arith.constant 0 : i32
        %dma_start3A_835 = tpu.memref_slice %arg8[%dma_start3A_831, %dma_start3A_833, %dma_start3A_834] : memref<8x128x48xbf16, #tpu.memory_space<vmem>> -> memref<1x128x48xbf16, #tpu.memory_space<vmem>>
        %dma_start3A_836 = tpu.memref_squeeze %dma_start3A_835 : memref<1x128x48xbf16, #tpu.memory_space<vmem>> -> memref<128x48xbf16, #tpu.memory_space<vmem>>
        %dma_start3A_837 = arith.constant 0 : i32
        %dma_start3A_838 = tpu.memref_slice %arg6[%add3A_816, %dma_start3A_837] : memref<80x128xi32, #tpu.memory_space<vmem>> -> memref<1x128xi32, #tpu.memory_space<vmem>>
        %dma_start3A_839 = tpu.memref_squeeze %dma_start3A_838 : memref<1x128xi32, #tpu.memory_space<vmem>> -> memref<128xi32, #tpu.memory_space<vmem>>
        %dma_start3A_840 = arith.constant 0 : i32
        %dma_start3A_841 = arith.constant 0 : i32
        %dma_start3A_842 = tpu.memref_slice %arg11[%dma_start3A_840, %dma_start3A_841] : memref<10240x48xbf16, #tpu.memory_space<vmem_shared>> -> memref<10240x48xbf16, #tpu.memory_space<vmem_shared>>
        %dma_start3A_843 = tpu.memref_slice %arg13[%dma_start3A_832] : memref<8x!tpu.dma_semaphore, #tpu.memory_space<semaphore_mem>> -> memref<1x!tpu.dma_semaphore, #tpu.memory_space<semaphore_mem>>
        %dma_start3A_844 = tpu.memref_squeeze %dma_start3A_843 : memref<1x!tpu.dma_semaphore, #tpu.memory_space<semaphore_mem>> -> memref<!tpu.dma_semaphore, #tpu.memory_space<semaphore_mem>>
        tpu.enqueue_indirect_dma source(%dma_start3A_842 : memref<10240x48xbf16, #tpu.memory_space<vmem_shared>>) target(%dma_start3A_836 : memref<128x48xbf16, #tpu.memory_space<vmem>>) offsets(%dma_start3A_839 : memref<128xi32, #tpu.memory_space<vmem>>) semaphore(%dma_start3A_844 : memref<!tpu.dma_semaphore, #tpu.memory_space<semaphore_mem>>)
        %add3A_845 = arith.constant 1 : i32
        %add3A_846 = arith.addi %scan3A_348, %add3A_845 : i32
        %mul3A_847 = arith.constant 8 : i32
        %mul3A_848 = arith.muli %add3A_846, %mul3A_847 : i32
        %add3A_849 = arith.constant 7 : i32
        %add3A_850 = arith.addi %mul3A_848, %add3A_849 : i32
        %dma_wait3A_851 = arith.constant 7 : i32
        %dma_wait3A_852 = arith.constant 7 : i32
        %dma_wait3A_853 = arith.constant 0 : i32
        %dma_wait3A_854 = arith.constant 0 : i32
        %dma_wait3A_855 = tpu.memref_slice %arg8[%dma_wait3A_851, %dma_wait3A_853, %dma_wait3A_854] : memref<8x128x48xbf16, #tpu.memory_space<vmem>> -> memref<1x128x48xbf16, #tpu.memory_space<vmem>>
        %dma_wait3A_856 = tpu.memref_squeeze %dma_wait3A_855 : memref<1x128x48xbf16, #tpu.memory_space<vmem>> -> memref<128x48xbf16, #tpu.memory_space<vmem>>
        %dma_wait3A_857 = arith.constant 0 : i32
        %dma_wait3A_858 = tpu.memref_slice %arg7[%add3A_850, %dma_wait3A_857] : memref<80x128xi32, #tpu.memory_space<vmem>> -> memref<1x128xi32, #tpu.memory_space<vmem>>
        %dma_wait3A_859 = tpu.memref_squeeze %dma_wait3A_858 : memref<1x128xi32, #tpu.memory_space<vmem>> -> memref<128xi32, #tpu.memory_space<vmem>>
        %dma_wait3A_860 = arith.constant 0 : i32
        %dma_wait3A_861 = arith.constant 0 : i32
        %dma_wait3A_862 = tpu.memref_slice %arg12[%dma_wait3A_860, %dma_wait3A_861] : memref<10240x48xbf16, #tpu.memory_space<vmem_shared>> -> memref<10240x48xbf16, #tpu.memory_space<vmem_shared>>
        %dma_wait3A_863 = tpu.memref_slice %arg14[%dma_wait3A_852] : memref<8x!tpu.dma_semaphore, #tpu.memory_space<semaphore_mem>> -> memref<1x!tpu.dma_semaphore, #tpu.memory_space<semaphore_mem>>
        %dma_wait3A_864 = tpu.memref_squeeze %dma_wait3A_863 : memref<1x!tpu.dma_semaphore, #tpu.memory_space<semaphore_mem>> -> memref<!tpu.dma_semaphore, #tpu.memory_space<semaphore_mem>>
        tpu.wait_indirect_dma semaphore(%dma_wait3A_864 : memref<!tpu.dma_semaphore, #tpu.memory_space<semaphore_mem>>) src(%dma_wait3A_856 : memref<128x48xbf16, #tpu.memory_space<vmem>>) dst(%dma_wait3A_862 : memref<10240x48xbf16, #tpu.memory_space<vmem_shared>>)
        %dma_start3A_865 = arith.constant 7 : i32
        %dma_start3A_866 = arith.constant 7 : i32
        %dma_start3A_867 = arith.constant 0 : i32
        %dma_start3A_868 = arith.constant 0 : i32
        %dma_start3A_869 = tpu.memref_slice %arg8[%dma_start3A_865, %dma_start3A_867, %dma_start3A_868] : memref<8x128x48xbf16, #tpu.memory_space<vmem>> -> memref<1x128x48xbf16, #tpu.memory_space<vmem>>
        %dma_start3A_870 = tpu.memref_squeeze %dma_start3A_869 : memref<1x128x48xbf16, #tpu.memory_space<vmem>> -> memref<128x48xbf16, #tpu.memory_space<vmem>>
        %dma_start3A_871 = arith.constant 0 : i32
        %dma_start3A_872 = tpu.memref_slice %arg6[%add3A_850, %dma_start3A_871] : memref<80x128xi32, #tpu.memory_space<vmem>> -> memref<1x128xi32, #tpu.memory_space<vmem>>
        %dma_start3A_873 = tpu.memref_squeeze %dma_start3A_872 : memref<1x128xi32, #tpu.memory_space<vmem>> -> memref<128xi32, #tpu.memory_space<vmem>>
        %dma_start3A_874 = arith.constant 0 : i32
        %dma_start3A_875 = arith.constant 0 : i32
        %dma_start3A_876 = tpu.memref_slice %arg11[%dma_start3A_874, %dma_start3A_875] : memref<10240x48xbf16, #tpu.memory_space<vmem_shared>> -> memref<10240x48xbf16, #tpu.memory_space<vmem_shared>>
        %dma_start3A_877 = tpu.memref_slice %arg13[%dma_start3A_866] : memref<8x!tpu.dma_semaphore, #tpu.memory_space<semaphore_mem>> -> memref<1x!tpu.dma_semaphore, #tpu.memory_space<semaphore_mem>>
        %dma_start3A_878 = tpu.memref_squeeze %dma_start3A_877 : memref<1x!tpu.dma_semaphore, #tpu.memory_space<semaphore_mem>> -> memref<!tpu.dma_semaphore, #tpu.memory_space<semaphore_mem>>
        tpu.enqueue_indirect_dma source(%dma_start3A_876 : memref<10240x48xbf16, #tpu.memory_space<vmem_shared>>) target(%dma_start3A_870 : memref<128x48xbf16, #tpu.memory_space<vmem>>) offsets(%dma_start3A_873 : memref<128xi32, #tpu.memory_space<vmem>>) semaphore(%dma_start3A_878 : memref<!tpu.dma_semaphore, #tpu.memory_space<semaphore_mem>>)
      } else {
      }
    }
    %scan3A_220 = arith.constant 10 : i32
    %dma_wait3A_221 = arith.constant 0 : i32
    %dma_wait3A_222 = arith.constant 0 : i32
    %dma_wait3A_223 = arith.constant 0 : i32
    %dma_wait3A_224 = arith.constant 0 : i32
    %dma_wait3A_225 = arith.constant 0 : i32
    %dma_wait3A_226 = tpu.memref_slice %arg8[%dma_wait3A_221, %dma_wait3A_224, %dma_wait3A_225] : memref<8x128x48xbf16, #tpu.memory_space<vmem>> -> memref<1x128x48xbf16, #tpu.memory_space<vmem>>
    %dma_wait3A_227 = tpu.memref_squeeze %dma_wait3A_226 : memref<1x128x48xbf16, #tpu.memory_space<vmem>> -> memref<128x48xbf16, #tpu.memory_space<vmem>>
    %dma_wait3A_228 = arith.constant 0 : i32
    %dma_wait3A_229 = tpu.memref_slice %arg7[%dma_wait3A_222, %dma_wait3A_228] : memref<80x128xi32, #tpu.memory_space<vmem>> -> memref<1x128xi32, #tpu.memory_space<vmem>>
    %dma_wait3A_230 = tpu.memref_squeeze %dma_wait3A_229 : memref<1x128xi32, #tpu.memory_space<vmem>> -> memref<128xi32, #tpu.memory_space<vmem>>
    %dma_wait3A_231 = arith.constant 0 : i32
    %dma_wait3A_232 = arith.constant 0 : i32
    %dma_wait3A_233 = tpu.memref_slice %arg12[%dma_wait3A_231, %dma_wait3A_232] : memref<10240x48xbf16, #tpu.memory_space<vmem_shared>> -> memref<10240x48xbf16, #tpu.memory_space<vmem_shared>>
    %dma_wait3A_234 = tpu.memref_slice %arg14[%dma_wait3A_223] : memref<8x!tpu.dma_semaphore, #tpu.memory_space<semaphore_mem>> -> memref<1x!tpu.dma_semaphore, #tpu.memory_space<semaphore_mem>>
    %dma_wait3A_235 = tpu.memref_squeeze %dma_wait3A_234 : memref<1x!tpu.dma_semaphore, #tpu.memory_space<semaphore_mem>> -> memref<!tpu.dma_semaphore, #tpu.memory_space<semaphore_mem>>
    tpu.wait_indirect_dma semaphore(%dma_wait3A_235 : memref<!tpu.dma_semaphore, #tpu.memory_space<semaphore_mem>>) src(%dma_wait3A_227 : memref<128x48xbf16, #tpu.memory_space<vmem>>) dst(%dma_wait3A_233 : memref<10240x48xbf16, #tpu.memory_space<vmem_shared>>)
    %dma_wait3A_236 = arith.constant 1 : i32
    %dma_wait3A_237 = arith.constant 1 : i32
    %dma_wait3A_238 = arith.constant 1 : i32
    %dma_wait3A_239 = arith.constant 0 : i32
    %dma_wait3A_240 = arith.constant 0 : i32
    %dma_wait3A_241 = tpu.memref_slice %arg8[%dma_wait3A_236, %dma_wait3A_239, %dma_wait3A_240] : memref<8x128x48xbf16, #tpu.memory_space<vmem>> -> memref<1x128x48xbf16, #tpu.memory_space<vmem>>
    %dma_wait3A_242 = tpu.memref_squeeze %dma_wait3A_241 : memref<1x128x48xbf16, #tpu.memory_space<vmem>> -> memref<128x48xbf16, #tpu.memory_space<vmem>>
    %dma_wait3A_243 = arith.constant 0 : i32
    %dma_wait3A_244 = tpu.memref_slice %arg7[%dma_wait3A_237, %dma_wait3A_243] : memref<80x128xi32, #tpu.memory_space<vmem>> -> memref<1x128xi32, #tpu.memory_space<vmem>>
    %dma_wait3A_245 = tpu.memref_squeeze %dma_wait3A_244 : memref<1x128xi32, #tpu.memory_space<vmem>> -> memref<128xi32, #tpu.memory_space<vmem>>
    %dma_wait3A_246 = arith.constant 0 : i32
    %dma_wait3A_247 = arith.constant 0 : i32
    %dma_wait3A_248 = tpu.memref_slice %arg12[%dma_wait3A_246, %dma_wait3A_247] : memref<10240x48xbf16, #tpu.memory_space<vmem_shared>> -> memref<10240x48xbf16, #tpu.memory_space<vmem_shared>>
    %dma_wait3A_249 = tpu.memref_slice %arg14[%dma_wait3A_238] : memref<8x!tpu.dma_semaphore, #tpu.memory_space<semaphore_mem>> -> memref<1x!tpu.dma_semaphore, #tpu.memory_space<semaphore_mem>>
    %dma_wait3A_250 = tpu.memref_squeeze %dma_wait3A_249 : memref<1x!tpu.dma_semaphore, #tpu.memory_space<semaphore_mem>> -> memref<!tpu.dma_semaphore, #tpu.memory_space<semaphore_mem>>
    tpu.wait_indirect_dma semaphore(%dma_wait3A_250 : memref<!tpu.dma_semaphore, #tpu.memory_space<semaphore_mem>>) src(%dma_wait3A_242 : memref<128x48xbf16, #tpu.memory_space<vmem>>) dst(%dma_wait3A_248 : memref<10240x48xbf16, #tpu.memory_space<vmem_shared>>)
    %dma_wait3A_251 = arith.constant 2 : i32
    %dma_wait3A_252 = arith.constant 2 : i32
    %dma_wait3A_253 = arith.constant 2 : i32
    %dma_wait3A_254 = arith.constant 0 : i32
    %dma_wait3A_255 = arith.constant 0 : i32
    %dma_wait3A_256 = tpu.memref_slice %arg8[%dma_wait3A_251, %dma_wait3A_254, %dma_wait3A_255] : memref<8x128x48xbf16, #tpu.memory_space<vmem>> -> memref<1x128x48xbf16, #tpu.memory_space<vmem>>
    %dma_wait3A_257 = tpu.memref_squeeze %dma_wait3A_256 : memref<1x128x48xbf16, #tpu.memory_space<vmem>> -> memref<128x48xbf16, #tpu.memory_space<vmem>>
    %dma_wait3A_258 = arith.constant 0 : i32
    %dma_wait3A_259 = tpu.memref_slice %arg7[%dma_wait3A_252, %dma_wait3A_258] : memref<80x128xi32, #tpu.memory_space<vmem>> -> memref<1x128xi32, #tpu.memory_space<vmem>>
    %dma_wait3A_260 = tpu.memref_squeeze %dma_wait3A_259 : memref<1x128xi32, #tpu.memory_space<vmem>> -> memref<128xi32, #tpu.memory_space<vmem>>
    %dma_wait3A_261 = arith.constant 0 : i32
    %dma_wait3A_262 = arith.constant 0 : i32
    %dma_wait3A_263 = tpu.memref_slice %arg12[%dma_wait3A_261, %dma_wait3A_262] : memref<10240x48xbf16, #tpu.memory_space<vmem_shared>> -> memref<10240x48xbf16, #tpu.memory_space<vmem_shared>>
    %dma_wait3A_264 = tpu.memref_slice %arg14[%dma_wait3A_253] : memref<8x!tpu.dma_semaphore, #tpu.memory_space<semaphore_mem>> -> memref<1x!tpu.dma_semaphore, #tpu.memory_space<semaphore_mem>>
    %dma_wait3A_265 = tpu.memref_squeeze %dma_wait3A_264 : memref<1x!tpu.dma_semaphore, #tpu.memory_space<semaphore_mem>> -> memref<!tpu.dma_semaphore, #tpu.memory_space<semaphore_mem>>
    tpu.wait_indirect_dma semaphore(%dma_wait3A_265 : memref<!tpu.dma_semaphore, #tpu.memory_space<semaphore_mem>>) src(%dma_wait3A_257 : memref<128x48xbf16, #tpu.memory_space<vmem>>) dst(%dma_wait3A_263 : memref<10240x48xbf16, #tpu.memory_space<vmem_shared>>)
    %dma_wait3A_266 = arith.constant 3 : i32
    %dma_wait3A_267 = arith.constant 3 : i32
    %dma_wait3A_268 = arith.constant 3 : i32
    %dma_wait3A_269 = arith.constant 0 : i32
    %dma_wait3A_270 = arith.constant 0 : i32
    %dma_wait3A_271 = tpu.memref_slice %arg8[%dma_wait3A_266, %dma_wait3A_269, %dma_wait3A_270] : memref<8x128x48xbf16, #tpu.memory_space<vmem>> -> memref<1x128x48xbf16, #tpu.memory_space<vmem>>
    %dma_wait3A_272 = tpu.memref_squeeze %dma_wait3A_271 : memref<1x128x48xbf16, #tpu.memory_space<vmem>> -> memref<128x48xbf16, #tpu.memory_space<vmem>>
    %dma_wait3A_273 = arith.constant 0 : i32
    %dma_wait3A_274 = tpu.memref_slice %arg7[%dma_wait3A_267, %dma_wait3A_273] : memref<80x128xi32, #tpu.memory_space<vmem>> -> memref<1x128xi32, #tpu.memory_space<vmem>>
    %dma_wait3A_275 = tpu.memref_squeeze %dma_wait3A_274 : memref<1x128xi32, #tpu.memory_space<vmem>> -> memref<128xi32, #tpu.memory_space<vmem>>
    %dma_wait3A_276 = arith.constant 0 : i32
    %dma_wait3A_277 = arith.constant 0 : i32
    %dma_wait3A_278 = tpu.memref_slice %arg12[%dma_wait3A_276, %dma_wait3A_277] : memref<10240x48xbf16, #tpu.memory_space<vmem_shared>> -> memref<10240x48xbf16, #tpu.memory_space<vmem_shared>>
    %dma_wait3A_279 = tpu.memref_slice %arg14[%dma_wait3A_268] : memref<8x!tpu.dma_semaphore, #tpu.memory_space<semaphore_mem>> -> memref<1x!tpu.dma_semaphore, #tpu.memory_space<semaphore_mem>>
    %dma_wait3A_280 = tpu.memref_squeeze %dma_wait3A_279 : memref<1x!tpu.dma_semaphore, #tpu.memory_space<semaphore_mem>> -> memref<!tpu.dma_semaphore, #tpu.memory_space<semaphore_mem>>
    tpu.wait_indirect_dma semaphore(%dma_wait3A_280 : memref<!tpu.dma_semaphore, #tpu.memory_space<semaphore_mem>>) src(%dma_wait3A_272 : memref<128x48xbf16, #tpu.memory_space<vmem>>) dst(%dma_wait3A_278 : memref<10240x48xbf16, #tpu.memory_space<vmem_shared>>)
    %dma_wait3A_281 = arith.constant 4 : i32
    %dma_wait3A_282 = arith.constant 4 : i32
    %dma_wait3A_283 = arith.constant 4 : i32
    %dma_wait3A_284 = arith.constant 0 : i32
    %dma_wait3A_285 = arith.constant 0 : i32
    %dma_wait3A_286 = tpu.memref_slice %arg8[%dma_wait3A_281, %dma_wait3A_284, %dma_wait3A_285] : memref<8x128x48xbf16, #tpu.memory_space<vmem>> -> memref<1x128x48xbf16, #tpu.memory_space<vmem>>
    %dma_wait3A_287 = tpu.memref_squeeze %dma_wait3A_286 : memref<1x128x48xbf16, #tpu.memory_space<vmem>> -> memref<128x48xbf16, #tpu.memory_space<vmem>>
    %dma_wait3A_288 = arith.constant 0 : i32
    %dma_wait3A_289 = tpu.memref_slice %arg7[%dma_wait3A_282, %dma_wait3A_288] : memref<80x128xi32, #tpu.memory_space<vmem>> -> memref<1x128xi32, #tpu.memory_space<vmem>>
    %dma_wait3A_290 = tpu.memref_squeeze %dma_wait3A_289 : memref<1x128xi32, #tpu.memory_space<vmem>> -> memref<128xi32, #tpu.memory_space<vmem>>
    %dma_wait3A_291 = arith.constant 0 : i32
    %dma_wait3A_292 = arith.constant 0 : i32
    %dma_wait3A_293 = tpu.memref_slice %arg12[%dma_wait3A_291, %dma_wait3A_292] : memref<10240x48xbf16, #tpu.memory_space<vmem_shared>> -> memref<10240x48xbf16, #tpu.memory_space<vmem_shared>>
    %dma_wait3A_294 = tpu.memref_slice %arg14[%dma_wait3A_283] : memref<8x!tpu.dma_semaphore, #tpu.memory_space<semaphore_mem>> -> memref<1x!tpu.dma_semaphore, #tpu.memory_space<semaphore_mem>>
    %dma_wait3A_295 = tpu.memref_squeeze %dma_wait3A_294 : memref<1x!tpu.dma_semaphore, #tpu.memory_space<semaphore_mem>> -> memref<!tpu.dma_semaphore, #tpu.memory_space<semaphore_mem>>
    tpu.wait_indirect_dma semaphore(%dma_wait3A_295 : memref<!tpu.dma_semaphore, #tpu.memory_space<semaphore_mem>>) src(%dma_wait3A_287 : memref<128x48xbf16, #tpu.memory_space<vmem>>) dst(%dma_wait3A_293 : memref<10240x48xbf16, #tpu.memory_space<vmem_shared>>)
    %dma_wait3A_296 = arith.constant 5 : i32
    %dma_wait3A_297 = arith.constant 5 : i32
    %dma_wait3A_298 = arith.constant 5 : i32
    %dma_wait3A_299 = arith.constant 0 : i32
    %dma_wait3A_300 = arith.constant 0 : i32
    %dma_wait3A_301 = tpu.memref_slice %arg8[%dma_wait3A_296, %dma_wait3A_299, %dma_wait3A_300] : memref<8x128x48xbf16, #tpu.memory_space<vmem>> -> memref<1x128x48xbf16, #tpu.memory_space<vmem>>
    %dma_wait3A_302 = tpu.memref_squeeze %dma_wait3A_301 : memref<1x128x48xbf16, #tpu.memory_space<vmem>> -> memref<128x48xbf16, #tpu.memory_space<vmem>>
    %dma_wait3A_303 = arith.constant 0 : i32
    %dma_wait3A_304 = tpu.memref_slice %arg7[%dma_wait3A_297, %dma_wait3A_303] : memref<80x128xi32, #tpu.memory_space<vmem>> -> memref<1x128xi32, #tpu.memory_space<vmem>>
    %dma_wait3A_305 = tpu.memref_squeeze %dma_wait3A_304 : memref<1x128xi32, #tpu.memory_space<vmem>> -> memref<128xi32, #tpu.memory_space<vmem>>
    %dma_wait3A_306 = arith.constant 0 : i32
    %dma_wait3A_307 = arith.constant 0 : i32
    %dma_wait3A_308 = tpu.memref_slice %arg12[%dma_wait3A_306, %dma_wait3A_307] : memref<10240x48xbf16, #tpu.memory_space<vmem_shared>> -> memref<10240x48xbf16, #tpu.memory_space<vmem_shared>>
    %dma_wait3A_309 = tpu.memref_slice %arg14[%dma_wait3A_298] : memref<8x!tpu.dma_semaphore, #tpu.memory_space<semaphore_mem>> -> memref<1x!tpu.dma_semaphore, #tpu.memory_space<semaphore_mem>>
    %dma_wait3A_310 = tpu.memref_squeeze %dma_wait3A_309 : memref<1x!tpu.dma_semaphore, #tpu.memory_space<semaphore_mem>> -> memref<!tpu.dma_semaphore, #tpu.memory_space<semaphore_mem>>
    tpu.wait_indirect_dma semaphore(%dma_wait3A_310 : memref<!tpu.dma_semaphore, #tpu.memory_space<semaphore_mem>>) src(%dma_wait3A_302 : memref<128x48xbf16, #tpu.memory_space<vmem>>) dst(%dma_wait3A_308 : memref<10240x48xbf16, #tpu.memory_space<vmem_shared>>)
    %dma_wait3A_311 = arith.constant 6 : i32
    %dma_wait3A_312 = arith.constant 6 : i32
    %dma_wait3A_313 = arith.constant 6 : i32
    %dma_wait3A_314 = arith.constant 0 : i32
    %dma_wait3A_315 = arith.constant 0 : i32
    %dma_wait3A_316 = tpu.memref_slice %arg8[%dma_wait3A_311, %dma_wait3A_314, %dma_wait3A_315] : memref<8x128x48xbf16, #tpu.memory_space<vmem>> -> memref<1x128x48xbf16, #tpu.memory_space<vmem>>
    %dma_wait3A_317 = tpu.memref_squeeze %dma_wait3A_316 : memref<1x128x48xbf16, #tpu.memory_space<vmem>> -> memref<128x48xbf16, #tpu.memory_space<vmem>>
    %dma_wait3A_318 = arith.constant 0 : i32
    %dma_wait3A_319 = tpu.memref_slice %arg7[%dma_wait3A_312, %dma_wait3A_318] : memref<80x128xi32, #tpu.memory_space<vmem>> -> memref<1x128xi32, #tpu.memory_space<vmem>>
    %dma_wait3A_320 = tpu.memref_squeeze %dma_wait3A_319 : memref<1x128xi32, #tpu.memory_space<vmem>> -> memref<128xi32, #tpu.memory_space<vmem>>
    %dma_wait3A_321 = arith.constant 0 : i32
    %dma_wait3A_322 = arith.constant 0 : i32
    %dma_wait3A_323 = tpu.memref_slice %arg12[%dma_wait3A_321, %dma_wait3A_322] : memref<10240x48xbf16, #tpu.memory_space<vmem_shared>> -> memref<10240x48xbf16, #tpu.memory_space<vmem_shared>>
    %dma_wait3A_324 = tpu.memref_slice %arg14[%dma_wait3A_313] : memref<8x!tpu.dma_semaphore, #tpu.memory_space<semaphore_mem>> -> memref<1x!tpu.dma_semaphore, #tpu.memory_space<semaphore_mem>>
    %dma_wait3A_325 = tpu.memref_squeeze %dma_wait3A_324 : memref<1x!tpu.dma_semaphore, #tpu.memory_space<semaphore_mem>> -> memref<!tpu.dma_semaphore, #tpu.memory_space<semaphore_mem>>
    tpu.wait_indirect_dma semaphore(%dma_wait3A_325 : memref<!tpu.dma_semaphore, #tpu.memory_space<semaphore_mem>>) src(%dma_wait3A_317 : memref<128x48xbf16, #tpu.memory_space<vmem>>) dst(%dma_wait3A_323 : memref<10240x48xbf16, #tpu.memory_space<vmem_shared>>)
    %dma_wait3A_326 = arith.constant 7 : i32
    %dma_wait3A_327 = arith.constant 7 : i32
    %dma_wait3A_328 = arith.constant 7 : i32
    %dma_wait3A_329 = arith.constant 0 : i32
    %dma_wait3A_330 = arith.constant 0 : i32
    %dma_wait3A_331 = tpu.memref_slice %arg8[%dma_wait3A_326, %dma_wait3A_329, %dma_wait3A_330] : memref<8x128x48xbf16, #tpu.memory_space<vmem>> -> memref<1x128x48xbf16, #tpu.memory_space<vmem>>
    %dma_wait3A_332 = tpu.memref_squeeze %dma_wait3A_331 : memref<1x128x48xbf16, #tpu.memory_space<vmem>> -> memref<128x48xbf16, #tpu.memory_space<vmem>>
    %dma_wait3A_333 = arith.constant 0 : i32
    %dma_wait3A_334 = tpu.memref_slice %arg7[%dma_wait3A_327, %dma_wait3A_333] : memref<80x128xi32, #tpu.memory_space<vmem>> -> memref<1x128xi32, #tpu.memory_space<vmem>>
    %dma_wait3A_335 = tpu.memref_squeeze %dma_wait3A_334 : memref<1x128xi32, #tpu.memory_space<vmem>> -> memref<128xi32, #tpu.memory_space<vmem>>
    %dma_wait3A_336 = arith.constant 0 : i32
    %dma_wait3A_337 = arith.constant 0 : i32
    %dma_wait3A_338 = tpu.memref_slice %arg12[%dma_wait3A_336, %dma_wait3A_337] : memref<10240x48xbf16, #tpu.memory_space<vmem_shared>> -> memref<10240x48xbf16, #tpu.memory_space<vmem_shared>>
    %dma_wait3A_339 = tpu.memref_slice %arg14[%dma_wait3A_328] : memref<8x!tpu.dma_semaphore, #tpu.memory_space<semaphore_mem>> -> memref<1x!tpu.dma_semaphore, #tpu.memory_space<semaphore_mem>>
    %dma_wait3A_340 = tpu.memref_squeeze %dma_wait3A_339 : memref<1x!tpu.dma_semaphore, #tpu.memory_space<semaphore_mem>> -> memref<!tpu.dma_semaphore, #tpu.memory_space<semaphore_mem>>
    tpu.wait_indirect_dma semaphore(%dma_wait3A_340 : memref<!tpu.dma_semaphore, #tpu.memory_space<semaphore_mem>>) src(%dma_wait3A_332 : memref<128x48xbf16, #tpu.memory_space<vmem>>) dst(%dma_wait3A_338 : memref<10240x48xbf16, #tpu.memory_space<vmem_shared>>)
    %barrier3A_341 = arith.constant 0 : index
    tpu.barrier barrier_id(%barrier3A_341)
    %scan3A_342 = arith.constant 0 : i32
    %scan3A_343 = arith.constant 0 : i32
    %scan3A_344 = arith.constant 5 : i32
    %scan3A_345 = arith.addi %scan3A_343, %scan3A_344 : i32
    %scan3A_346 = arith.constant 1 : i32
    scf.for %scan3A_348 = %scan3A_343 to %scan3A_345 step %scan3A_346  : i32 {
      %mul3A_349 = arith.constant 128 : i32
      %mul3A_350 = arith.muli %scan3A_348, %mul3A_349 : i32
      %add3A_351 = arith.addi %mul3A_2, %mul3A_350 : i32
      %run_scoped3A = arith.constant 0 : i32
      "tpu.region"() ({
        %run_scoped3A_382 = tpu.sem_alloc : memref<!tpu.dma_semaphore, #tpu.memory_space<semaphore_mem>>
        %dma_start3A_383 = arith.constant 0 : i32
        %dma_start3A_384 = arith.constant 0 : i32
        %dma_start3A_385 = tpu.memref_slice %arg8[%run_scoped3A, %dma_start3A_383, %dma_start3A_384] : memref<8x128x48xbf16, #tpu.memory_space<vmem>> -> memref<1x128x48xbf16, #tpu.memory_space<vmem>>
        %dma_start3A_386 = tpu.memref_squeeze %dma_start3A_385 : memref<1x128x48xbf16, #tpu.memory_space<vmem>> -> memref<128x48xbf16, #tpu.memory_space<vmem>>
        %dma_start3A_387 = arith.constant 0 : i32
        %dma_start3A_388 = tpu.memref_slice %arg12[%add3A_351, %dma_start3A_387] : memref<10240x48xbf16, #tpu.memory_space<vmem_shared>> -> memref<128x48xbf16, #tpu.memory_space<vmem_shared>>
        %dma_start3A_389 = arith.constant 0 : i32
        %dma_start3A_390 = arith.constant 0 : i32
        %dma_start3A_391 = tpu.memref_slice %arg8[%run_scoped3A, %dma_start3A_389, %dma_start3A_390] : memref<8x128x48xbf16, #tpu.memory_space<vmem>> -> memref<1x128x48xbf16, #tpu.memory_space<vmem>>
        %dma_start3A_392 = tpu.memref_squeeze %dma_start3A_391 : memref<1x128x48xbf16, #tpu.memory_space<vmem>> -> memref<128x48xbf16, #tpu.memory_space<vmem>>
        %dma_start3A_393 = arith.constant 0 : i32
        %dma_start3A_394 = tpu.memref_slice %arg12[%add3A_351, %dma_start3A_393] : memref<10240x48xbf16, #tpu.memory_space<vmem_shared>> -> memref<128x48xbf16, #tpu.memory_space<vmem_shared>>
        tpu.enqueue_dma source(%dma_start3A_394 : memref<128x48xbf16, #tpu.memory_space<vmem_shared>>) target(%dma_start3A_392 : memref<128x48xbf16, #tpu.memory_space<vmem>>) target_semaphore(%run_scoped3A_382 : memref<!tpu.dma_semaphore, #tpu.memory_space<semaphore_mem>>)
        %dma_wait3A_395 = arith.constant 0 : i32
        %dma_wait3A_396 = arith.constant 0 : i32
        %dma_wait3A_397 = tpu.memref_slice %arg8[%run_scoped3A, %dma_wait3A_395, %dma_wait3A_396] : memref<8x128x48xbf16, #tpu.memory_space<vmem>> -> memref<1x128x48xbf16, #tpu.memory_space<vmem>>
        %dma_wait3A_398 = tpu.memref_squeeze %dma_wait3A_397 : memref<1x128x48xbf16, #tpu.memory_space<vmem>> -> memref<128x48xbf16, #tpu.memory_space<vmem>>
        %dma_wait3A_399 = arith.constant 0 : i32
        %dma_wait3A_400 = tpu.memref_slice %arg12[%add3A_351, %dma_wait3A_399] : memref<10240x48xbf16, #tpu.memory_space<vmem_shared>> -> memref<128x48xbf16, #tpu.memory_space<vmem_shared>>
        %dma_wait3A_401 = arith.constant 0 : i32
        %dma_wait3A_402 = arith.constant 0 : i32
        %dma_wait3A_403 = tpu.memref_slice %arg8[%run_scoped3A, %dma_wait3A_401, %dma_wait3A_402] : memref<8x128x48xbf16, #tpu.memory_space<vmem>> -> memref<1x128x48xbf16, #tpu.memory_space<vmem>>
        %dma_wait3A_404 = tpu.memref_squeeze %dma_wait3A_403 : memref<1x128x48xbf16, #tpu.memory_space<vmem>> -> memref<128x48xbf16, #tpu.memory_space<vmem>>
        %dma_wait3A_405 = arith.constant 0 : i32
        %dma_wait3A_406 = tpu.memref_slice %arg12[%add3A_351, %dma_wait3A_405] : memref<10240x48xbf16, #tpu.memory_space<vmem_shared>> -> memref<128x48xbf16, #tpu.memory_space<vmem_shared>>
        tpu.wait_dma2 semaphore(%run_scoped3A_382 : memref<!tpu.dma_semaphore, #tpu.memory_space<semaphore_mem>>) src(%dma_wait3A_406 : memref<128x48xbf16, #tpu.memory_space<vmem_shared>>) dst(%dma_wait3A_404 : memref<128x48xbf16, #tpu.memory_space<vmem>>)
        tpu.yield
      }) : () -> ()
      %dma_start3A_352 = arith.constant 0 : i32
      %dma_start3A_353 = arith.constant 0 : i32
      %dma_start3A_354 = arith.constant 0 : i32
      %dma_start3A_355 = tpu.memref_slice %arg8[%dma_start3A_352, %dma_start3A_353, %dma_start3A_354] : memref<8x128x48xbf16, #tpu.memory_space<vmem>> -> memref<1x128x48xbf16, #tpu.memory_space<vmem>>
      %dma_start3A_356 = tpu.memref_squeeze %dma_start3A_355 : memref<1x128x48xbf16, #tpu.memory_space<vmem>> -> memref<128x48xbf16, #tpu.memory_space<vmem>>
      %dma_start3A_357 = arith.constant 0 : i32
      %dma_start3A_358 = tpu.memref_slice %arg9[%scan3A_348, %dma_start3A_357] : memref<5x128xi32, #tpu.memory_space<vmem>> -> memref<1x128xi32, #tpu.memory_space<vmem>>
      %dma_start3A_359 = tpu.memref_squeeze %dma_start3A_358 : memref<1x128xi32, #tpu.memory_space<vmem>> -> memref<128xi32, #tpu.memory_space<vmem>>
      %dma_start3A_360 = arith.constant 0 : i32
      %dma_start3A_361 = arith.constant 0 : i32
      %dma_start3A_362 = tpu.memref_slice %arg4[%arg0, %dma_start3A_360, %dma_start3A_361] : memref<2x10240x48xbf16, #tpu.memory_space<hbm>> -> memref<1x10240x48xbf16, #tpu.memory_space<hbm>>
      %dma_start3A_363 = tpu.memref_squeeze %dma_start3A_362 : memref<1x10240x48xbf16, #tpu.memory_space<hbm>> -> memref<10240x48xbf16, #tpu.memory_space<hbm>>
      %dma_start3A_364 = arith.constant 0 : i32
      %dma_start3A_365 = arith.constant 0 : i32
      %dma_start3A_366 = tpu.memref_slice %dma_start3A_363[%dma_start3A_364, %dma_start3A_365] : memref<10240x48xbf16, #tpu.memory_space<hbm>> -> memref<10240x48xbf16, #tpu.memory_space<hbm>>
      tpu.enqueue_indirect_dma source(%dma_start3A_356 : memref<128x48xbf16, #tpu.memory_space<vmem>>) target(%dma_start3A_366 : memref<10240x48xbf16, #tpu.memory_space<hbm>>) offsets(%dma_start3A_359 : memref<128xi32, #tpu.memory_space<vmem>>) semaphore(%arg15 : memref<!tpu.dma_semaphore, #tpu.memory_space<semaphore_mem>>)
      %dma_wait3A_367 = arith.constant 0 : i32
      %dma_wait3A_368 = arith.constant 0 : i32
      %dma_wait3A_369 = arith.constant 0 : i32
      %dma_wait3A_370 = tpu.memref_slice %arg8[%dma_wait3A_367, %dma_wait3A_368, %dma_wait3A_369] : memref<8x128x48xbf16, #tpu.memory_space<vmem>> -> memref<1x128x48xbf16, #tpu.memory_space<vmem>>
      %dma_wait3A_371 = tpu.memref_squeeze %dma_wait3A_370 : memref<1x128x48xbf16, #tpu.memory_space<vmem>> -> memref<128x48xbf16, #tpu.memory_space<vmem>>
      %dma_wait3A_372 = arith.constant 0 : i32
      %dma_wait3A_373 = tpu.memref_slice %arg9[%scan3A_348, %dma_wait3A_372] : memref<5x128xi32, #tpu.memory_space<vmem>> -> memref<1x128xi32, #tpu.memory_space<vmem>>
      %dma_wait3A_374 = tpu.memref_squeeze %dma_wait3A_373 : memref<1x128xi32, #tpu.memory_space<vmem>> -> memref<128xi32, #tpu.memory_space<vmem>>
      %dma_wait3A_375 = arith.constant 0 : i32
      %dma_wait3A_376 = arith.constant 0 : i32
      %dma_wait3A_377 = tpu.memref_slice %arg4[%arg0, %dma_wait3A_375, %dma_wait3A_376] : memref<2x10240x48xbf16, #tpu.memory_space<hbm>> -> memref<1x10240x48xbf16, #tpu.memory_space<hbm>>
      %dma_wait3A_378 = tpu.memref_squeeze %dma_wait3A_377 : memref<1x10240x48xbf16, #tpu.memory_space<hbm>> -> memref<10240x48xbf16, #tpu.memory_space<hbm>>
      %dma_wait3A_379 = arith.constant 0 : i32
      %dma_wait3A_380 = arith.constant 0 : i32
      %dma_wait3A_381 = tpu.memref_slice %dma_wait3A_378[%dma_wait3A_379, %dma_wait3A_380] : memref<10240x48xbf16, #tpu.memory_space<hbm>> -> memref<10240x48xbf16, #tpu.memory_space<hbm>>
      tpu.wait_indirect_dma semaphore(%arg15 : memref<!tpu.dma_semaphore, #tpu.memory_space<semaphore_mem>>) src(%dma_wait3A_371 : memref<128x48xbf16, #tpu.memory_space<vmem>>) dst(%dma_wait3A_381 : memref<10240x48xbf16, #tpu.memory_space<hbm>>)
    }
    %scan3A_347 = arith.constant 5 : i32
    return
  }
}

#map = affine_map<(d0, d1) -> (0, 0)>
module attributes {stable_mosaic.version = 14 : i64} {
  func.func @k(%arg0: i32, %arg1: i32, %arg2: memref<2560x128xi32, #tpu.memory_space<hbm>>, %arg3: memref<2x10240xf32, #tpu.memory_space<hbm>>, %arg4: memref<80x128xi32, #tpu.memory_space<vmem>>, %arg5: memref<80x128xi32, #tpu.memory_space<vmem>>, %arg6: memref<128xf32, #tpu.memory_space<vmem>>, %arg7: memref<128xf32, #tpu.memory_space<vmem>>, %arg8: memref<8x80xi32, #tpu.memory_space<vmem>>, %arg9: memref<10240xf32, #tpu.memory_space<vmem_shared>>, %arg10: memref<!tpu.dma_semaphore, #tpu.memory_space<semaphore_mem>>) attributes {dimension_semantics = [#tpu.dimension_semantics<core_parallel>, #tpu.dimension_semantics<subcore_parallel>], iteration_bounds = array<i64: 2, 16>, scalar_prefetch = 0 : i64, scratch_operands = 7 : i64, tpu.core_type = #tpu.core_type<sc_vector_subcore>, window_params = [{transform_indices = #map}, {transform_indices = #map}]} {
    %mul3A = arith.constant 16 : i32
    %mul3A_0 = arith.muli %arg0, %mul3A : i32
    %add3A = arith.addi %mul3A_0, %arg1 : i32
    %broadcast_in_dim3A = arith.constant 1.000000e+00 : f32
    %broadcast_in_dim3A_1 = vector.broadcast %broadcast_in_dim3A : f32 to vector<16xf32>
    %swap3A = arith.constant 0 : index
    %swap3A_2 = tpu.vector_load %arg6[%swap3A] {strides = array<i32>} : memref<128xf32, #tpu.memory_space<vmem>>, vector<16xf32>,
    %swap3A_3 = vector.shape_cast %swap3A_2 : vector<16xf32> to vector<16xf32>
    %swap3A_4 = vector.shape_cast %broadcast_in_dim3A_1 : vector<16xf32> to vector<16xf32>
    tpu.vector_store %arg6[%swap3A], %swap3A_4 {strides = array<i32>} : memref<128xf32, #tpu.memory_space<vmem>>, vector<16xf32>,
    %broadcast_in_dim3A_5 = arith.constant 0.000000e+00 : f32
    %broadcast_in_dim3A_6 = vector.broadcast %broadcast_in_dim3A_5 : f32 to vector<16xf32>
    %swap3A_7 = arith.constant 0 : index
    %swap3A_8 = tpu.vector_load %arg7[%swap3A_7] {strides = array<i32>} : memref<128xf32, #tpu.memory_space<vmem>>, vector<16xf32>,
    %swap3A_9 = vector.shape_cast %swap3A_8 : vector<16xf32> to vector<16xf32>
    %swap3A_10 = vector.shape_cast %broadcast_in_dim3A_6 : vector<16xf32> to vector<16xf32>
    tpu.vector_store %arg7[%swap3A_7], %swap3A_10 {strides = array<i32>} : memref<128xf32, #tpu.memory_space<vmem>>, vector<16xf32>,
    %broadcast_in_dim3A_11 = arith.constant 1.000000e+00 : f32
    %broadcast_in_dim3A_12 = vector.broadcast %broadcast_in_dim3A_11 : f32 to vector<16xf32>
    %swap3A_13 = arith.constant 16 : index
    %swap3A_14 = tpu.vector_load %arg6[%swap3A_13] {strides = array<i32>} : memref<128xf32, #tpu.memory_space<vmem>>, vector<16xf32>,
    %swap3A_15 = vector.shape_cast %swap3A_14 : vector<16xf32> to vector<16xf32>
    %swap3A_16 = vector.shape_cast %broadcast_in_dim3A_12 : vector<16xf32> to vector<16xf32>
    tpu.vector_store %arg6[%swap3A_13], %swap3A_16 {strides = array<i32>} : memref<128xf32, #tpu.memory_space<vmem>>, vector<16xf32>,
    %broadcast_in_dim3A_17 = arith.constant 0.000000e+00 : f32
    %broadcast_in_dim3A_18 = vector.broadcast %broadcast_in_dim3A_17 : f32 to vector<16xf32>
    %swap3A_19 = arith.constant 16 : index
    %swap3A_20 = tpu.vector_load %arg7[%swap3A_19] {strides = array<i32>} : memref<128xf32, #tpu.memory_space<vmem>>, vector<16xf32>,
    %swap3A_21 = vector.shape_cast %swap3A_20 : vector<16xf32> to vector<16xf32>
    %swap3A_22 = vector.shape_cast %broadcast_in_dim3A_18 : vector<16xf32> to vector<16xf32>
    tpu.vector_store %arg7[%swap3A_19], %swap3A_22 {strides = array<i32>} : memref<128xf32, #tpu.memory_space<vmem>>, vector<16xf32>,
    %broadcast_in_dim3A_23 = arith.constant 1.000000e+00 : f32
    %broadcast_in_dim3A_24 = vector.broadcast %broadcast_in_dim3A_23 : f32 to vector<16xf32>
    %swap3A_25 = arith.constant 32 : index
    %swap3A_26 = tpu.vector_load %arg6[%swap3A_25] {strides = array<i32>} : memref<128xf32, #tpu.memory_space<vmem>>, vector<16xf32>,
    %swap3A_27 = vector.shape_cast %swap3A_26 : vector<16xf32> to vector<16xf32>
    %swap3A_28 = vector.shape_cast %broadcast_in_dim3A_24 : vector<16xf32> to vector<16xf32>
    tpu.vector_store %arg6[%swap3A_25], %swap3A_28 {strides = array<i32>} : memref<128xf32, #tpu.memory_space<vmem>>, vector<16xf32>,
    %broadcast_in_dim3A_29 = arith.constant 0.000000e+00 : f32
    %broadcast_in_dim3A_30 = vector.broadcast %broadcast_in_dim3A_29 : f32 to vector<16xf32>
    %swap3A_31 = arith.constant 32 : index
    %swap3A_32 = tpu.vector_load %arg7[%swap3A_31] {strides = array<i32>} : memref<128xf32, #tpu.memory_space<vmem>>, vector<16xf32>,
    %swap3A_33 = vector.shape_cast %swap3A_32 : vector<16xf32> to vector<16xf32>
    %swap3A_34 = vector.shape_cast %broadcast_in_dim3A_30 : vector<16xf32> to vector<16xf32>
    tpu.vector_store %arg7[%swap3A_31], %swap3A_34 {strides = array<i32>} : memref<128xf32, #tpu.memory_space<vmem>>, vector<16xf32>,
    %broadcast_in_dim3A_35 = arith.constant 1.000000e+00 : f32
    %broadcast_in_dim3A_36 = vector.broadcast %broadcast_in_dim3A_35 : f32 to vector<16xf32>
    %swap3A_37 = arith.constant 48 : index
    %swap3A_38 = tpu.vector_load %arg6[%swap3A_37] {strides = array<i32>} : memref<128xf32, #tpu.memory_space<vmem>>, vector<16xf32>,
    %swap3A_39 = vector.shape_cast %swap3A_38 : vector<16xf32> to vector<16xf32>
    %swap3A_40 = vector.shape_cast %broadcast_in_dim3A_36 : vector<16xf32> to vector<16xf32>
    tpu.vector_store %arg6[%swap3A_37], %swap3A_40 {strides = array<i32>} : memref<128xf32, #tpu.memory_space<vmem>>, vector<16xf32>,
    %broadcast_in_dim3A_41 = arith.constant 0.000000e+00 : f32
    %broadcast_in_dim3A_42 = vector.broadcast %broadcast_in_dim3A_41 : f32 to vector<16xf32>
    %swap3A_43 = arith.constant 48 : index
    %swap3A_44 = tpu.vector_load %arg7[%swap3A_43] {strides = array<i32>} : memref<128xf32, #tpu.memory_space<vmem>>, vector<16xf32>,
    %swap3A_45 = vector.shape_cast %swap3A_44 : vector<16xf32> to vector<16xf32>
    %swap3A_46 = vector.shape_cast %broadcast_in_dim3A_42 : vector<16xf32> to vector<16xf32>
    tpu.vector_store %arg7[%swap3A_43], %swap3A_46 {strides = array<i32>} : memref<128xf32, #tpu.memory_space<vmem>>, vector<16xf32>,
    %broadcast_in_dim3A_47 = arith.constant 1.000000e+00 : f32
    %broadcast_in_dim3A_48 = vector.broadcast %broadcast_in_dim3A_47 : f32 to vector<16xf32>
    %swap3A_49 = arith.constant 64 : index
    %swap3A_50 = tpu.vector_load %arg6[%swap3A_49] {strides = array<i32>} : memref<128xf32, #tpu.memory_space<vmem>>, vector<16xf32>,
    %swap3A_51 = vector.shape_cast %swap3A_50 : vector<16xf32> to vector<16xf32>
    %swap3A_52 = vector.shape_cast %broadcast_in_dim3A_48 : vector<16xf32> to vector<16xf32>
    tpu.vector_store %arg6[%swap3A_49], %swap3A_52 {strides = array<i32>} : memref<128xf32, #tpu.memory_space<vmem>>, vector<16xf32>,
    %broadcast_in_dim3A_53 = arith.constant 0.000000e+00 : f32
    %broadcast_in_dim3A_54 = vector.broadcast %broadcast_in_dim3A_53 : f32 to vector<16xf32>
    %swap3A_55 = arith.constant 64 : index
    %swap3A_56 = tpu.vector_load %arg7[%swap3A_55] {strides = array<i32>} : memref<128xf32, #tpu.memory_space<vmem>>, vector<16xf32>,
    %swap3A_57 = vector.shape_cast %swap3A_56 : vector<16xf32> to vector<16xf32>
    %swap3A_58 = vector.shape_cast %broadcast_in_dim3A_54 : vector<16xf32> to vector<16xf32>
    tpu.vector_store %arg7[%swap3A_55], %swap3A_58 {strides = array<i32>} : memref<128xf32, #tpu.memory_space<vmem>>, vector<16xf32>,
    %broadcast_in_dim3A_59 = arith.constant 1.000000e+00 : f32
    %broadcast_in_dim3A_60 = vector.broadcast %broadcast_in_dim3A_59 : f32 to vector<16xf32>
    %swap3A_61 = arith.constant 80 : index
    %swap3A_62 = tpu.vector_load %arg6[%swap3A_61] {strides = array<i32>} : memref<128xf32, #tpu.memory_space<vmem>>, vector<16xf32>,
    %swap3A_63 = vector.shape_cast %swap3A_62 : vector<16xf32> to vector<16xf32>
    %swap3A_64 = vector.shape_cast %broadcast_in_dim3A_60 : vector<16xf32> to vector<16xf32>
    tpu.vector_store %arg6[%swap3A_61], %swap3A_64 {strides = array<i32>} : memref<128xf32, #tpu.memory_space<vmem>>, vector<16xf32>,
    %broadcast_in_dim3A_65 = arith.constant 0.000000e+00 : f32
    %broadcast_in_dim3A_66 = vector.broadcast %broadcast_in_dim3A_65 : f32 to vector<16xf32>
    %swap3A_67 = arith.constant 80 : index
    %swap3A_68 = tpu.vector_load %arg7[%swap3A_67] {strides = array<i32>} : memref<128xf32, #tpu.memory_space<vmem>>, vector<16xf32>,
    %swap3A_69 = vector.shape_cast %swap3A_68 : vector<16xf32> to vector<16xf32>
    %swap3A_70 = vector.shape_cast %broadcast_in_dim3A_66 : vector<16xf32> to vector<16xf32>
    tpu.vector_store %arg7[%swap3A_67], %swap3A_70 {strides = array<i32>} : memref<128xf32, #tpu.memory_space<vmem>>, vector<16xf32>,
    %broadcast_in_dim3A_71 = arith.constant 1.000000e+00 : f32
    %broadcast_in_dim3A_72 = vector.broadcast %broadcast_in_dim3A_71 : f32 to vector<16xf32>
    %swap3A_73 = arith.constant 96 : index
    %swap3A_74 = tpu.vector_load %arg6[%swap3A_73] {strides = array<i32>} : memref<128xf32, #tpu.memory_space<vmem>>, vector<16xf32>,
    %swap3A_75 = vector.shape_cast %swap3A_74 : vector<16xf32> to vector<16xf32>
    %swap3A_76 = vector.shape_cast %broadcast_in_dim3A_72 : vector<16xf32> to vector<16xf32>
    tpu.vector_store %arg6[%swap3A_73], %swap3A_76 {strides = array<i32>} : memref<128xf32, #tpu.memory_space<vmem>>, vector<16xf32>,
    %broadcast_in_dim3A_77 = arith.constant 0.000000e+00 : f32
    %broadcast_in_dim3A_78 = vector.broadcast %broadcast_in_dim3A_77 : f32 to vector<16xf32>
    %swap3A_79 = arith.constant 96 : index
    %swap3A_80 = tpu.vector_load %arg7[%swap3A_79] {strides = array<i32>} : memref<128xf32, #tpu.memory_space<vmem>>, vector<16xf32>,
    %swap3A_81 = vector.shape_cast %swap3A_80 : vector<16xf32> to vector<16xf32>
    %swap3A_82 = vector.shape_cast %broadcast_in_dim3A_78 : vector<16xf32> to vector<16xf32>
    tpu.vector_store %arg7[%swap3A_79], %swap3A_82 {strides = array<i32>} : memref<128xf32, #tpu.memory_space<vmem>>, vector<16xf32>,
    %broadcast_in_dim3A_83 = arith.constant 1.000000e+00 : f32
    %broadcast_in_dim3A_84 = vector.broadcast %broadcast_in_dim3A_83 : f32 to vector<16xf32>
    %swap3A_85 = arith.constant 112 : index
    %swap3A_86 = tpu.vector_load %arg6[%swap3A_85] {strides = array<i32>} : memref<128xf32, #tpu.memory_space<vmem>>, vector<16xf32>,
    %swap3A_87 = vector.shape_cast %swap3A_86 : vector<16xf32> to vector<16xf32>
    %swap3A_88 = vector.shape_cast %broadcast_in_dim3A_84 : vector<16xf32> to vector<16xf32>
    tpu.vector_store %arg6[%swap3A_85], %swap3A_88 {strides = array<i32>} : memref<128xf32, #tpu.memory_space<vmem>>, vector<16xf32>,
    %broadcast_in_dim3A_89 = arith.constant 0.000000e+00 : f32
    %broadcast_in_dim3A_90 = vector.broadcast %broadcast_in_dim3A_89 : f32 to vector<16xf32>
    %swap3A_91 = arith.constant 112 : index
    %swap3A_92 = tpu.vector_load %arg7[%swap3A_91] {strides = array<i32>} : memref<128xf32, #tpu.memory_space<vmem>>, vector<16xf32>,
    %swap3A_93 = vector.shape_cast %swap3A_92 : vector<16xf32> to vector<16xf32>
    %swap3A_94 = vector.shape_cast %broadcast_in_dim3A_90 : vector<16xf32> to vector<16xf32>
    tpu.vector_store %arg7[%swap3A_91], %swap3A_94 {strides = array<i32>} : memref<128xf32, #tpu.memory_space<vmem>>, vector<16xf32>,
    %mul3A_95 = arith.constant 80 : i32
    %mul3A_96 = arith.muli %add3A, %mul3A_95 : i32
    %add3A_97 = arith.constant 0 : i32
    %add3A_98 = arith.addi %mul3A_96, %add3A_97 : i32
    %iota3A = tpu.iota {dimensions = array<i32: 0>} : vector<16xi32>
    %add3A_99 = vector.broadcast %add3A_98 : i32 to vector<16xi32>
    %add3A_100 = arith.addi %add3A_99, %iota3A : vector<16xi32>
    %swap3A_101 = arith.constant 0 : i32
    %swap3A_102 = arith.index_cast %swap3A_101 : i32 to index
    %swap3A_103 = arith.constant 0 : index
    %swap3A_104 = tpu.vector_load %arg8[%swap3A_102, %swap3A_103] {strides = array<i32>} : memref<8x80xi32, #tpu.memory_space<vmem>>, vector<1x16xi32>,
    %swap3A_105 = vector.shape_cast %swap3A_104 : vector<1x16xi32> to vector<16xi32>
    %swap3A_106 = vector.shape_cast %add3A_100 : vector<16xi32> to vector<1x16xi32>
    tpu.vector_store %arg8[%swap3A_102, %swap3A_103], %swap3A_106 {strides = array<i32>} : memref<8x80xi32, #tpu.memory_space<vmem>>, vector<1x16xi32>,
    %mul3A_107 = arith.constant 80 : i32
    %mul3A_108 = arith.muli %add3A, %mul3A_107 : i32
    %add3A_109 = arith.constant 16 : i32
    %add3A_110 = arith.addi %mul3A_108, %add3A_109 : i32
    %iota3A_111 = tpu.iota {dimensions = array<i32: 0>} : vector<16xi32>
    %add3A_112 = vector.broadcast %add3A_110 : i32 to vector<16xi32>
    %add3A_113 = arith.addi %add3A_112, %iota3A_111 : vector<16xi32>
    %swap3A_114 = arith.constant 0 : i32
    %swap3A_115 = arith.index_cast %swap3A_114 : i32 to index
    %swap3A_116 = arith.constant 16 : index
    %swap3A_117 = tpu.vector_load %arg8[%swap3A_115, %swap3A_116] {strides = array<i32>} : memref<8x80xi32, #tpu.memory_space<vmem>>, vector<1x16xi32>,
    %swap3A_118 = vector.shape_cast %swap3A_117 : vector<1x16xi32> to vector<16xi32>
    %swap3A_119 = vector.shape_cast %add3A_113 : vector<16xi32> to vector<1x16xi32>
    tpu.vector_store %arg8[%swap3A_115, %swap3A_116], %swap3A_119 {strides = array<i32>} : memref<8x80xi32, #tpu.memory_space<vmem>>, vector<1x16xi32>,
    %mul3A_120 = arith.constant 80 : i32
    %mul3A_121 = arith.muli %add3A, %mul3A_120 : i32
    %add3A_122 = arith.constant 32 : i32
    %add3A_123 = arith.addi %mul3A_121, %add3A_122 : i32
    %iota3A_124 = tpu.iota {dimensions = array<i32: 0>} : vector<16xi32>
    %add3A_125 = vector.broadcast %add3A_123 : i32 to vector<16xi32>
    %add3A_126 = arith.addi %add3A_125, %iota3A_124 : vector<16xi32>
    %swap3A_127 = arith.constant 0 : i32
    %swap3A_128 = arith.index_cast %swap3A_127 : i32 to index
    %swap3A_129 = arith.constant 32 : index
    %swap3A_130 = tpu.vector_load %arg8[%swap3A_128, %swap3A_129] {strides = array<i32>} : memref<8x80xi32, #tpu.memory_space<vmem>>, vector<1x16xi32>,
    %swap3A_131 = vector.shape_cast %swap3A_130 : vector<1x16xi32> to vector<16xi32>
    %swap3A_132 = vector.shape_cast %add3A_126 : vector<16xi32> to vector<1x16xi32>
    tpu.vector_store %arg8[%swap3A_128, %swap3A_129], %swap3A_132 {strides = array<i32>} : memref<8x80xi32, #tpu.memory_space<vmem>>, vector<1x16xi32>,
    %mul3A_133 = arith.constant 80 : i32
    %mul3A_134 = arith.muli %add3A, %mul3A_133 : i32
    %add3A_135 = arith.constant 48 : i32
    %add3A_136 = arith.addi %mul3A_134, %add3A_135 : i32
    %iota3A_137 = tpu.iota {dimensions = array<i32: 0>} : vector<16xi32>
    %add3A_138 = vector.broadcast %add3A_136 : i32 to vector<16xi32>
    %add3A_139 = arith.addi %add3A_138, %iota3A_137 : vector<16xi32>
    %swap3A_140 = arith.constant 0 : i32
    %swap3A_141 = arith.index_cast %swap3A_140 : i32 to index
    %swap3A_142 = arith.constant 48 : index
    %swap3A_143 = tpu.vector_load %arg8[%swap3A_141, %swap3A_142] {strides = array<i32>} : memref<8x80xi32, #tpu.memory_space<vmem>>, vector<1x16xi32>,
    %swap3A_144 = vector.shape_cast %swap3A_143 : vector<1x16xi32> to vector<16xi32>
    %swap3A_145 = vector.shape_cast %add3A_139 : vector<16xi32> to vector<1x16xi32>
    tpu.vector_store %arg8[%swap3A_141, %swap3A_142], %swap3A_145 {strides = array<i32>} : memref<8x80xi32, #tpu.memory_space<vmem>>, vector<1x16xi32>,
    %mul3A_146 = arith.constant 80 : i32
    %mul3A_147 = arith.muli %add3A, %mul3A_146 : i32
    %add3A_148 = arith.constant 64 : i32
    %add3A_149 = arith.addi %mul3A_147, %add3A_148 : i32
    %iota3A_150 = tpu.iota {dimensions = array<i32: 0>} : vector<16xi32>
    %add3A_151 = vector.broadcast %add3A_149 : i32 to vector<16xi32>
    %add3A_152 = arith.addi %add3A_151, %iota3A_150 : vector<16xi32>
    %swap3A_153 = arith.constant 0 : i32
    %swap3A_154 = arith.index_cast %swap3A_153 : i32 to index
    %swap3A_155 = arith.constant 64 : index
    %swap3A_156 = tpu.vector_load %arg8[%swap3A_154, %swap3A_155] {strides = array<i32>} : memref<8x80xi32, #tpu.memory_space<vmem>>, vector<1x16xi32>,
    %swap3A_157 = vector.shape_cast %swap3A_156 : vector<1x16xi32> to vector<16xi32>
    %swap3A_158 = vector.shape_cast %add3A_152 : vector<16xi32> to vector<1x16xi32>
    tpu.vector_store %arg8[%swap3A_154, %swap3A_155], %swap3A_158 {strides = array<i32>} : memref<8x80xi32, #tpu.memory_space<vmem>>, vector<1x16xi32>,
    %mul3A_159 = arith.constant 640 : i32
    %mul3A_160 = arith.muli %arg1, %mul3A_159 : i32
    %scan3A = arith.constant 0 : i32
    %scan3A_161 = arith.constant 0 : i32
    %scan3A_162 = arith.constant 5 : i32
    %scan3A_163 = arith.addi %scan3A_161, %scan3A_162 : i32
    %scan3A_164 = arith.constant 1 : i32
    scf.for %scan3A_197 = %scan3A_161 to %scan3A_163 step %scan3A_164  : i32 {
      %mul3A_198 = arith.constant 128 : i32
      %mul3A_199 = arith.muli %scan3A_197, %mul3A_198 : i32
      %add3A_200 = arith.addi %mul3A_160, %mul3A_199 : i32
      "tpu.region"() ({
        %run_scoped3A = tpu.sem_alloc : memref<!tpu.dma_semaphore, #tpu.memory_space<semaphore_mem>>
        %dma_start3A_201 = tpu.memref_slice %arg9[%add3A_200] : memref<10240xf32, #tpu.memory_space<vmem_shared>> -> memref<128xf32, #tpu.memory_space<vmem_shared>>
        %dma_start3A_202 = tpu.memref_slice %arg9[%add3A_200] : memref<10240xf32, #tpu.memory_space<vmem_shared>> -> memref<128xf32, #tpu.memory_space<vmem_shared>>
        tpu.enqueue_dma source(%arg7 : memref<128xf32, #tpu.memory_space<vmem>>) target(%dma_start3A_202 : memref<128xf32, #tpu.memory_space<vmem_shared>>) target_semaphore(%run_scoped3A : memref<!tpu.dma_semaphore, #tpu.memory_space<semaphore_mem>>)
        %dma_wait3A_203 = tpu.memref_slice %arg9[%add3A_200] : memref<10240xf32, #tpu.memory_space<vmem_shared>> -> memref<128xf32, #tpu.memory_space<vmem_shared>>
        %dma_wait3A_204 = tpu.memref_slice %arg9[%add3A_200] : memref<10240xf32, #tpu.memory_space<vmem_shared>> -> memref<128xf32, #tpu.memory_space<vmem_shared>>
        tpu.wait_dma2 semaphore(%run_scoped3A : memref<!tpu.dma_semaphore, #tpu.memory_space<semaphore_mem>>) src(%arg7 : memref<128xf32, #tpu.memory_space<vmem>>) dst(%dma_wait3A_204 : memref<128xf32, #tpu.memory_space<vmem_shared>>)
        tpu.yield
      }) : () -> ()
    }
    %scan3A_165 = arith.constant 5 : i32
    %dma_start3A = arith.constant 0 : i32
    %dma_start3A_166 = arith.constant 0 : i32
    %dma_start3A_167 = tpu.memref_slice %arg8[%dma_start3A, %dma_start3A_166] : memref<8x80xi32, #tpu.memory_space<vmem>> -> memref<1x80xi32, #tpu.memory_space<vmem>>
    %dma_start3A_168 = tpu.memref_squeeze %dma_start3A_167 : memref<1x80xi32, #tpu.memory_space<vmem>> -> memref<80xi32, #tpu.memory_space<vmem>>
    %dma_start3A_169 = arith.constant 0 : i32
    %dma_start3A_170 = arith.constant 0 : i32
    %dma_start3A_171 = tpu.memref_slice %arg2[%dma_start3A_169, %dma_start3A_170] : memref<2560x128xi32, #tpu.memory_space<hbm>> -> memref<2560x128xi32, #tpu.memory_space<hbm>>
    tpu.enqueue_indirect_dma source(%dma_start3A_171 : memref<2560x128xi32, #tpu.memory_space<hbm>>) target(%arg4 : memref<80x128xi32, #tpu.memory_space<vmem>>) offsets(%dma_start3A_168 : memref<80xi32, #tpu.memory_space<vmem>>) semaphore(%arg10 : memref<!tpu.dma_semaphore, #tpu.memory_space<semaphore_mem>>)
    %dma_wait3A = arith.constant 0 : i32
    %dma_wait3A_172 = arith.constant 0 : i32
    %dma_wait3A_173 = tpu.memref_slice %arg8[%dma_wait3A, %dma_wait3A_172] : memref<8x80xi32, #tpu.memory_space<vmem>> -> memref<1x80xi32, #tpu.memory_space<vmem>>
    %dma_wait3A_174 = tpu.memref_squeeze %dma_wait3A_173 : memref<1x80xi32, #tpu.memory_space<vmem>> -> memref<80xi32, #tpu.memory_space<vmem>>
    %dma_wait3A_175 = arith.constant 0 : i32
    %dma_wait3A_176 = arith.constant 0 : i32
    %dma_wait3A_177 = tpu.memref_slice %arg2[%dma_wait3A_175, %dma_wait3A_176] : memref<2560x128xi32, #tpu.memory_space<hbm>> -> memref<2560x128xi32, #tpu.memory_space<hbm>>
    tpu.wait_indirect_dma semaphore(%arg10 : memref<!tpu.dma_semaphore, #tpu.memory_space<semaphore_mem>>) src(%dma_wait3A_177 : memref<2560x128xi32, #tpu.memory_space<hbm>>) dst(%arg4 : memref<80x128xi32, #tpu.memory_space<vmem>>)
    %scan3A_178 = arith.constant 0 : i32
    %scan3A_179 = arith.constant 0 : i32
    %scan3A_180 = arith.constant 80 : i32
    %scan3A_181 = arith.addi %scan3A_179, %scan3A_180 : i32
    %scan3A_182 = arith.constant 1 : i32
    scf.for %scan3A_197 = %scan3A_179 to %scan3A_181 step %scan3A_182  : i32 {
      %get3A = arith.index_cast %scan3A_197 : i32 to index
      %get3A_198 = arith.constant 0 : index
      %get3A_199 = tpu.vector_load %arg4[%get3A, %get3A_198] {strides = array<i32>} : memref<80x128xi32, #tpu.memory_space<vmem>>, vector<1x16xi32>,
      %get3A_200 = vector.shape_cast %get3A_199 : vector<1x16xi32> to vector<16xi32>
      %shift_right_logical3A = arith.constant 16 : i32
      %shift_right_logical3A_201 = vector.broadcast %shift_right_logical3A : i32 to vector<16xi32>
      %shift_right_logical3A_202 = arith.shrui %get3A_200, %shift_right_logical3A_201 : vector<16xi32>
      %swap3A_203 = arith.index_cast %scan3A_197 : i32 to index
      %swap3A_204 = arith.constant 0 : index
      %swap3A_205 = tpu.vector_load %arg5[%swap3A_203, %swap3A_204] {strides = array<i32>} : memref<80x128xi32, #tpu.memory_space<vmem>>, vector<1x16xi32>,
      %swap3A_206 = vector.shape_cast %swap3A_205 : vector<1x16xi32> to vector<16xi32>
      %swap3A_207 = vector.shape_cast %shift_right_logical3A_202 : vector<16xi32> to vector<1x16xi32>
      tpu.vector_store %arg5[%swap3A_203, %swap3A_204], %swap3A_207 {strides = array<i32>} : memref<80x128xi32, #tpu.memory_space<vmem>>, vector<1x16xi32>,
      %get3A_208 = arith.index_cast %scan3A_197 : i32 to index
      %get3A_209 = arith.constant 16 : index
      %get3A_210 = tpu.vector_load %arg4[%get3A_208, %get3A_209] {strides = array<i32>} : memref<80x128xi32, #tpu.memory_space<vmem>>, vector<1x16xi32>,
      %get3A_211 = vector.shape_cast %get3A_210 : vector<1x16xi32> to vector<16xi32>
      %shift_right_logical3A_212 = arith.constant 16 : i32
      %shift_right_logical3A_213 = vector.broadcast %shift_right_logical3A_212 : i32 to vector<16xi32>
      %shift_right_logical3A_214 = arith.shrui %get3A_211, %shift_right_logical3A_213 : vector<16xi32>
      %swap3A_215 = arith.index_cast %scan3A_197 : i32 to index
      %swap3A_216 = arith.constant 16 : index
      %swap3A_217 = tpu.vector_load %arg5[%swap3A_215, %swap3A_216] {strides = array<i32>} : memref<80x128xi32, #tpu.memory_space<vmem>>, vector<1x16xi32>,
      %swap3A_218 = vector.shape_cast %swap3A_217 : vector<1x16xi32> to vector<16xi32>
      %swap3A_219 = vector.shape_cast %shift_right_logical3A_214 : vector<16xi32> to vector<1x16xi32>
      tpu.vector_store %arg5[%swap3A_215, %swap3A_216], %swap3A_219 {strides = array<i32>} : memref<80x128xi32, #tpu.memory_space<vmem>>, vector<1x16xi32>,
      %get3A_220 = arith.index_cast %scan3A_197 : i32 to index
      %get3A_221 = arith.constant 32 : index
      %get3A_222 = tpu.vector_load %arg4[%get3A_220, %get3A_221] {strides = array<i32>} : memref<80x128xi32, #tpu.memory_space<vmem>>, vector<1x16xi32>,
      %get3A_223 = vector.shape_cast %get3A_222 : vector<1x16xi32> to vector<16xi32>
      %shift_right_logical3A_224 = arith.constant 16 : i32
      %shift_right_logical3A_225 = vector.broadcast %shift_right_logical3A_224 : i32 to vector<16xi32>
      %shift_right_logical3A_226 = arith.shrui %get3A_223, %shift_right_logical3A_225 : vector<16xi32>
      %swap3A_227 = arith.index_cast %scan3A_197 : i32 to index
      %swap3A_228 = arith.constant 32 : index
      %swap3A_229 = tpu.vector_load %arg5[%swap3A_227, %swap3A_228] {strides = array<i32>} : memref<80x128xi32, #tpu.memory_space<vmem>>, vector<1x16xi32>,
      %swap3A_230 = vector.shape_cast %swap3A_229 : vector<1x16xi32> to vector<16xi32>
      %swap3A_231 = vector.shape_cast %shift_right_logical3A_226 : vector<16xi32> to vector<1x16xi32>
      tpu.vector_store %arg5[%swap3A_227, %swap3A_228], %swap3A_231 {strides = array<i32>} : memref<80x128xi32, #tpu.memory_space<vmem>>, vector<1x16xi32>,
      %get3A_232 = arith.index_cast %scan3A_197 : i32 to index
      %get3A_233 = arith.constant 48 : index
      %get3A_234 = tpu.vector_load %arg4[%get3A_232, %get3A_233] {strides = array<i32>} : memref<80x128xi32, #tpu.memory_space<vmem>>, vector<1x16xi32>,
      %get3A_235 = vector.shape_cast %get3A_234 : vector<1x16xi32> to vector<16xi32>
      %shift_right_logical3A_236 = arith.constant 16 : i32
      %shift_right_logical3A_237 = vector.broadcast %shift_right_logical3A_236 : i32 to vector<16xi32>
      %shift_right_logical3A_238 = arith.shrui %get3A_235, %shift_right_logical3A_237 : vector<16xi32>
      %swap3A_239 = arith.index_cast %scan3A_197 : i32 to index
      %swap3A_240 = arith.constant 48 : index
      %swap3A_241 = tpu.vector_load %arg5[%swap3A_239, %swap3A_240] {strides = array<i32>} : memref<80x128xi32, #tpu.memory_space<vmem>>, vector<1x16xi32>,
      %swap3A_242 = vector.shape_cast %swap3A_241 : vector<1x16xi32> to vector<16xi32>
      %swap3A_243 = vector.shape_cast %shift_right_logical3A_238 : vector<16xi32> to vector<1x16xi32>
      tpu.vector_store %arg5[%swap3A_239, %swap3A_240], %swap3A_243 {strides = array<i32>} : memref<80x128xi32, #tpu.memory_space<vmem>>, vector<1x16xi32>,
      %get3A_244 = arith.index_cast %scan3A_197 : i32 to index
      %get3A_245 = arith.constant 64 : index
      %get3A_246 = tpu.vector_load %arg4[%get3A_244, %get3A_245] {strides = array<i32>} : memref<80x128xi32, #tpu.memory_space<vmem>>, vector<1x16xi32>,
      %get3A_247 = vector.shape_cast %get3A_246 : vector<1x16xi32> to vector<16xi32>
      %shift_right_logical3A_248 = arith.constant 16 : i32
      %shift_right_logical3A_249 = vector.broadcast %shift_right_logical3A_248 : i32 to vector<16xi32>
      %shift_right_logical3A_250 = arith.shrui %get3A_247, %shift_right_logical3A_249 : vector<16xi32>
      %swap3A_251 = arith.index_cast %scan3A_197 : i32 to index
      %swap3A_252 = arith.constant 64 : index
      %swap3A_253 = tpu.vector_load %arg5[%swap3A_251, %swap3A_252] {strides = array<i32>} : memref<80x128xi32, #tpu.memory_space<vmem>>, vector<1x16xi32>,
      %swap3A_254 = vector.shape_cast %swap3A_253 : vector<1x16xi32> to vector<16xi32>
      %swap3A_255 = vector.shape_cast %shift_right_logical3A_250 : vector<16xi32> to vector<1x16xi32>
      tpu.vector_store %arg5[%swap3A_251, %swap3A_252], %swap3A_255 {strides = array<i32>} : memref<80x128xi32, #tpu.memory_space<vmem>>, vector<1x16xi32>,
      %get3A_256 = arith.index_cast %scan3A_197 : i32 to index
      %get3A_257 = arith.constant 80 : index
      %get3A_258 = tpu.vector_load %arg4[%get3A_256, %get3A_257] {strides = array<i32>} : memref<80x128xi32, #tpu.memory_space<vmem>>, vector<1x16xi32>,
      %get3A_259 = vector.shape_cast %get3A_258 : vector<1x16xi32> to vector<16xi32>
      %shift_right_logical3A_260 = arith.constant 16 : i32
      %shift_right_logical3A_261 = vector.broadcast %shift_right_logical3A_260 : i32 to vector<16xi32>
      %shift_right_logical3A_262 = arith.shrui %get3A_259, %shift_right_logical3A_261 : vector<16xi32>
      %swap3A_263 = arith.index_cast %scan3A_197 : i32 to index
      %swap3A_264 = arith.constant 80 : index
      %swap3A_265 = tpu.vector_load %arg5[%swap3A_263, %swap3A_264] {strides = array<i32>} : memref<80x128xi32, #tpu.memory_space<vmem>>, vector<1x16xi32>,
      %swap3A_266 = vector.shape_cast %swap3A_265 : vector<1x16xi32> to vector<16xi32>
      %swap3A_267 = vector.shape_cast %shift_right_logical3A_262 : vector<16xi32> to vector<1x16xi32>
      tpu.vector_store %arg5[%swap3A_263, %swap3A_264], %swap3A_267 {strides = array<i32>} : memref<80x128xi32, #tpu.memory_space<vmem>>, vector<1x16xi32>,
      %get3A_268 = arith.index_cast %scan3A_197 : i32 to index
      %get3A_269 = arith.constant 96 : index
      %get3A_270 = tpu.vector_load %arg4[%get3A_268, %get3A_269] {strides = array<i32>} : memref<80x128xi32, #tpu.memory_space<vmem>>, vector<1x16xi32>,
      %get3A_271 = vector.shape_cast %get3A_270 : vector<1x16xi32> to vector<16xi32>
      %shift_right_logical3A_272 = arith.constant 16 : i32
      %shift_right_logical3A_273 = vector.broadcast %shift_right_logical3A_272 : i32 to vector<16xi32>
      %shift_right_logical3A_274 = arith.shrui %get3A_271, %shift_right_logical3A_273 : vector<16xi32>
      %swap3A_275 = arith.index_cast %scan3A_197 : i32 to index
      %swap3A_276 = arith.constant 96 : index
      %swap3A_277 = tpu.vector_load %arg5[%swap3A_275, %swap3A_276] {strides = array<i32>} : memref<80x128xi32, #tpu.memory_space<vmem>>, vector<1x16xi32>,
      %swap3A_278 = vector.shape_cast %swap3A_277 : vector<1x16xi32> to vector<16xi32>
      %swap3A_279 = vector.shape_cast %shift_right_logical3A_274 : vector<16xi32> to vector<1x16xi32>
      tpu.vector_store %arg5[%swap3A_275, %swap3A_276], %swap3A_279 {strides = array<i32>} : memref<80x128xi32, #tpu.memory_space<vmem>>, vector<1x16xi32>,
      %get3A_280 = arith.index_cast %scan3A_197 : i32 to index
      %get3A_281 = arith.constant 112 : index
      %get3A_282 = tpu.vector_load %arg4[%get3A_280, %get3A_281] {strides = array<i32>} : memref<80x128xi32, #tpu.memory_space<vmem>>, vector<1x16xi32>,
      %get3A_283 = vector.shape_cast %get3A_282 : vector<1x16xi32> to vector<16xi32>
      %shift_right_logical3A_284 = arith.constant 16 : i32
      %shift_right_logical3A_285 = vector.broadcast %shift_right_logical3A_284 : i32 to vector<16xi32>
      %shift_right_logical3A_286 = arith.shrui %get3A_283, %shift_right_logical3A_285 : vector<16xi32>
      %swap3A_287 = arith.index_cast %scan3A_197 : i32 to index
      %swap3A_288 = arith.constant 112 : index
      %swap3A_289 = tpu.vector_load %arg5[%swap3A_287, %swap3A_288] {strides = array<i32>} : memref<80x128xi32, #tpu.memory_space<vmem>>, vector<1x16xi32>,
      %swap3A_290 = vector.shape_cast %swap3A_289 : vector<1x16xi32> to vector<16xi32>
      %swap3A_291 = vector.shape_cast %shift_right_logical3A_286 : vector<16xi32> to vector<1x16xi32>
      tpu.vector_store %arg5[%swap3A_287, %swap3A_288], %swap3A_291 {strides = array<i32>} : memref<80x128xi32, #tpu.memory_space<vmem>>, vector<1x16xi32>,
    }
    %scan3A_183 = arith.constant 80 : i32
    %barrier3A = arith.constant 0 : index
    tpu.barrier barrier_id(%barrier3A)
    %scan3A_184 = arith.constant 0 : i32
    %scan3A_185 = arith.constant 0 : i32
    %scan3A_186 = arith.constant 80 : i32
    %scan3A_187 = arith.addi %scan3A_185, %scan3A_186 : i32
    %scan3A_188 = arith.constant 1 : i32
    scf.for %scan3A_197 = %scan3A_185 to %scan3A_187 step %scan3A_188  : i32 {
      %dma_start3A_198 = arith.constant 0 : i32
      %dma_start3A_199 = tpu.memref_slice %arg5[%scan3A_197, %dma_start3A_198] : memref<80x128xi32, #tpu.memory_space<vmem>> -> memref<1x128xi32, #tpu.memory_space<vmem>>
      %dma_start3A_200 = tpu.memref_squeeze %dma_start3A_199 : memref<1x128xi32, #tpu.memory_space<vmem>> -> memref<128xi32, #tpu.memory_space<vmem>>
      %dma_start3A_201 = arith.constant 0 : i32
      %dma_start3A_202 = tpu.memref_slice %arg9[%dma_start3A_201] : memref<10240xf32, #tpu.memory_space<vmem_shared>> -> memref<10240xf32, #tpu.memory_space<vmem_shared>>
      tpu.enqueue_indirect_dma source(%arg6 : memref<128xf32, #tpu.memory_space<vmem>>) target(%dma_start3A_202 : memref<10240xf32, #tpu.memory_space<vmem_shared>>) offsets(%dma_start3A_200 : memref<128xi32, #tpu.memory_space<vmem>>) semaphore(%arg10 : memref<!tpu.dma_semaphore, #tpu.memory_space<semaphore_mem>>) {add = true}
    }
    %scan3A_189 = arith.constant 80 : i32
    %scan3A_190 = arith.constant 0 : i32
    %scan3A_191 = arith.constant 0 : i32
    %scan3A_192 = arith.constant 80 : i32
    %scan3A_193 = arith.addi %scan3A_191, %scan3A_192 : i32
    %scan3A_194 = arith.constant 1 : i32
    scf.for %scan3A_197 = %scan3A_191 to %scan3A_193 step %scan3A_194  : i32 {
      %dma_wait3A_198 = arith.constant 0 : i32
      %dma_wait3A_199 = tpu.memref_slice %arg5[%scan3A_197, %dma_wait3A_198] : memref<80x128xi32, #tpu.memory_space<vmem>> -> memref<1x128xi32, #tpu.memory_space<vmem>>
      %dma_wait3A_200 = tpu.memref_squeeze %dma_wait3A_199 : memref<1x128xi32, #tpu.memory_space<vmem>> -> memref<128xi32, #tpu.memory_space<vmem>>
      %dma_wait3A_201 = arith.constant 0 : i32
      %dma_wait3A_202 = tpu.memref_slice %arg9[%dma_wait3A_201] : memref<10240xf32, #tpu.memory_space<vmem_shared>> -> memref<10240xf32, #tpu.memory_space<vmem_shared>>
      tpu.wait_indirect_dma semaphore(%arg10 : memref<!tpu.dma_semaphore, #tpu.memory_space<semaphore_mem>>) src(%arg6 : memref<128xf32, #tpu.memory_space<vmem>>) dst(%dma_wait3A_202 : memref<10240xf32, #tpu.memory_space<vmem_shared>>)
    }
    %scan3A_195 = arith.constant 80 : i32
    %barrier3A_196 = arith.constant 0 : index
    tpu.barrier barrier_id(%barrier3A_196)
    "tpu.region"() ({
      %run_scoped3A = tpu.sem_alloc : memref<!tpu.dma_semaphore, #tpu.memory_space<semaphore_mem>>
      %dma_start3A_197 = tpu.memref_slice %arg3[%arg0, %mul3A_160] : memref<2x10240xf32, #tpu.memory_space<hbm>> -> memref<1x640xf32, #tpu.memory_space<hbm>>
      %dma_start3A_198 = tpu.memref_squeeze %dma_start3A_197 : memref<1x640xf32, #tpu.memory_space<hbm>> -> memref<640xf32, #tpu.memory_space<hbm>>
      %dma_start3A_199 = tpu.memref_slice %arg9[%mul3A_160] : memref<10240xf32, #tpu.memory_space<vmem_shared>> -> memref<640xf32, #tpu.memory_space<vmem_shared>>
      tpu.enqueue_dma source(%dma_start3A_199 : memref<640xf32, #tpu.memory_space<vmem_shared>>) target(%dma_start3A_198 : memref<640xf32, #tpu.memory_space<hbm>>) target_semaphore(%run_scoped3A : memref<!tpu.dma_semaphore, #tpu.memory_space<semaphore_mem>>)
      %dma_wait3A_200 = tpu.memref_slice %arg3[%arg0, %mul3A_160] : memref<2x10240xf32, #tpu.memory_space<hbm>> -> memref<1x640xf32, #tpu.memory_space<hbm>>
      %dma_wait3A_201 = tpu.memref_squeeze %dma_wait3A_200 : memref<1x640xf32, #tpu.memory_space<hbm>> -> memref<640xf32, #tpu.memory_space<hbm>>
      %dma_wait3A_202 = tpu.memref_slice %arg9[%mul3A_160] : memref<10240xf32, #tpu.memory_space<vmem_shared>> -> memref<640xf32, #tpu.memory_space<vmem_shared>>
      tpu.wait_dma2 semaphore(%run_scoped3A : memref<!tpu.dma_semaphore, #tpu.memory_space<semaphore_mem>>) src(%dma_wait3A_202 : memref<640xf32, #tpu.memory_space<vmem_shared>>) dst(%dma_wait3A_201 : memref<640xf32, #tpu.memory_space<hbm>>)
      tpu.yield
    }) : () -> ()
    return
  }
}

module attributes {stable_mosaic.version = 14 : i64} {
  func.func @body(%arg0: memref<10240x128xf32, #tpu.memory_space<vmem>>, %arg1: memref<128x128xf32, #tpu.memory_space<vmem>>, %arg2: memref<48x128xf32, #tpu.memory_space<vmem>>, %arg3: memref<10240x48xf32, #tpu.memory_space<vmem>>) attributes {dimension_semantics = [], scalar_prefetch = 0 : i64, scratch_operands = 0 : i64, tpu.core_type = #tpu.core_type<tc>} {
    %get3A = arith.constant 0 : index
    %get3A_0 = arith.constant 0 : index
    %get3A_1 = vector.load %arg1[%get3A, %get3A_0] : memref<128x128xf32, #tpu.memory_space<vmem>>, vector<128x128xf32>
    %get3A_2 = arith.constant 0 : index
    %get3A_3 = arith.constant 0 : index
    %get3A_4 = vector.load %arg2[%get3A_2, %get3A_3] : memref<48x128xf32, #tpu.memory_space<vmem>>, vector<48x128xf32>
    %dot_general3A = arith.constant dense<0.000000e+00> : vector<128x48xf32>
    %dot_general3A_5 = tpu.matmul %get3A_1, %get3A_4, %dot_general3A {dimension_numbers = #tpu.dot_dimension_numbers<[1], [1], [0], [0], [0, 0, 1, 0], [], []>, transpose_lhs_hint = false} : vector<128x128xf32>, vector<48x128xf32>, vector<128x48xf32> -> vector<128x48xf32>
    %get3A_6 = arith.constant 0 : index
    %get3A_7 = arith.constant 0 : index
    %get3A_8 = vector.load %arg0[%get3A_6, %get3A_7] : memref<10240x128xf32, #tpu.memory_space<vmem>>, vector<10240x128xf32>
    %dot_general3A_9 = arith.constant dense<0.000000e+00> : vector<10240x48xf32>
    %dot_general3A_10 = tpu.matmul %get3A_8, %dot_general3A_5, %dot_general3A_9 {dimension_numbers = #tpu.dot_dimension_numbers<[1], [0], [0], [1], [0, 0, 1, 1], [], []>, transpose_lhs_hint = false} : vector<10240x128xf32>, vector<128x48xf32>, vector<10240x48xf32> -> vector<10240x48xf32>
    %swap3A = arith.constant 0 : index
    %swap3A_11 = arith.constant 0 : index
    %swap3A_12 = vector.load %arg3[%swap3A, %swap3A_11] : memref<10240x48xf32, #tpu.memory_space<vmem>>, vector<10240x48xf32>
    tpu.vector_store %arg3[%swap3A, %swap3A_11], %dot_general3A_10 {strides = array<i32>} : memref<10240x48xf32, #tpu.memory_space<vmem>>, vector<10240x48xf32>,
    return
  }
}

module attributes {stable_mosaic.version = 14 : i64} {
  func.func @body(%arg0: memref<10240x48xf32, #tpu.memory_space<vmem>>, %arg1: memref<2x10240x1xf32, #tpu.memory_space<vmem>>, %arg2: memref<10240x48xbf16, #tpu.memory_space<vmem>>) attributes {dimension_semantics = [], scalar_prefetch = 0 : i64, scratch_operands = 0 : i64, tpu.core_type = #tpu.core_type<tc>} {
    %get3A = arith.constant 0 : index
    %get3A_0 = arith.constant 0 : index
    %get3A_1 = arith.constant 0 : index
    %get3A_2 = vector.load %arg1[%get3A, %get3A_0, %get3A_1] : memref<2x10240x1xf32, #tpu.memory_space<vmem>>, vector<1x10240x1xf32>
    %get3A_3 = vector.shape_cast %get3A_2 : vector<1x10240x1xf32> to vector<10240x1xf32>
    %get3A_4 = arith.constant 1 : index
    %get3A_5 = arith.constant 0 : index
    %get3A_6 = arith.constant 0 : index
    %get3A_7 = vector.load %arg1[%get3A_4, %get3A_5, %get3A_6] : memref<2x10240x1xf32, #tpu.memory_space<vmem>>, vector<1x10240x1xf32>
    %get3A_8 = vector.shape_cast %get3A_7 : vector<1x10240x1xf32> to vector<10240x1xf32>
    %add3A = arith.addf %get3A_3, %get3A_8 : vector<10240x1xf32>
    %add3A_9 = arith.constant 1.000000e+00 : f32
    %add3A_10 = vector.broadcast %add3A_9 : f32 to vector<10240x1xf32>
    %add3A_11 = arith.addf %add3A, %add3A_10 : vector<10240x1xf32>
    %rsqrt3A = math.rsqrt %add3A_11 : vector<10240x1xf32>
    %get3A_12 = arith.constant 0 : index
    %get3A_13 = arith.constant 0 : index
    %get3A_14 = vector.load %arg0[%get3A_12, %get3A_13] : memref<10240x48xf32, #tpu.memory_space<vmem>>, vector<10240x48xf32>
    %mul3A = vector.broadcast %rsqrt3A : vector<10240x1xf32> to vector<10240x48xf32>
    %mul3A_15 = arith.mulf %get3A_14, %mul3A : vector<10240x48xf32>
    %convert_element_type3A = arith.truncf %mul3A_15 : vector<10240x48xf32> to vector<10240x48xbf16>
    %swap3A = arith.constant 0 : index
    %swap3A_16 = arith.constant 0 : index
    %swap3A_17 = vector.load %arg2[%swap3A, %swap3A_16] : memref<10240x48xbf16, #tpu.memory_space<vmem>>, vector<10240x48xbf16>
    tpu.vector_store %arg2[%swap3A, %swap3A_16], %convert_element_type3A {strides = array<i32>} : memref<10240x48xbf16, #tpu.memory_space<vmem>>, vector<10240x48xbf16>,
    return
  }
}

module attributes {stable_mosaic.version = 14 : i64} {
  func.func @body(%arg0: memref<2x10240x48xbf16, #tpu.memory_space<vmem>>, %arg1: memref<10240x48xbf16, #tpu.memory_space<vmem>>, %arg2: memref<2x10240x1xf32, #tpu.memory_space<vmem>>, %arg3: memref<1x128xf32, #tpu.memory_space<vmem>>, %arg4: memref<48x128xf32, #tpu.memory_space<vmem>>, %arg5: memref<1x48xf32, #tpu.memory_space<vmem>>, %arg6: memref<10240x48xf32, #tpu.memory_space<vmem>>) attributes {dimension_semantics = [], scalar_prefetch = 0 : i64, scratch_operands = 0 : i64, tpu.core_type = #tpu.core_type<tc>} {
    %get3A = arith.constant 0 : index
    %get3A_0 = arith.constant 0 : index
    %get3A_1 = arith.constant 0 : index
    %get3A_2 = vector.load %arg2[%get3A, %get3A_0, %get3A_1] : memref<2x10240x1xf32, #tpu.memory_space<vmem>>, vector<1x10240x1xf32>
    %get3A_3 = vector.shape_cast %get3A_2 : vector<1x10240x1xf32> to vector<10240x1xf32>
    %get3A_4 = arith.constant 1 : index
    %get3A_5 = arith.constant 0 : index
    %get3A_6 = arith.constant 0 : index
    %get3A_7 = vector.load %arg2[%get3A_4, %get3A_5, %get3A_6] : memref<2x10240x1xf32, #tpu.memory_space<vmem>>, vector<1x10240x1xf32>
    %get3A_8 = vector.shape_cast %get3A_7 : vector<1x10240x1xf32> to vector<10240x1xf32>
    %add3A = arith.addf %get3A_3, %get3A_8 : vector<10240x1xf32>
    %add3A_9 = arith.constant 1.000000e+00 : f32
    %add3A_10 = vector.broadcast %add3A_9 : f32 to vector<10240x1xf32>
    %add3A_11 = arith.addf %add3A, %add3A_10 : vector<10240x1xf32>
    %rsqrt3A = math.rsqrt %add3A_11 : vector<10240x1xf32>
    %get3A_12 = arith.constant 0 : index
    %get3A_13 = arith.constant 0 : index
    %get3A_14 = arith.constant 0 : index
    %get3A_15 = vector.load %arg0[%get3A_12, %get3A_13, %get3A_14] : memref<2x10240x48xbf16, #tpu.memory_space<vmem>>, vector<1x10240x48xbf16>
    %get3A_16 = vector.shape_cast %get3A_15 : vector<1x10240x48xbf16> to vector<10240x48xbf16>
    %convert_element_type3A = arith.extf %get3A_16 : vector<10240x48xbf16> to vector<10240x48xf32>
    %get3A_17 = arith.constant 1 : index
    %get3A_18 = arith.constant 0 : index
    %get3A_19 = arith.constant 0 : index
    %get3A_20 = vector.load %arg0[%get3A_17, %get3A_18, %get3A_19] : memref<2x10240x48xbf16, #tpu.memory_space<vmem>>, vector<1x10240x48xbf16>
    %get3A_21 = vector.shape_cast %get3A_20 : vector<1x10240x48xbf16> to vector<10240x48xbf16>
    %convert_element_type3A_22 = arith.extf %get3A_21 : vector<10240x48xbf16> to vector<10240x48xf32>
    %add3A_23 = arith.addf %convert_element_type3A, %convert_element_type3A_22 : vector<10240x48xf32>
    %get3A_24 = arith.constant 0 : index
    %get3A_25 = arith.constant 0 : index
    %get3A_26 = vector.load %arg1[%get3A_24, %get3A_25] : memref<10240x48xbf16, #tpu.memory_space<vmem>>, vector<10240x48xbf16>
    %convert_element_type3A_27 = arith.extf %get3A_26 : vector<10240x48xbf16> to vector<10240x48xf32>
    %sub3A = arith.subf %add3A_23, %convert_element_type3A_27 : vector<10240x48xf32>
    %get3A_28 = arith.constant 0 : index
    %get3A_29 = arith.constant 0 : index
    %get3A_30 = vector.load %arg3[%get3A_28, %get3A_29] : memref<1x128xf32, #tpu.memory_space<vmem>>, vector<1x128xf32>
    %get3A_31 = arith.constant 0 : index
    %get3A_32 = arith.constant 0 : index
    %get3A_33 = vector.load %arg4[%get3A_31, %get3A_32] : memref<48x128xf32, #tpu.memory_space<vmem>>, vector<48x128xf32>
    %dot_general3A = arith.constant dense<0.000000e+00> : vector<1x48xf32>
    %dot_general3A_34 = tpu.matmul %get3A_30, %get3A_33, %dot_general3A {dimension_numbers = #tpu.dot_dimension_numbers<[1], [1], [0], [0], [0, 0, 1, 0], [], []>, transpose_lhs_hint = false} : vector<1x128xf32>, vector<48x128xf32>, vector<1x48xf32> -> vector<1x48xf32>
    %get3A_35 = arith.constant 0 : index
    %get3A_36 = arith.constant 0 : index
    %get3A_37 = vector.load %arg5[%get3A_35, %get3A_36] : memref<1x48xf32, #tpu.memory_space<vmem>>, vector<1x48xf32>
    %add3A_38 = arith.addf %dot_general3A_34, %get3A_37 : vector<1x48xf32>
    %mul3A = vector.broadcast %rsqrt3A : vector<10240x1xf32> to vector<10240x48xf32>
    %mul3A_39 = arith.mulf %sub3A, %mul3A : vector<10240x48xf32>
    %add3A_40 = vector.broadcast %add3A_38 : vector<1x48xf32> to vector<10240x48xf32>
    %add3A_41 = arith.addf %mul3A_39, %add3A_40 : vector<10240x48xf32>
    %swap3A = arith.constant 0 : index
    %swap3A_42 = arith.constant 0 : index
    %swap3A_43 = vector.load %arg6[%swap3A, %swap3A_42] : memref<10240x48xf32, #tpu.memory_space<vmem>>, vector<10240x48xf32>
    tpu.vector_store %arg6[%swap3A, %swap3A_42], %add3A_41 {strides = array<i32>} : memref<10240x48xf32, #tpu.memory_space<vmem>>, vector<10240x48xf32>,
    return
  }
}

</mosaic_0001>

<sc_bundles>
// kernel: kernel.10.cloned.1.call-start
scs
__scs_entry_jumppad:
0x0: {  	(pc) =	sbr.rel $0x88, $3  }
0x1: {  	(tag) =	ssettag $0x0;
	lr =	simm.s32 $0x1  }
0x2: {  	[smem:$0x3F9B] =	sst lr;
	_ =	strace $0xD0000000  }
0x3: {  	_ = 	snop  }
0x4: {  	_ = 	snop  }
0x5: {  	_ = 	snop  }
0x6: {  	_ = 	snop  }
0x7: {  	_ = 	snop  }
__scs_overlays_trampoline_lowered:
0x8: {  	[smem:$0x3FAA] =	sst s0  }
0x9: {  	[smem:$0x3FAB] =	sst s1  }
0xa: {  	[smem:$0x3FAC] =	sst s2  }
0xb: {  	[smem:$0x3FAD] =	sst s3  }
0xc: {  	[smem:$0x3FAE] =	sst s4  }
0xd: {  	[smem:$0x3FAF] =	sst s5  }
0xe: {  	[smem:$0x3FB0] =	sst s6  }
0xf: {  	[smem:$0x3FB1] =	sst s7  }
0x10: {  	[smem:$0x3FB2] =	sst s8  }
0x11: {  	[smem:$0x3FB3] =	sst s9;
	s0 =	simm.s32 @!p0 $0x0  }
0x12: {  	s1 =	sld [smem:$0x3F99];
	s0 =	simm.s32 @p0 $0x1  }
0x13: {  	[smem:$0x3FB4] =	sst s0;
	s0 =	simm.s32 @!p1 $0x0  }
0x14: {  	s2 =	sld [smem:$0x3F98];
	s0 =	simm.s32 @p1 $0x1  }
0x15: {  	[smem:$0x3FB5] =	sst s0;
	s0 =	simm.s32 @!p2 $0x0  }
0x16: {  	s3 =	sld [smem:$0x3FDB];
	s0 =	simm.s32 @p2 $0x1  }
0x17: {  	s4 =	simm.s32 $0x1BF5;
	[smem:$0x3FB7] =	sst s0  }
0x18: {  	s0 =	sld [smem:$0x3F9A];
	_ =	swait.ge [sflag:s4], $0x0  }
0x19: {  	s7 =	sld [smem:$0x3F9B]  }
0x1a: {  	s8 =	sadd.s32 $0xFFFFE003, lr  }
0x1b: {  	s9 =	sadd.s32 $0xFFFFFEF7, lr;
	s5 =	simm.s32 $0xFFFFFFFF;
	p2 =	slt.u32 s8, $0xFFFFF086  }
0x1c: {  	p1 =	slt.u32 s9, $0xF7A;
	s5 =	simm.s32 @!p2 $0x0  }
0x1d: {  	s5 =	simm.s32 @p1 $0x1;
	p0 =	seq.s32 s7, s2  }
0x1e: {  	s7 =	smul.u32 @!p0 $0xF7A, s2;
	p2 =	seq.s32 @!p0 s5, $0x0  }
0x1f: {  	s9 =	smul.u32 $0xF7A, s1;
	s8 =	simm.s32 @!p0 $0x1BF5;
	p2 =	por !p2, p0  }
0x20: {  	[sflag:s8] =	ssyncset.s32 @!p0 $0xFFFFF086;
	s6 =	sadd.s32 @!p0 s3, s7;
	s7 =	simm.s32 @!p0 $0x108  }
0x21: {  	s3 =	sadd.s32 s3, s9;
	s6 =	sadd.s32 @!p0 $0x88, s6;
	s7 =	simm.s32 @p2 $0x1082  }
0x22: {  	[simem:s7], [sflag:s8] =	dma.local @!p0 [hbm:s6], $0xF7A  }
0x23: {  	s9 =	sor.u32 $0xD0000000, s2;
	s6 =	simm.s32 $0x108;
	_ =	swait.ge @!p0 [sflag:s8], $0x0  }
0x24: {  	s3 =	sadd.s32 $0x88, s3;
	s6 =	simm.s32 @!p1 $0x1082;
	[sflag:s4] =	ssyncset.s32 $0xFFFFF086  }
0x25: {  	[simem:s6], [sflag:s4] =	dma.local [hbm:s3], $0xF7A  }
0x26: {  	[smem:$0x3F9B] =	sst s1;
	(tag) =	ssettag s2;
	_ =	strace s9  }
0x27: {  	s1 =	sld [smem:$0x3FAB]  }
0x28: {  	s2 =	sld [smem:$0x3FAC]  }
0x29: {  	s4 =	sld [smem:$0x3FAE]  }
0x2a: {  	p0 =	seq.s32 s5, $0x0;
	s5 =	sld [smem:$0x3FAF]  }
0x2b: {  	s6 =	sld [smem:$0x3FB0]  }
0x2c: {  	s7 =	sld [smem:$0x3FB1]  }
0x2d: {  	s3 =	simm.s32 $0x108;
	s8 =	sld [smem:$0x3FB2]  }
0x2e: {  	s3 =	simm.s32 @!p0 $0x1082;
	s9 =	sld [smem:$0x3FB3]  }
0x2f: {  	lr =	sadd.s32 s0, s3;
	s0 =	sld [smem:$0x3FAA]  }
0x30: {  	s3 =	sld [smem:$0x3FAD]  }
0x31: {  	[smem:$0x3FB6] =	sst s10  }
0x32: {  	s10 =	sld [smem:$0x3FB4];
	_ =	sdelay $0x3  }
0x33: {  	p0 =	seq.s32 s10, $0x1;
	s10 =	sld [smem:$0x3FB6];
	_ =	sdelay $0x3  }
0x34: {  	[smem:$0x3FB6] =	sst s10  }
0x35: {  	s10 =	sld [smem:$0x3FB5];
	_ =	sdelay $0x3  }
0x36: {  	p1 =	seq.s32 s10, $0x1;
	s10 =	sld [smem:$0x3FB6];
	_ =	sdelay $0x3  }
0x37: {  	[smem:$0x3FB6] =	sst s10  }
0x38: {  	s10 =	sld [smem:$0x3FB7]  }
0x39: {  	_ = 	snop;
	(pc) =	sbr.ind lr, $3  }
0x3a: {  	_ = 	snop  }
0x3b: {  	_ = 	snop  }
0x3c: {  	p2 =	seq.s32 s10, $0x1;
	s10 =	sld [smem:$0x3FB6]  }
0x3d: {  	_ =	shalt  }
0x3e: {  	_ =	shalt  }
0x3f: {  	_ =	shalt  }
0x40: {  	_ =	shalt  }
0x41: {  	_ =	shalt  }
0x42: {  	_ =	shalt  }
0x43: {  	_ =	shalt  }
0x44: {  	_ =	shalt  }
0x45: {  	_ =	shalt  }
0x46: {  	_ =	shalt  }
0x47: {  	_ =	shalt  }
0x48: {  	_ =	shalt  }
0x49: {  	_ =	shalt  }
0x4a: {  	_ =	shalt  }
0x4b: {  	_ =	shalt  }
0x4c: {  	_ =	shalt  }
0x4d: {  	_ =	shalt  }
0x4e: {  	_ =	shalt  }
0x4f: {  	_ =	shalt  }
0x50: {  	_ =	shalt  }
0x51: {  	_ =	shalt  }
0x52: {  	_ =	shalt  }
0x53: {  	_ =	shalt  }
0x54: {  	_ =	shalt  }
0x55: {  	_ =	shalt  }
0x56: {  	_ =	shalt  }
0x57: {  	_ =	shalt  }
0x58: {  	_ =	shalt  }
0x59: {  	_ =	shalt  }
0x5a: {  	_ =	shalt  }
0x5b: {  	_ =	shalt  }
0x5c: {  	_ =	shalt  }
0x5d: {  	_ =	shalt  }
0x5e: {  	_ =	shalt  }
0x5f: {  	_ =	shalt  }
0x60: {  	_ =	shalt  }
0x61: {  	_ =	shalt  }
0x62: {  	_ =	shalt  }
0x63: {  	_ =	shalt  }
0x64: {  	_ =	shalt  }
0x65: {  	_ =	shalt  }
0x66: {  	_ =	shalt  }
0x67: {  	_ =	shalt  }
0x68: {  	_ =	shalt  }
0x69: {  	_ =	shalt  }
0x6a: {  	_ =	shalt  }
0x6b: {  	_ =	shalt  }
0x6c: {  	_ =	shalt  }
0x6d: {  	_ =	shalt  }
0x6e: {  	_ =	shalt  }
0x6f: {  	_ =	shalt  }
0x70: {  	_ =	shalt  }
0x71: {  	_ =	shalt  }
0x72: {  	_ =	shalt  }
0x73: {  	_ =	shalt  }
0x74: {  	_ =	shalt  }
0x75: {  	_ =	shalt  }
0x76: {  	_ =	shalt  }
0x77: {  	_ =	shalt  }
0x78: {  	_ =	shalt  }
0x79: {  	_ =	shalt  }
0x7a: {  	_ =	shalt  }
0x7b: {  	_ =	shalt  }
0x7c: {  	_ =	shalt  }
0x7d: {  	_ =	shalt  }
0x7e: {  	_ =	shalt  }
0x7f: {  	_ =	shalt  }
0x80: {  	_ =	shalt  }
0x81: {  	_ =	shalt  }
0x82: {  	_ =	shalt  }
0x83: {  	_ =	shalt  }
0x84: {  	_ =	shalt  }
0x85: {  	_ =	shalt  }
0x86: {  	_ =	shalt  }
0x87: {  	_ =	shalt  }
.Lfunc_end0:
.L_simem_size_0:
called_computation.1_lowered:
.L_overlay_start_0:
0x88: {  	s2 =	sld [smem:$0x3FD9]  }
0x89: {  	s3 =	sld [smem:$0x3FFE];
	_ =	sdelay $0x1  }
0x8a: {  	s1 =	srdreg.scid  }
0x8b: {  	s0 =	sand.u32 $0x1, s1  }
0x8c: {  	s17 =	sshll.u32 s0, $0xA;
	s2 =	sadd.s32 s3, s2  }
0x8d: {  	s2 =	sadd.s32 s2, s17  }
0x8e: {  	[smem:$0x3FC2] =	sst s2  }
0x8f: {  	_ = 	snop  }
0x90: {  	s2 =	sld [smem:$0x3FD0];
	(tm) =	ssettm $0x1  }
0x91: {  	s18 =	sld [smem:$0x3FFB];
	_ =	sdelay $0x3  }
0x92: {  	_ =	strace s18  }
0x93: {  	s3 =	sld [smem:$0x3FFC];
	_ =	sdelay $0x3  }
0x94: {  	_ =	strace s3  }
0x95: {  	s3 =	sld [smem:$0x3FFD];
	_ =	sdelay $0x3  }
0x96: {  	_ =	strace s3  }
0x97: {  	_ =	strace $0x8FFFFFFF  }
0x98: {  	s19 =	sld [smem:$0x3FDB];
	_ =	sdelay $0x1  }
0x99: {  	s4 =	simm.s32 $_scs_section_size  }
0x9a: {  	s5 =	simm.s32 $_size__tile_overlayer_lowered;
	s6 =	simm.s32 $_tile_overlayer_lowered  }
0x9b: {  	s22 =	simm.s32 $0x1BFF;
	s21 =	sshll.u32 s6, $0x1;
	s3 =	sadd.s32 s4, s19  }
0x9c: {  	s7 =	simm.s32 $0x0;
	s20 =	sshll.u32 s5, $0x1;
	s5 =	sadd.s32 s21, s3  }
0x9d: {  	[timem:s7], [sflag:s22] =	dma.local [hbm:s5], s20  }
0x9e: {  	_ =	swait.ge [sflag:s22], s20  }
0x9f: {  	s4 =	ssub.s32 $0x0, s20;
	[sflag:s22] =	ssyncset.done $0x0  }
0xa0: {  	[sflag:s22] =	ssyncadd.s32 s4;
	_ =	sdelay $0x1  }
0xa1: {  	s23 =	simm.s32 $0x1B8B  }
0xa2: {  	_ =	swait.ge [sflag:s23], $0x1  }
0xa3: {  	[sflag:s23] =	ssyncset.done $0x0  }
0xa4: {  	s25 =	simm.s32 $0x1B8E;
	s24 =	sld [smem:$0x3FFE];
	[sflag:s23] =	ssyncadd.s32 $0xFFFFFFFF  }
0xa5: {  	s26 =	simm.s32 $execute0_lowered;
	[smem:$0x3FD2] =	sst s25  }
0xa6: {  	s5 =	sshll.u32 s26, $0x1;
	_ =	strace $0x80000049;
	[dreg:$0x1] =	wrdreg $0xFFFFFFFF  }
0xa7: {  	s28 =	simm.s32 $_size_execute0_lowered;
	s3 =	sadd.s32 s3, s5;
	[dreg:$0x0] =	wrdreg $0x0  }
0xa8: {  	s5 =	sshll.u32 s28, $0x1;
	[dreg:$0x2] =	wrdreg s3  }
0xa9: {  	[dreg:$0x3] =	wrdreg s5  }
0xaa: {  	[dreg:$0x4] =	wrdreg $0xC0  }
0xab: {  	_ =	task [dreg:s7], $0x5FFFF  }
0xac: {  	[dreg:$0x1] =	wrdreg $0xFFFFFFFF  }
0xad: {  	[dreg:$0x0] =	wrdreg $0x60  }
0xae: {  	[dreg:$0x2] =	wrdreg s2  }
0xaf: {  	[dreg:$0x3] =	wrdreg s24  }
0xb0: {  	[dreg:$0x4] =	wrdreg $0xDD000  }
0xb1: {  	[dreg:$0x5] =	wrdreg $0x119000  }
0xb2: {  	[dreg:$0x6] =	wrdreg $0x9  }
0xb3: {  	_ =	task.clear_ibuf [dreg:s7], $0x7FFFF;
	_ =	strace $0x90000049  }
0xb4: {  	s29 =	simm.s32 $0x9;
	_ =	strace $0x8000004B  }
0xb5: {  	_ =	swait.ge [sflag:s29], $0x1  }
0xb6: {  	[sflag:s29] =	ssyncadd.s32 $0xFFFFFFFF  }
0xb7: {  	_ =	strace $0x9000004B  }
0xb8: {  	_ =	sfence  }
0xb9: {  	s30 =	sld [smem:$0x0];
	_ =	sdelay $0x2  }
0xba: {  	s31 =	sshll.u32 s1, $0xD;
	s1 =	sshrl.u32 s1, $0x2  }
0xbb: {  	s3 =	sand.u32 $0x4000, s31;
	s1 =	sadd.s32 s1, s30  }
0xbc: {  	s0 =	sor.u32 s3, s0;
	s1 =	sshll.u32 s1, $0x11  }
0xbd: {  	s0 =	sor.u32 s1, s0  }
0xbe: {  	s0 =	sadd.s32 $0x8F2B, s0  }
0xbf: {  	[sflag:s0] =	ssyncadd.remote.s32 $0x1  }
0xc0: {  	_ =	sfence.sel $0xFFFF  }
0xc1: {  	[dreg:$0x0] =	wrdreg $0xFFFFFFFF;
	(pc) =	sbr.abs _section_cstart, $3  }
0xc2: {  	[dreg:$0x1] =	wrdreg $0xFFFFFFFF  }
0xc3: {  	_ =	task.clear_ibuf [dreg:s7], $0x2FFFF;
	_ =	strace $0x9FFFFFFF  }
0xc4: {  	(tm) =	ssettm $0x7FFFFFFF  }
0xc5: {  	_ =	shalt  }
tec
execute0_lowered:
.L_overlay_start_1:
0x0: {  	(tag) =	ssettag $0x1  }
0x1: {  	s0 =	rddreg [dreg:$0x1]  }
0x2: {  	s2 =	rddreg [dreg:$0x2]  }
0x3: {  	s3 =	rddreg [dreg:$0x3];
	s6 =	stileid.u32  }
0x4: {  	s1 =	srdreg.scid;
	s11 =	smul.u32 $0x280, s6  }
0x5: {  	s28 =	simm.s32 $0x0;
	s31 =	simm.s32 $0x9;
	s29 =	smul.u32 $0xF000, s6  }
0x6: {  	s1 =	sand.u32 $0x1, s1;
	[smem:$0x7FF] =	sst s28;
	s8 =	smul.u32 $0x7800, s6  }
0x7: {  	s7 =	sadd.s32 $0x50A00, s0;
	s4 =	smul.u32 $0x7800, s1;
	s5 =	sshll.u32 s1, $0x4  }
0x8: {  	_ =	strace $0x8000004A;
	[dreg:$0x6] =	wrdreg s7;
	s1 =	ssub.s32 $0x2, s1  }
0x9: {  	s5 =	sor.u32 s6, s5;
	s30 =	sshrl.u32 s1, $0x1;
	s9 =	sadd.s32 $0x80, s11  }
0xa: {  	s6 =	sshrl.u32 s29, $0x2;
	s12 =	sshrl.u32 s8, $0x1;
	s16 =	sadd.s32 $0x3000, s8  }
0xb: {  	s17 =	sadd.s32 $0x4800, s8;
	s21 =	sadd.s32 $0x6000, s8;
	s25 =	sadd.s32 $0x6000, s29  }
0xc: {  	s26 =	sadd.s32 $0x9000, s29;
	s8 =	simm.s32 $0x10;
	s5 =	smul.u32 $0x50, s5  }
0xd: {  	s0 =	sadd.s32 s4, s0;
	s1 =	ssub.s32 s1, s30;
	s10 =	smul.u32 $0x30, s9  }
0xe: {  	s7 =	sadd.s32 s6, s3;
	s13 =	sadd.s32 s12, s2;
	s19 =	smul.u32 $0x60, s9  }
0xf: {  	s9 =	smov.u32 s11;
	s4 =	sadd.s32 $0xC000, s29;
	[dreg:$0x8] =	wrdreg s7  }
0x10: {  	s11 =	simm.s32 $0x9C00;
	s0 =	sadd.s32 $0x58200, s0;
	[dreg:$0xa] =	wrdreg s13  }
0x11: {  	s1 =	smax.u32 s1, $0x1;
	s4 =	sshrl.u32 s4, $0x2;
	[dreg:$0x7] =	wrdreg s0  }
0x12: {  	s13 =	simm.s32 $0xB400;
	s7 =	simm.s32 $0xF;
	[dreg:$0x9] =	wrdreg s1  }
0x13: {  	s14 =	sshrl.u32 s10, $0x1;
	s0 =	sadd.s32 s12, s3;
	s22 =	sshrl.u32 s19, $0x2  }
0x14: {  	s30 =	sadd.s32 s4, s3;
	s6 =	sadd.s32 $0x30, s5;
	s10 =	sadd.s32 $0x40, s5  }
0x15: {  	s12 =	simm.s32 $0xA800;
	s19 =	simm.s32 $0x4;
	s4 =	simm.s32 $0xD  }
0x16: {  	[dreg:$0xb] =	wrdreg s0;
	s15 =	sadd.s32 s14, s2;
	s1 =	sadd.s32 s14, s3  }
0x17: {  	s0 =	sshrl.u32 s16, $0x1;
	s24 =	sadd.s32 s22, s3;
	[dreg:$0x17] =	wrdreg s30  }
0x18: {  	s30 =	sadd.s32 $0x20, s5;
	s14 =	simm.s32 $0xC000;
	[dreg:$0xc] =	wrdreg s15  }
0x19: {  	s16 =	simm.s32 $0x1;
	s22 =	simm.s32 $0x8;
	[dreg:$0xd] =	wrdreg s1  }
0x1a: {  	s18 =	sadd.s32 s0, s2;
	s1 =	sshrl.u32 s17, $0x1;
	[dreg:$0x14] =	wrdreg s24  }
0x1b: {  	s0 =	sadd.s32 s0, s3;
	s15 =	simm.s32 $0xCC00;
	[dreg:$0xe] =	wrdreg s18  }
0x1c: {  	s17 =	simm.s32 $0x2;
	s24 =	simm.s32 $0xC;
	[dreg:$0xf] =	wrdreg s0  }
0x1d: {  	s20 =	sadd.s32 s1, s2;
	s1 =	sadd.s32 s1, s3;
	s0 =	sshrl.u32 s21, $0x1  }
0x1e: {  	s18 =	simm.s32 $0x3;
	s21 =	simm.s32 $0x6;
	[dreg:$0x10] =	wrdreg s20  }
0x1f: {  	[dreg:$0x11] =	wrdreg s1;
	s23 =	sadd.s32 s0, s2;
	s0 =	sadd.s32 s0, s3  }
0x20: {  	s1 =	sshrl.u32 s26, $0x2;
	s20 =	simm.s32 $0x5;
	[dreg:$0x12] =	wrdreg s23  }
0x21: {  	s26 =	simm.s32 $0x7;
	[dreg:$0x13] =	wrdreg s0;
	s0 =	sshrl.u32 s25, $0x2  }
0x22: {  	v0 =	vlaneseq.u32;
	s29 =	sadd.s32 s1, s3;
	s25 =	simm.s32 $0x80;
	s23 =	simm.s32 $0xA  }
0x23: {  	v1 =	vor.u32 s5, v0;
	v4 =	vor.u32 s6, v0;
	s0 =	sadd.s32 s0, s3;
	[dreg:$0x16] =	wrdreg s29;
	s29 =	sadd.s32 $0x10, s5  }
0x24: {  	v5 =	vor.u32 s10, v0;
	v3 =	vor.u32 s30, v0;
	s1 =	simm.s32 $0xE;
	[dreg:$0x15] =	wrdreg s0;
	s0 =	simm.s32 $0xB;
	v2 =	vor.u32 s29, v0  }
.LBB2_1:
0x25: {  	s29 =	sadd.s32 $0x0, s9  }
0x26: {  	s6 =	sadd.s32 $0x70, s29  }
0x27: {  	s5 =	simm.s32 $0xD840;
	s30 =	sadd.s32 $0x10, s29;
	v6 =	vor.u32 s6, v0  }
0x28: {  	[dreg:$0x5] =	wrdreg s28;
	s28 =	sadd.s32 $0x50, s29;
	v7 =	vor.u32 s30, v0;
	[tilespmem:s5+$0x30] =	vst v6  }
0x29: {  	s30 =	sadd.s32 $0x20, s29;
	v8 =	vor.u32 s28, v0;
	[tilespmem:s5+$0xFFFFFFD0] =	vst v7  }
0x2a: {  	s10 =	sadd.s32 $0x30, s29;
	v6 =	vor.u32 s30, v0;
	[tilespmem:s5+$0x10] =	vst v8  }
0x2b: {  	v7 =	vor.u32 s10, v0;
	s30 =	sadd.s32 $0x40, s29;
	[tilespmem:s5+$0xFFFFFFE0] =	vst v6  }
0x2c: {  	v6 =	vor.u32 s30, v0;
	[tilespmem:s5+$0xFFFFFFF0] =	vst v7;
	s30 =	sadd.s32 $0x60, s29  }
0x2d: {  	[tilespmem:s5+$0x0] =	vst v6;
	v6 =	vor.u32 s29, v0;
	v7 =	vor.u32 s30, v0;
	s29 =	sadd.s32 $0x80, s9;
	s30 =	simm.s32 $0x100  }
.LBB2_2:
0x2e: {  	p0 =	sne.s32 s30, $0x200  }
0x2f: {  	v8 =	vor.u32 s29, v0;
	s6 =	sadd.s32 $0x10, s29;
	s28 =	sadd.s32 $0x70, s29;
	[tilespmem:s5+$0x20] =	vst v7;
	s10 =	smov.u32 s9  }
0x30: {  	s9 =	sadd.s32 $0x30, s29;
	v7 =	vor.u32 s6, v0;
	s6 =	sadd.s32 $0x20, s29;
	v9 =	vor.u32 s28, v0;
	[tilespmem:s5+$0xFFFFFFC0] =	vst v6;
	s5 =	sadd.s32 $0x80, s5;
	v6 =	vmov v8  }
0x31: {  	v10 =	vor.u32 s9, v0;
	s9 =	sadd.s32 $0x50, s29;
	s28 =	sadd.s32 $0x60, s29;
	v8 =	vor.u32 s6, v0;
	s6 =	sadd.s32 $0x40, s29;
	[tilespmem:s5+$0x30] =	vst v9  }
.Ltmp0:
0x32: {  	v11 =	vor.u32 s9, v0;
	s9 =	smov.u32 s10;
	[tilespmem:s5+$0xFFFFFFD0] =	vst v7;
	v9 =	vor.u32 s6, v0;
	v7 =	vor.u32 s28, v0;
	(pc) =	sbr.rel @p0 .LBB2_2-.Ltmp0, $4  }
0x33: {  	[tilespmem:s5+$0xFFFFFFE0] =	vst v8  }
0x34: {  	[tilespmem:s5+$0xFFFFFFF0] =	vst v10  }
0x35: {  	[tilespmem:s5+$0x0] =	vst v9  }
0x36: {  	s29 =	sadd.s32 s30, s10;
	s30 =	sadd.s32 $0x80, s30;
	[tilespmem:s5+$0x10] =	vst v11  }
0x37: {  	s6 =	sadd.s32 $0x70, s29;
	[tilespmem:s5+$0x20] =	vst v7  }
0x38: {  	s10 =	sadd.s32 $0x10, s29;
	[tilespmem:s5+$0xFFFFFFC0] =	vst v6;
	s5 =	sadd.s32 $0x80, s5;
	v7 =	vor.u32 s6, v0  }
0x39: {  	s28 =	sadd.s32 $0x20, s29;
	v6 =	vor.u32 s10, v0;
	[tilespmem:s5+$0x30] =	vst v7  }
0x3a: {  	s10 =	sadd.s32 $0x30, s29;
	v7 =	vor.u32 s28, v0;
	[tilespmem:s5+$0xFFFFFFD0] =	vst v6  }
0x3b: {  	v6 =	vor.u32 s10, v0;
	s28 =	sadd.s32 $0x40, s29;
	[tilespmem:s5+$0xFFFFFFE0] =	vst v7  }
0x3c: {  	s10 =	sadd.s32 $0x50, s29;
	v7 =	vor.u32 s28, v0;
	[tilespmem:s5+$0xFFFFFFF0] =	vst v6  }
0x3d: {  	v6 =	vor.u32 s10, v0;
	s28 =	sadd.s32 $0x60, s29;
	[tilespmem:s5+$0x0] =	vst v7  }
0x3e: {  	v7 =	vor.u32 s28, v0;
	[tilespmem:s5+$0x10] =	vst v6  }
0x3f: {  	v6 =	vor.u32 s29, v0;
	[tilespmem:s5+$0x20] =	vst v7  }
0x40: {  	[tilespmem:s5+$0xFFFFFFC0] =	vst v6  }
0x41: {  	[tilespmem:$0xDA80] =	vst v1  }
0x42: {  	[tilespmem:$0xDA90] =	vst v2  }
0x43: {  	[tilespmem:$0xDAA0] =	vst v3  }
0x44: {  	s10 =	simm.s32 $0xD800;
	[tilespmem:$0xDAB0] =	vst v4  }
0x45: {  	s28 =	simm.s32 $0x7800;
	s29 =	simm.s32 $0x11;
	s5 =	rddreg [dreg:$0x6];
	[tilespmem:$0xDAC0] =	vst v5  }
0x46: {  	[tilespmem:s28], [sflag:$0x11] =	stream.indirect.gather [hbm4b:s5+s25], $0x18, s10, s25, $0xb8;
	[tilespmem:$0x15500] =	vst v63  }
0x47: {  	_ =	swait.ge [sflag:s29], $0xC00  }
0x48: {  	[sflag:s29] =	ssyncset.done $0x0  }
0x49: {  	s30 =	simm.s32 $0x12;
	s10 =	rddreg [dreg:$0xa];
	[sflag:s29] =	ssyncadd.s32 $0xFFFFF400  }
0x4a: {  	[spmem:s10] =	stream.linear.scatter [tilespmem:s28], [sflag:$0x12], $0xC00, $0x38;
	[tilespmem:$0x15500] =	vst v63  }
0x4b: {  	_ =	swait.ge [sflag:s30], $0xC00  }
0x4c: {  	[sflag:s30] =	ssyncset.done $0x0  }
0x4d: {  	s10 =	rddreg [dreg:$0xb];
	[sflag:s30] =	ssyncadd.s32 $0xFFFFF400  }
0x4e: {  	[spmem:s10] =	stream.linear.scatter [tilespmem:s28], [sflag:$0x12], $0xC00, $0x38;
	[tilespmem:$0x15500] =	vst v63  }
0x4f: {  	_ =	swait.ge [sflag:s30], $0xC00  }
0x50: {  	[sflag:s30] =	ssyncset.done $0x0  }
0x51: {  	s10 =	simm.s32 $0xD880;
	[sflag:s30] =	ssyncadd.s32 $0xFFFFF400  }
0x52: {  	[tilespmem:s28], [sflag:$0x11] =	stream.indirect.gather [hbm4b:s5+s25], $0x18, s10, s25, $0xb8;
	[tilespmem:$0x15500] =	vst v63  }
0x53: {  	_ =	swait.ge [sflag:s29], $0xC00  }
0x54: {  	[sflag:s29] =	ssyncset.done $0x0  }
0x55: {  	s10 =	rddreg [dreg:$0xc];
	[sflag:s29] =	ssyncadd.s32 $0xFFFFF400  }
0x56: {  	[spmem:s10] =	stream.linear.scatter [tilespmem:s28], [sflag:$0x12], $0xC00, $0x38;
	[tilespmem:$0x15500] =	vst v63  }
0x57: {  	_ =	swait.ge [sflag:s30], $0xC00  }
0x58: {  	[sflag:s30] =	ssyncset.done $0x0  }
0x59: {  	s10 =	rddreg [dreg:$0xd];
	[sflag:s30] =	ssyncadd.s32 $0xFFFFF400  }
0x5a: {  	[spmem:s10] =	stream.linear.scatter [tilespmem:s28], [sflag:$0x12], $0xC00, $0x38;
	[tilespmem:$0x15500] =	vst v63  }
0x5b: {  	_ =	swait.ge [sflag:s30], $0xC00  }
0x5c: {  	[sflag:s30] =	ssyncset.done $0x0  }
0x5d: {  	s10 =	simm.s32 $0xD900;
	[sflag:s30] =	ssyncadd.s32 $0xFFFFF400  }
0x5e: {  	[tilespmem:s28], [sflag:$0x11] =	stream.indirect.gather [hbm4b:s5+s25], $0x18, s10, s25, $0xb8;
	[tilespmem:$0x15500] =	vst v63  }
0x5f: {  	_ =	swait.ge [sflag:s29], $0xC00  }
0x60: {  	[sflag:s29] =	ssyncset.done $0x0  }
0x61: {  	s10 =	rddreg [dreg:$0xe];
	[sflag:s29] =	ssyncadd.s32 $0xFFFFF400  }
0x62: {  	[spmem:s10] =	stream.linear.scatter [tilespmem:s28], [sflag:$0x12], $0xC00, $0x38;
	[tilespmem:$0x15500] =	vst v63  }
0x63: {  	_ =	swait.ge [sflag:s30], $0xC00  }
0x64: {  	[sflag:s30] =	ssyncset.done $0x0  }
0x65: {  	s10 =	rddreg [dreg:$0xf];
	[sflag:s30] =	ssyncadd.s32 $0xFFFFF400  }
0x66: {  	[spmem:s10] =	stream.linear.scatter [tilespmem:s28], [sflag:$0x12], $0xC00, $0x38;
	[tilespmem:$0x15500] =	vst v63  }
0x67: {  	_ =	swait.ge [sflag:s30], $0xC00  }
0x68: {  	[sflag:s30] =	ssyncset.done $0x0  }
0x69: {  	s10 =	simm.s32 $0xD980;
	[sflag:s30] =	ssyncadd.s32 $0xFFFFF400  }
0x6a: {  	[tilespmem:s28], [sflag:$0x11] =	stream.indirect.gather [hbm4b:s5+s25], $0x18, s10, s25, $0xb8;
	[tilespmem:$0x15500] =	vst v63  }
0x6b: {  	_ =	swait.ge [sflag:s29], $0xC00  }
0x6c: {  	[sflag:s29] =	ssyncset.done $0x0  }
0x6d: {  	s10 =	rddreg [dreg:$0x10];
	[sflag:s29] =	ssyncadd.s32 $0xFFFFF400  }
0x6e: {  	[spmem:s10] =	stream.linear.scatter [tilespmem:s28], [sflag:$0x12], $0xC00, $0x38;
	[tilespmem:$0x15500] =	vst v63  }
0x6f: {  	_ =	swait.ge [sflag:s30], $0xC00  }
0x70: {  	[sflag:s30] =	ssyncset.done $0x0  }
0x71: {  	s10 =	rddreg [dreg:$0x11];
	[sflag:s30] =	ssyncadd.s32 $0xFFFFF400  }
0x72: {  	[spmem:s10] =	stream.linear.scatter [tilespmem:s28], [sflag:$0x12], $0xC00, $0x38;
	[tilespmem:$0x15500] =	vst v63  }
0x73: {  	_ =	swait.ge [sflag:s30], $0xC00  }
0x74: {  	[sflag:s30] =	ssyncset.done $0x0  }
0x75: {  	s10 =	simm.s32 $0xDA00;
	[sflag:s30] =	ssyncadd.s32 $0xFFFFF400  }
0x76: {  	[tilespmem:s28], [sflag:$0x11] =	stream.indirect.gather [hbm4b:s5+s25], $0x18, s10, s25, $0xb8;
	[tilespmem:$0x15500] =	vst v63  }
0x77: {  	_ =	swait.ge [sflag:s29], $0xC00  }
0x78: {  	[sflag:s29] =	ssyncset.done $0x0  }
0x79: {  	s10 =	rddreg [dreg:$0x12];
	[sflag:s29] =	ssyncadd.s32 $0xFFFFF400  }
0x7a: {  	[spmem:s10] =	stream.linear.scatter [tilespmem:s28], [sflag:$0x12], $0xC00, $0x38;
	[tilespmem:$0x15500] =	vst v63  }
0x7b: {  	_ =	swait.ge [sflag:s30], $0xC00  }
0x7c: {  	[sflag:s30] =	ssyncset.done $0x0  }
0x7d: {  	s6 =	rddreg [dreg:$0x13];
	[sflag:s30] =	ssyncadd.s32 $0xFFFFF400  }
0x7e: {  	[spmem:s6] =	stream.linear.scatter [tilespmem:s28], [sflag:$0x12], $0xC00, $0x38;
	[tilespmem:$0x15500] =	vst v63  }
0x7f: {  	_ =	swait.ge [sflag:s30], $0xC00  }
0x80: {  	[sflag:s30] =	ssyncset.done $0x0  }
0x81: {  	s5 =	simm.s32 $0x0;
	[sflag:s30] =	ssyncadd.s32 $0xFFFFF400  }
0x82: {  	s10 =	simm.s32 $0x50;
	s30 =	simm.s32 $0xDA80;
	s6 =	rddreg [dreg:$0x0]  }
0x83: {  	[tilespmem:s5], [sflag:$0x11] =	stream.indirect.gather [hbm4b:s6+s10], $0x80, s30, s10, $0xb8;
	[tilespmem:$0x15500] =	vst v63  }
0x84: {  	_ =	swait.ge [sflag:s29], $0x2800  }
0x85: {  	[sflag:s29] =	ssyncset.done $0x0  }
0x86: {  	s5 =	simm.s32 $0x0;
	[sflag:s29] =	ssyncadd.s32 $0xFFFFD800  }
0x87: {  	v6 =	vld [tilespmem:s5+$0x70]  }
0x88: {  	v7 =	vld [tilespmem:s5+$0x0];
	_ =	sdelay $0x1  }
0x89: {  	v8 =	vld [tilespmem:s5+$0x10]  }
0x8a: {  	v11 =	vld [tilespmem:s5+$0x40]  }
0x8b: {  	v12 =	vshrl.u32 v6, $0x10  }
0x8c: {  	v9 =	vld [tilespmem:s5+$0x20];
	v14 =	vand.u32 $0xFFFF, v7;
	[tilespmem:s5+$0x5070] =	vst v12  }
0x8d: {  	v7 =	vshrl.u32 v7, $0x10;
	[tilespmem:s5+$0x2800] =	vst v14  }
0x8e: {  	v10 =	vld [tilespmem:s5+$0x30];
	v62 =	vand.u32 $0xFFFF, v8;
	[tilespmem:s5+$0x5000] =	vst v7  }
0x8f: {  	v13 =	vld [tilespmem:s5+$0x50];
	v63 =	vand.u32 $0xFFFF, v11;
	[tilespmem:s5+$0x2810] =	vst v62  }
0x90: {  	v61 =	vld [tilespmem:s5+$0x60];
	v7 =	vshrl.u32 v8, $0x10;
	[tilespmem:s5+$0x2840] =	vst v63  }
0x91: {  	v8 =	vand.u32 $0xFFFF, v9;
	[tilespmem:s5+$0x5010] =	vst v7  }
0x92: {  	v7 =	vshrl.u32 v9, $0x10;
	[tilespmem:s5+$0x2820] =	vst v8  }
0x93: {  	v6 =	vand.u32 $0xFFFF, v6;
	v8 =	vand.u32 $0xFFFF, v10;
	[tilespmem:s5+$0x5020] =	vst v7  }
0x94: {  	v11 =	vshrl.u32 v11, $0x10;
	v9 =	vshrl.u32 v13, $0x10;
	v7 =	vshrl.u32 v10, $0x10;
	[tilespmem:s5+$0x2830] =	vst v8  }
0x95: {  	s30 =	simm.s32 $0x400;
	s29 =	simm.s32 $0x80;
	v10 =	vand.u32 $0xFFFF, v13;
	v8 =	vand.u32 $0xFFFF, v61;
	[tilespmem:s5+$0x5030] =	vst v7;
	v7 =	vshrl.u32 v61, $0x10  }
.LBB2_4:
0x96: {  	p0 =	sne.s32 s30, $0x9E00;
	v12 =	vld [tilespmem:s29+$0x70];
	[tilespmem:s5+$0x5040] =	vst v11  }
0x97: {  	v11 =	vld [tilespmem:s29+$0x0];
	[tilespmem:s5+$0x2850] =	vst v10  }
0x98: {  	v10 =	vld [tilespmem:s29+$0x10];
	[tilespmem:s5+$0x5050] =	vst v9  }
0x99: {  	v9 =	vld [tilespmem:s29+$0x20];
	[tilespmem:s5+$0x2860] =	vst v8  }
0x9a: {  	v8 =	vld [tilespmem:s29+$0x30];
	[tilespmem:s5+$0x5060] =	vst v7  }
0x9b: {  	v7 =	vld [tilespmem:s29+$0x40];
	v13 =	vshrl.u32 v12, $0x10;
	[tilespmem:s5+$0x2870] =	vst v6;
	v6 =	vand.u32 $0xFFFF, v12;
	s5 =	smov.u32 s29  }
0x9c: {  	v12 =	vand.u32 $0xFFFF, v11;
	v11 =	vshrl.u32 v11, $0x10;
	v14 =	vld [tilespmem:s5+$0x50];
	[tilespmem:s5+$0x5070] =	vst v13  }
0x9d: {  	[tilespmem:s5+$0x2800] =	vst v12;
	v12 =	vand.u32 $0xFFFF, v10;
	v10 =	vshrl.u32 v10, $0x10;
	v13 =	vld [tilespmem:s5+$0x60]  }
0x9e: {  	[tilespmem:s5+$0x5000] =	vst v11;
	v15 =	vand.u32 $0xFFFF, v9;
	v16 =	vshrl.u32 v9, $0x10  }
0x9f: {  	[tilespmem:s5+$0x2810] =	vst v12;
	v12 =	vand.u32 $0xFFFF, v8;
	v17 =	vshrl.u32 v8, $0x10  }
0xa0: {  	[tilespmem:s5+$0x5010] =	vst v10;
	v18 =	vand.u32 $0xFFFF, v7;
	v11 =	vshrl.u32 v7, $0x10  }
.Ltmp1:
0xa1: {  	[tilespmem:s5+$0x2820] =	vst v15;
	v10 =	vand.u32 $0xFFFF, v14;
	v9 =	vshrl.u32 v14, $0x10;
	(pc) =	sbr.rel @p0 .LBB2_4-.Ltmp1, $4  }
0xa2: {  	[tilespmem:s5+$0x5020] =	vst v16;
	v8 =	vand.u32 $0xFFFF, v13;
	v7 =	vshrl.u32 v13, $0x10  }
0xa3: {  	[tilespmem:s5+$0x2830] =	vst v12  }
0xa4: {  	[tilespmem:s5+$0x5030] =	vst v17  }
0xa5: {  	s29 =	sshra.s32 s30, $0x2;
	s30 =	sadd.s32 $0x200, s30;
	[tilespmem:s5+$0x2840] =	vst v18  }
0xa6: {  	v12 =	vld [tilespmem:s29+$0x70];
	[tilespmem:s5+$0x5040] =	vst v11  }
0xa7: {  	v11 =	vld [tilespmem:s29+$0x0];
	[tilespmem:s5+$0x2850] =	vst v10  }
0xa8: {  	v10 =	vld [tilespmem:s29+$0x10];
	[tilespmem:s5+$0x5050] =	vst v9  }
0xa9: {  	v9 =	vld [tilespmem:s29+$0x20];
	[tilespmem:s5+$0x2860] =	vst v8  }
0xaa: {  	v8 =	vld [tilespmem:s29+$0x30];
	[tilespmem:s5+$0x5060] =	vst v7  }
0xab: {  	v7 =	vld [tilespmem:s29+$0x40];
	[tilespmem:s5+$0x2870] =	vst v6;
	v6 =	vshrl.u32 v12, $0x10  }
0xac: {  	v14 =	vand.u32 $0xFFFF, v11;
	[tilespmem:s29+$0x5070] =	vst v6  }
0xad: {  	v6 =	vshrl.u32 v11, $0x10;
	[tilespmem:s29+$0x2800] =	vst v14  }
0xae: {  	v60 =	vand.u32 $0xFFFF, v10;
	[tilespmem:s29+$0x5000] =	vst v6  }
0xaf: {  	v6 =	vshrl.u32 v10, $0x10;
	[tilespmem:s29+$0x2810] =	vst v60  }
0xb0: {  	v61 =	vand.u32 $0xFFFF, v9;
	[tilespmem:s29+$0x5010] =	vst v6  }
0xb1: {  	v13 =	vld [tilespmem:s29+$0x50];
	v6 =	vshrl.u32 v9, $0x10;
	[tilespmem:s29+$0x2820] =	vst v61  }
0xb2: {  	v62 =	vand.u32 $0xFFFF, v8;
	[tilespmem:s29+$0x5020] =	vst v6  }
0xb3: {  	v59 =	vld [tilespmem:s29+$0x60];
	v6 =	vshrl.u32 v8, $0x10;
	[tilespmem:s29+$0x2830] =	vst v62  }
0xb4: {  	v63 =	vand.u32 $0xFFFF, v7;
	[tilespmem:s29+$0x5030] =	vst v6  }
0xb5: {  	v6 =	vshrl.u32 v7, $0x10;
	[tilespmem:s29+$0x2840] =	vst v63  }
0xb6: {  	v7 =	vand.u32 $0xFFFF, v13;
	[tilespmem:s29+$0x5040] =	vst v6  }
0xb7: {  	v6 =	vshrl.u32 v13, $0x10;
	[tilespmem:s29+$0x2850] =	vst v7  }
0xb8: {  	v7 =	vand.u32 $0xFFFF, v59;
	[tilespmem:s29+$0x5050] =	vst v6  }
0xb9: {  	v6 =	vshrl.u32 v59, $0x10;
	[tilespmem:s29+$0x2860] =	vst v7  }
0xba: {  	v7 =	vand.u32 $0xFFFF, v12;
	[tilespmem:s29+$0x5060] =	vst v6  }
0xbb: {  	[tilespmem:s29+$0x2870] =	vst v7  }
0xbc: {  	s30 =	simm.s32 $0x7800;
	s10 =	simm.s32 $0x2800;
	[bflag:$0x0] =	sbarrier.arrive $0xFFFF  }
0xbd: {  	[tilespmem:s30], [sflag:$0x1] =	stream.indirect.gather [spmem:s2], $0x18, s10, s25, $0xb8;
	[tilespmem:$0x15500] =	vst v63  }
0xbe: {  	s6 =	simm.s32 $0x2880;
	s10 =	simm.s32 $0x8400  }
0xbf: {  	[tilespmem:s10], [sflag:$0x2] =	stream.indirect.gather [spmem:s2], $0x18, s6, s25, $0xb8;
	[tilespmem:$0x15500] =	vst v63  }
0xc0: {  	s28 =	simm.s32 $0x9000;
	s6 =	simm.s32 $0x2900  }
0xc1: {  	[tilespmem:s28], [sflag:$0x3] =	stream.indirect.gather [spmem:s2], $0x18, s6, s25, $0xb8;
	[tilespmem:$0x15500] =	vst v63  }
0xc2: {  	s6 =	simm.s32 $0x2980  }
0xc3: {  	[tilespmem:s11], [sflag:$0x4] =	stream.indirect.gather [spmem:s2], $0x18, s6, s25, $0xb8;
	[tilespmem:$0x15500] =	vst v63  }
0xc4: {  	s6 =	simm.s32 $0x2A00  }
0xc5: {  	[tilespmem:s12], [sflag:$0x5] =	stream.indirect.gather [spmem:s2], $0x18, s6, s25, $0xb8;
	[tilespmem:$0x15500] =	vst v63  }
0xc6: {  	s6 =	simm.s32 $0x2A80  }
0xc7: {  	[tilespmem:s13], [sflag:$0x6] =	stream.indirect.gather [spmem:s2], $0x18, s6, s25, $0xb8;
	[tilespmem:$0x15500] =	vst v63  }
0xc8: {  	s6 =	simm.s32 $0x2B00  }
0xc9: {  	[tilespmem:s14], [sflag:$0x7] =	stream.indirect.gather [spmem:s2], $0x18, s6, s25, $0xb8;
	[tilespmem:$0x15500] =	vst v63  }
0xca: {  	s6 =	simm.s32 $0x2B80  }
0xcb: {  	[tilespmem:s15], [sflag:$0x8] =	stream.indirect.gather [spmem:s2], $0x18, s6, s25, $0xb8;
	[tilespmem:$0x15500] =	vst v63  }
0xcc: {  	_ =	swait.ge [sflag:s16], $0xC00  }
0xcd: {  	[sflag:s16] =	ssyncset.done $0x0  }
0xce: {  	s6 =	simm.s32 $0x5000;
	[sflag:s16] =	ssyncadd.s32 $0xFFFFF400  }
0xcf: {  	[spmem:s3] =	stream.indirect.scatter.add.bf16 [tilespmem:s30], [sflag:$0x9], $0x18, s6, s25, $0xb8;
	[tilespmem:$0x15500] =	vst v63  }
0xd0: {  	_ =	swait.ge [sflag:s17], $0xC00  }
0xd1: {  	[sflag:s17] =	ssyncset.done $0x0  }
0xd2: {  	s6 =	simm.s32 $0x5080;
	[sflag:s17] =	ssyncadd.s32 $0xFFFFF400  }
0xd3: {  	[spmem:s3] =	stream.indirect.scatter.add.bf16 [tilespmem:s10], [sflag:$0xA], $0x18, s6, s25, $0xb8;
	[tilespmem:$0x15500] =	vst v63  }
0xd4: {  	_ =	swait.ge [sflag:s18], $0xC00  }
0xd5: {  	[sflag:s18] =	ssyncset.done $0x0  }
0xd6: {  	s6 =	simm.s32 $0x5100;
	[sflag:s18] =	ssyncadd.s32 $0xFFFFF400  }
0xd7: {  	[spmem:s3] =	stream.indirect.scatter.add.bf16 [tilespmem:s28], [sflag:$0xB], $0x18, s6, s25, $0xb8;
	[tilespmem:$0x15500] =	vst v63  }
0xd8: {  	_ =	swait.ge [sflag:s19], $0xC00  }
0xd9: {  	[sflag:s19] =	ssyncset.done $0x0  }
0xda: {  	s6 =	simm.s32 $0x5180;
	[sflag:s19] =	ssyncadd.s32 $0xFFFFF400  }
0xdb: {  	[spmem:s3] =	stream.indirect.scatter.add.bf16 [tilespmem:s11], [sflag:$0xC], $0x18, s6, s25, $0xb8;
	[tilespmem:$0x15500] =	vst v63  }
0xdc: {  	_ =	swait.ge [sflag:s20], $0xC00  }
0xdd: {  	[sflag:s20] =	ssyncset.done $0x0  }
0xde: {  	s6 =	simm.s32 $0x5200;
	[sflag:s20] =	ssyncadd.s32 $0xFFFFF400  }
0xdf: {  	[spmem:s3] =	stream.indirect.scatter.add.bf16 [tilespmem:s12], [sflag:$0xD], $0x18, s6, s25, $0xb8;
	[tilespmem:$0x15500] =	vst v63  }
0xe0: {  	_ =	swait.ge [sflag:s21], $0xC00  }
0xe1: {  	[sflag:s21] =	ssyncset.done $0x0  }
0xe2: {  	s6 =	simm.s32 $0x5280;
	[sflag:s21] =	ssyncadd.s32 $0xFFFFF400  }
0xe3: {  	[spmem:s3] =	stream.indirect.scatter.add.bf16 [tilespmem:s13], [sflag:$0xE], $0x18, s6, s25, $0xb8;
	[tilespmem:$0x15500] =	vst v63  }
0xe4: {  	_ =	swait.ge [sflag:s26], $0xC00  }
0xe5: {  	[sflag:s26] =	ssyncset.done $0x0  }
0xe6: {  	s6 =	simm.s32 $0x5300;
	[sflag:s26] =	ssyncadd.s32 $0xFFFFF400  }
0xe7: {  	[spmem:s3] =	stream.indirect.scatter.add.bf16 [tilespmem:s14], [sflag:$0xF], $0x18, s6, s25, $0xb8;
	[tilespmem:$0x15500] =	vst v63  }
0xe8: {  	_ =	swait.ge [sflag:s22], $0xC00  }
0xe9: {  	[sflag:s22] =	ssyncset.done $0x0  }
0xea: {  	s6 =	simm.s32 $0x5380;
	[sflag:s22] =	ssyncadd.s32 $0xFFFFF400  }
0xeb: {  	[spmem:s3] =	stream.indirect.scatter.add.bf16 [tilespmem:s15], [sflag:$0x10], $0x18, s6, s25, $0xb8;
	[tilespmem:$0x15500] =	vst v63  }
0xec: {  	_ =	swait.ge [sflag:s31], $0xC00  }
0xed: {  	[sflag:s31] =	ssyncset.done $0x0  }
0xee: {  	s6 =	simm.s32 $0x2C00;
	[sflag:s31] =	ssyncadd.s32 $0xFFFFF400  }
0xef: {  	[tilespmem:s30], [sflag:$0x1] =	stream.indirect.gather [spmem:s2], $0x18, s6, s25, $0xb8;
	[tilespmem:$0x15500] =	vst v63  }
0xf0: {  	_ =	swait.ge [sflag:s23], $0xC00  }
0xf1: {  	[sflag:s23] =	ssyncset.done $0x0  }
0xf2: {  	s6 =	simm.s32 $0x2C80;
	[sflag:s23] =	ssyncadd.s32 $0xFFFFF400  }
0xf3: {  	[tilespmem:s10], [sflag:$0x2] =	stream.indirect.gather [spmem:s2], $0x18, s6, s25, $0xb8;
	[tilespmem:$0x15500] =	vst v63  }
0xf4: {  	_ =	swait.ge [sflag:s0], $0xC00  }
0xf5: {  	[sflag:s0] =	ssyncset.done $0x0  }
0xf6: {  	s6 =	simm.s32 $0x2D00;
	[sflag:s0] =	ssyncadd.s32 $0xFFFFF400  }
0xf7: {  	[tilespmem:s28], [sflag:$0x3] =	stream.indirect.gather [spmem:s2], $0x18, s6, s25, $0xb8;
	[tilespmem:$0x15500] =	vst v63  }
0xf8: {  	_ =	swait.ge [sflag:s24], $0xC00  }
0xf9: {  	[sflag:s24] =	ssyncset.done $0x0  }
0xfa: {  	s6 =	simm.s32 $0x2D80;
	[sflag:s24] =	ssyncadd.s32 $0xFFFFF400  }
0xfb: {  	[tilespmem:s11], [sflag:$0x4] =	stream.indirect.gather [spmem:s2], $0x18, s6, s25, $0xb8;
	[tilespmem:$0x15500] =	vst v63  }
0xfc: {  	_ =	swait.ge [sflag:s4], $0xC00  }
0xfd: {  	[sflag:s4] =	ssyncset.done $0x0  }
0xfe: {  	s6 =	simm.s32 $0x2E00;
	[sflag:s4] =	ssyncadd.s32 $0xFFFFF400  }
0xff: {  	[tilespmem:s12], [sflag:$0x5] =	stream.indirect.gather [spmem:s2], $0x18, s6, s25, $0xb8;
	[tilespmem:$0x15500] =	vst v63  }
0x100: {  	_ =	swait.ge [sflag:s1], $0xC00  }
0x101: {  	[sflag:s1] =	ssyncset.done $0x0  }
0x102: {  	s6 =	simm.s32 $0x2E80;
	[sflag:s1] =	ssyncadd.s32 $0xFFFFF400  }
0x103: {  	[tilespmem:s13], [sflag:$0x6] =	stream.indirect.gather [spmem:s2], $0x18, s6, s25, $0xb8;
	[tilespmem:$0x15500] =	vst v63  }
0x104: {  	_ =	swait.ge [sflag:s7], $0xC00  }
0x105: {  	[sflag:s7] =	ssyncset.done $0x0  }
0x106: {  	s6 =	simm.s32 $0x2F00;
	[sflag:s7] =	ssyncadd.s32 $0xFFFFF400  }
0x107: {  	[tilespmem:s14], [sflag:$0x7] =	stream.indirect.gather [spmem:s2], $0x18, s6, s25, $0xb8;
	[tilespmem:$0x15500] =	vst v63  }
0x108: {  	_ =	swait.ge [sflag:s8], $0xC00  }
0x109: {  	[sflag:s8] =	ssyncset.done $0x0  }
0x10a: {  	s5 =	simm.s32 $0x1000;
	s29 =	simm.s32 $0x2F80;
	[sflag:s8] =	ssyncadd.s32 $0xFFFFF400  }
.LBB2_6:
0x10b: {  	[tilespmem:s15], [sflag:$0x8] =	stream.indirect.gather [spmem:s2], $0x18, s29, s25, $0xb8;
	[tilespmem:$0x15500] =	vst v63  }
0x10c: {  	s6 =	smov.u32 s5  }
0x10d: {  	p0 =	sne.s32 s5, $0x8000;
	s5 =	sadd.s32 $0x1000, s5;
	_ =	swait.ge [sflag:s16], $0xC00  }
0x10e: {  	s29 =	sshra.s32 s6, $0x2;
	[sflag:s16] =	ssyncset.done $0x0  }
0x10f: {  	s6 =	sadd.s32 $0x5000, s29;
	[sflag:s16] =	ssyncadd.s32 $0xFFFFF400  }
0x110: {  	[spmem:s3] =	stream.indirect.scatter.add.bf16 [tilespmem:s30], [sflag:$0x9], $0x18, s6, s25, $0xb8;
	[tilespmem:$0x15500] =	vst v63  }
0x111: {  	_ =	swait.ge [sflag:s17], $0xC00  }
0x112: {  	[sflag:s17] =	ssyncset.done $0x0  }
0x113: {  	s6 =	sadd.s32 $0x5080, s29;
	[sflag:s17] =	ssyncadd.s32 $0xFFFFF400  }
0x114: {  	[spmem:s3] =	stream.indirect.scatter.add.bf16 [tilespmem:s10], [sflag:$0xA], $0x18, s6, s25, $0xb8;
	[tilespmem:$0x15500] =	vst v63  }
0x115: {  	_ =	swait.ge [sflag:s18], $0xC00  }
0x116: {  	[sflag:s18] =	ssyncset.done $0x0  }
0x117: {  	s6 =	sadd.s32 $0x5100, s29;
	[sflag:s18] =	ssyncadd.s32 $0xFFFFF400  }
0x118: {  	[spmem:s3] =	stream.indirect.scatter.add.bf16 [tilespmem:s28], [sflag:$0xB], $0x18, s6, s25, $0xb8;
	[tilespmem:$0x15500] =	vst v63  }
0x119: {  	_ =	swait.ge [sflag:s19], $0xC00  }
0x11a: {  	[sflag:s19] =	ssyncset.done $0x0  }
0x11b: {  	s6 =	sadd.s32 $0x5180, s29;
	[sflag:s19] =	ssyncadd.s32 $0xFFFFF400  }
0x11c: {  	[spmem:s3] =	stream.indirect.scatter.add.bf16 [tilespmem:s11], [sflag:$0xC], $0x18, s6, s25, $0xb8;
	[tilespmem:$0x15500] =	vst v63  }
0x11d: {  	_ =	swait.ge [sflag:s20], $0xC00  }
0x11e: {  	[sflag:s20] =	ssyncset.done $0x0  }
0x11f: {  	s6 =	sadd.s32 $0x5200, s29;
	[sflag:s20] =	ssyncadd.s32 $0xFFFFF400  }
0x120: {  	[spmem:s3] =	stream.indirect.scatter.add.bf16 [tilespmem:s12], [sflag:$0xD], $0x18, s6, s25, $0xb8;
	[tilespmem:$0x15500] =	vst v63  }
0x121: {  	_ =	swait.ge [sflag:s21], $0xC00  }
0x122: {  	[sflag:s21] =	ssyncset.done $0x0  }
0x123: {  	s6 =	sadd.s32 $0x5280, s29;
	[sflag:s21] =	ssyncadd.s32 $0xFFFFF400  }
0x124: {  	[spmem:s3] =	stream.indirect.scatter.add.bf16 [tilespmem:s13], [sflag:$0xE], $0x18, s6, s25, $0xb8;
	[tilespmem:$0x15500] =	vst v63  }
0x125: {  	_ =	swait.ge [sflag:s26], $0xC00  }
0x126: {  	[sflag:s26] =	ssyncset.done $0x0  }
0x127: {  	s6 =	sadd.s32 $0x5300, s29;
	[sflag:s26] =	ssyncadd.s32 $0xFFFFF400  }
0x128: {  	[spmem:s3] =	stream.indirect.scatter.add.bf16 [tilespmem:s14], [sflag:$0xF], $0x18, s6, s25, $0xb8;
	[tilespmem:$0x15500] =	vst v63  }
0x129: {  	_ =	swait.ge [sflag:s22], $0xC00  }
0x12a: {  	[sflag:s22] =	ssyncset.done $0x0  }
0x12b: {  	s6 =	sadd.s32 $0x5380, s29;
	[sflag:s22] =	ssyncadd.s32 $0xFFFFF400  }
0x12c: {  	[spmem:s3] =	stream.indirect.scatter.add.bf16 [tilespmem:s15], [sflag:$0x10], $0x18, s6, s25, $0xb8;
	[tilespmem:$0x15500] =	vst v63  }
0x12d: {  	_ =	swait.ge [sflag:s31], $0xC00  }
0x12e: {  	[sflag:s31] =	ssyncset.done $0x0  }
0x12f: {  	s6 =	sadd.s32 $0x2C00, s29;
	[sflag:s31] =	ssyncadd.s32 $0xFFFFF400  }
0x130: {  	[tilespmem:s30], [sflag:$0x1] =	stream.indirect.gather [spmem:s2], $0x18, s6, s25, $0xb8;
	[tilespmem:$0x15500] =	vst v63  }
0x131: {  	_ =	swait.ge [sflag:s23], $0xC00  }
0x132: {  	[sflag:s23] =	ssyncset.done $0x0  }
0x133: {  	s6 =	sadd.s32 $0x2C80, s29;
	[sflag:s23] =	ssyncadd.s32 $0xFFFFF400  }
0x134: {  	[tilespmem:s10], [sflag:$0x2] =	stream.indirect.gather [spmem:s2], $0x18, s6, s25, $0xb8;
	[tilespmem:$0x15500] =	vst v63  }
0x135: {  	_ =	swait.ge [sflag:s0], $0xC00  }
0x136: {  	[sflag:s0] =	ssyncset.done $0x0  }
0x137: {  	s6 =	sadd.s32 $0x2D00, s29;
	[sflag:s0] =	ssyncadd.s32 $0xFFFFF400  }
0x138: {  	[tilespmem:s28], [sflag:$0x3] =	stream.indirect.gather [spmem:s2], $0x18, s6, s25, $0xb8;
	[tilespmem:$0x15500] =	vst v63  }
0x139: {  	_ =	swait.ge [sflag:s24], $0xC00  }
0x13a: {  	[sflag:s24] =	ssyncset.done $0x0  }
0x13b: {  	s6 =	sadd.s32 $0x2D80, s29;
	[sflag:s24] =	ssyncadd.s32 $0xFFFFF400  }
0x13c: {  	[tilespmem:s11], [sflag:$0x4] =	stream.indirect.gather [spmem:s2], $0x18, s6, s25, $0xb8;
	[tilespmem:$0x15500] =	vst v63  }
0x13d: {  	_ =	swait.ge [sflag:s4], $0xC00  }
0x13e: {  	[sflag:s4] =	ssyncset.done $0x0  }
0x13f: {  	s6 =	sadd.s32 $0x2E00, s29;
	[sflag:s4] =	ssyncadd.s32 $0xFFFFF400  }
0x140: {  	[tilespmem:s12], [sflag:$0x5] =	stream.indirect.gather [spmem:s2], $0x18, s6, s25, $0xb8;
	[tilespmem:$0x15500] =	vst v63  }
0x141: {  	_ =	swait.ge [sflag:s1], $0xC00  }
0x142: {  	[sflag:s1] =	ssyncset.done $0x0  }
0x143: {  	s6 =	sadd.s32 $0x2E80, s29;
	[sflag:s1] =	ssyncadd.s32 $0xFFFFF400  }
0x144: {  	[tilespmem:s13], [sflag:$0x6] =	stream.indirect.gather [spmem:s2], $0x18, s6, s25, $0xb8;
	[tilespmem:$0x15500] =	vst v63  }
0x145: {  	_ =	swait.ge [sflag:s7], $0xC00  }
0x146: {  	[sflag:s7] =	ssyncset.done $0x0  }
.Ltmp2:
0x147: {  	s6 =	sadd.s32 $0x2F00, s29;
	[sflag:s7] =	ssyncadd.s32 $0xFFFFF400;
	(pc) =	sbr.rel @p0 .LBB2_6-.Ltmp2, $4  }
0x148: {  	[tilespmem:s14], [sflag:$0x7] =	stream.indirect.gather [spmem:s2], $0x18, s6, s25, $0xb8;
	[tilespmem:$0x15500] =	vst v63  }
0x149: {  	_ =	swait.ge [sflag:s8], $0xC00  }
0x14a: {  	[sflag:s8] =	ssyncset.done $0x0  }
0x14b: {  	s29 =	sadd.s32 $0x2F80, s29;
	[sflag:s8] =	ssyncadd.s32 $0xFFFFF400  }
0x14c: {  	[tilespmem:s15], [sflag:$0x8] =	stream.indirect.gather [spmem:s2], $0x18, s29, s25, $0xb8;
	[tilespmem:$0x15500] =	vst v63  }
0x14d: {  	_ =	swait.ge [sflag:s16], $0xC00  }
0x14e: {  	[sflag:s16] =	ssyncset.done $0x0  }
0x14f: {  	s5 =	simm.s32 $0x7400;
	[sflag:s16] =	ssyncadd.s32 $0xFFFFF400  }
0x150: {  	[spmem:s3] =	stream.indirect.scatter.add.bf16 [tilespmem:s30], [sflag:$0x9], $0x18, s5, s25, $0xb8;
	[tilespmem:$0x15500] =	vst v63  }
0x151: {  	_ =	swait.ge [sflag:s17], $0xC00  }
0x152: {  	[sflag:s17] =	ssyncset.done $0x0  }
0x153: {  	s6 =	simm.s32 $0x7480;
	[sflag:s17] =	ssyncadd.s32 $0xFFFFF400  }
0x154: {  	[spmem:s3] =	stream.indirect.scatter.add.bf16 [tilespmem:s10], [sflag:$0xA], $0x18, s6, s25, $0xb8;
	[tilespmem:$0x15500] =	vst v63  }
0x155: {  	_ =	swait.ge [sflag:s18], $0xC00  }
0x156: {  	[sflag:s18] =	ssyncset.done $0x0  }
0x157: {  	s10 =	simm.s32 $0x7500;
	[sflag:s18] =	ssyncadd.s32 $0xFFFFF400  }
0x158: {  	[spmem:s3] =	stream.indirect.scatter.add.bf16 [tilespmem:s28], [sflag:$0xB], $0x18, s10, s25, $0xb8;
	[tilespmem:$0x15500] =	vst v63  }
0x159: {  	_ =	swait.ge [sflag:s19], $0xC00  }
0x15a: {  	[sflag:s19] =	ssyncset.done $0x0  }
0x15b: {  	s29 =	simm.s32 $0x7580;
	[sflag:s19] =	ssyncadd.s32 $0xFFFFF400  }
0x15c: {  	[spmem:s3] =	stream.indirect.scatter.add.bf16 [tilespmem:s11], [sflag:$0xC], $0x18, s29, s25, $0xb8;
	[tilespmem:$0x15500] =	vst v63  }
0x15d: {  	_ =	swait.ge [sflag:s20], $0xC00  }
0x15e: {  	[sflag:s20] =	ssyncset.done $0x0  }
0x15f: {  	s6 =	simm.s32 $0x7600;
	[sflag:s20] =	ssyncadd.s32 $0xFFFFF400  }
0x160: {  	[spmem:s3] =	stream.indirect.scatter.add.bf16 [tilespmem:s12], [sflag:$0xD], $0x18, s6, s25, $0xb8;
	[tilespmem:$0x15500] =	vst v63  }
0x161: {  	_ =	swait.ge [sflag:s21], $0xC00  }
0x162: {  	[sflag:s21] =	ssyncset.done $0x0  }
0x163: {  	s10 =	simm.s32 $0x7680;
	[sflag:s21] =	ssyncadd.s32 $0xFFFFF400  }
0x164: {  	[spmem:s3] =	stream.indirect.scatter.add.bf16 [tilespmem:s13], [sflag:$0xE], $0x18, s10, s25, $0xb8;
	[tilespmem:$0x15500] =	vst v63  }
0x165: {  	_ =	swait.ge [sflag:s26], $0xC00  }
0x166: {  	[sflag:s26] =	ssyncset.done $0x0  }
0x167: {  	s29 =	simm.s32 $0x7700;
	[sflag:s26] =	ssyncadd.s32 $0xFFFFF400  }
0x168: {  	[spmem:s3] =	stream.indirect.scatter.add.bf16 [tilespmem:s14], [sflag:$0xF], $0x18, s29, s25, $0xb8;
	[tilespmem:$0x15500] =	vst v63  }
0x169: {  	_ =	swait.ge [sflag:s22], $0xC00  }
0x16a: {  	[sflag:s22] =	ssyncset.done $0x0  }
0x16b: {  	s6 =	simm.s32 $0x7780;
	[sflag:s22] =	ssyncadd.s32 $0xFFFFF400  }
0x16c: {  	[spmem:s3] =	stream.indirect.scatter.add.bf16 [tilespmem:s15], [sflag:$0x10], $0x18, s6, s25, $0xb8;
	[tilespmem:$0x15500] =	vst v63  }
0x16d: {  	_ =	swait.ge [sflag:s31], $0xC00  }
0x16e: {  	[sflag:s31] =	ssyncset.done $0x0  }
0x16f: {  	[sflag:s31] =	ssyncadd.s32 $0xFFFFF400  }
0x170: {  	_ =	swait.ge [sflag:s23], $0xC00  }
0x171: {  	[sflag:s23] =	ssyncset.done $0x0  }
0x172: {  	[sflag:s23] =	ssyncadd.s32 $0xFFFFF400  }
0x173: {  	_ =	swait.ge [sflag:s0], $0xC00  }
0x174: {  	[sflag:s0] =	ssyncset.done $0x0  }
0x175: {  	[sflag:s0] =	ssyncadd.s32 $0xFFFFF400  }
0x176: {  	_ =	swait.ge [sflag:s24], $0xC00  }
0x177: {  	[sflag:s24] =	ssyncset.done $0x0  }
0x178: {  	[sflag:s24] =	ssyncadd.s32 $0xFFFFF400  }
0x179: {  	_ =	swait.ge [sflag:s4], $0xC00  }
0x17a: {  	[sflag:s4] =	ssyncset.done $0x0  }
0x17b: {  	[sflag:s4] =	ssyncadd.s32 $0xFFFFF400  }
0x17c: {  	_ =	swait.ge [sflag:s1], $0xC00  }
0x17d: {  	[sflag:s1] =	ssyncset.done $0x0  }
0x17e: {  	[sflag:s1] =	ssyncadd.s32 $0xFFFFF400  }
0x17f: {  	_ =	swait.ge [sflag:s7], $0xC00  }
0x180: {  	[sflag:s7] =	ssyncset.done $0x0  }
0x181: {  	[sflag:s7] =	ssyncadd.s32 $0xFFFFF400  }
0x182: {  	_ =	swait.ge [sflag:s8], $0xC00  }
0x183: {  	[sflag:s8] =	ssyncset.done $0x0  }
0x184: {  	[sflag:s8] =	ssyncadd.s32 $0xFFFFF400  }
0x185: {  	[bflag:$0x0] =	sbarrier.arrive $0xFFFF  }
0x186: {  	s29 =	simm.s32 $0x12;
	s10 =	rddreg [dreg:$0x8]  }
0x187: {  	[tilespmem:s30], [sflag:$0x12] =	stream.linear.gather [spmem:s10], $0xC00, $0x38;
	[tilespmem:$0x15500] =	vst v63  }
0x188: {  	_ =	swait.ge [sflag:s29], $0xC00  }
0x189: {  	s6 =	simm.s32 $0xD800;
	[sflag:s29] =	ssyncset.done $0x0  }
0x18a: {  	s10 =	simm.s32 $0x11;
	s5 =	rddreg [dreg:$0x7];
	[sflag:s29] =	ssyncadd.s32 $0xFFFFF400  }
0x18b: {  	[hbm4b:s5+s25] =	stream.indirect.scatter [tilespmem:s30], [sflag:$0x11], $0x18, s6, s25, $0xb8;
	[tilespmem:$0x15500] =	vst v63  }
0x18c: {  	_ =	swait.ge [sflag:s10], $0xC00  }
0x18d: {  	[sflag:s10] =	ssyncset.done $0x0  }
0x18e: {  	s6 =	rddreg [dreg:$0x14];
	[sflag:s10] =	ssyncadd.s32 $0xFFFFF400  }
0x18f: {  	[tilespmem:s30], [sflag:$0x12] =	stream.linear.gather [spmem:s6], $0xC00, $0x38;
	[tilespmem:$0x15500] =	vst v63  }
0x190: {  	_ =	swait.ge [sflag:s29], $0xC00  }
0x191: {  	[sflag:s29] =	ssyncset.done $0x0  }
0x192: {  	s6 =	simm.s32 $0xD880;
	[sflag:s29] =	ssyncadd.s32 $0xFFFFF400  }
0x193: {  	[hbm4b:s5+s25] =	stream.indirect.scatter [tilespmem:s30], [sflag:$0x11], $0x18, s6, s25, $0xb8;
	[tilespmem:$0x15500] =	vst v63  }
0x194: {  	_ =	swait.ge [sflag:s10], $0xC00  }
0x195: {  	[sflag:s10] =	ssyncset.done $0x0  }
0x196: {  	s6 =	rddreg [dreg:$0x15];
	[sflag:s10] =	ssyncadd.s32 $0xFFFFF400  }
0x197: {  	[tilespmem:s30], [sflag:$0x12] =	stream.linear.gather [spmem:s6], $0xC00, $0x38;
	[tilespmem:$0x15500] =	vst v63  }
0x198: {  	_ =	swait.ge [sflag:s29], $0xC00  }
0x199: {  	[sflag:s29] =	ssyncset.done $0x0  }
0x19a: {  	s6 =	simm.s32 $0xD900;
	[sflag:s29] =	ssyncadd.s32 $0xFFFFF400  }
0x19b: {  	[hbm4b:s5+s25] =	stream.indirect.scatter [tilespmem:s30], [sflag:$0x11], $0x18, s6, s25, $0xb8;
	[tilespmem:$0x15500] =	vst v63  }
0x19c: {  	_ =	swait.ge [sflag:s10], $0xC00  }
0x19d: {  	[sflag:s10] =	ssyncset.done $0x0  }
0x19e: {  	s6 =	rddreg [dreg:$0x16];
	[sflag:s10] =	ssyncadd.s32 $0xFFFFF400  }
0x19f: {  	[tilespmem:s30], [sflag:$0x12] =	stream.linear.gather [spmem:s6], $0xC00, $0x38;
	[tilespmem:$0x15500] =	vst v63  }
0x1a0: {  	_ =	swait.ge [sflag:s29], $0xC00  }
0x1a1: {  	[sflag:s29] =	ssyncset.done $0x0  }
0x1a2: {  	s6 =	simm.s32 $0xD980;
	[sflag:s29] =	ssyncadd.s32 $0xFFFFF400  }
0x1a3: {  	[hbm4b:s5+s25] =	stream.indirect.scatter [tilespmem:s30], [sflag:$0x11], $0x18, s6, s25, $0xb8;
	[tilespmem:$0x15500] =	vst v63  }
0x1a4: {  	_ =	swait.ge [sflag:s10], $0xC00  }
0x1a5: {  	[sflag:s10] =	ssyncset.done $0x0  }
0x1a6: {  	s6 =	rddreg [dreg:$0x17];
	[sflag:s10] =	ssyncadd.s32 $0xFFFFF400  }
0x1a7: {  	[tilespmem:s30], [sflag:$0x12] =	stream.linear.gather [spmem:s6], $0xC00, $0x38;
	[tilespmem:$0x15500] =	vst v63  }
0x1a8: {  	_ =	swait.ge [sflag:s29], $0xC00  }
0x1a9: {  	[sflag:s29] =	ssyncset.done $0x0  }
0x1aa: {  	[sflag:s29] =	ssyncadd.s32 $0xFFFFF400;
	s29 =	simm.s32 $0xDA00  }
0x1ab: {  	[hbm4b:s5+s25] =	stream.indirect.scatter [tilespmem:s30], [sflag:$0x11], $0x18, s29, s25, $0xb8;
	[tilespmem:$0x15500] =	vst v63  }
0x1ac: {  	_ =	swait.ge [sflag:s10], $0xC00  }
0x1ad: {  	s28 =	rddreg [dreg:$0x5]  }
0x1ae: {  	s30 =	rddreg [dreg:$0x9];
	s28 =	sadd.s32 $0x1, s28  }
0x1af: {  	p0 =	sne.s32 s28, s30  }
.Ltmp3:
0x1b0: {  	_ = 	snop;
	(pc) =	sbr.rel @p0 .LBB2_1-.Ltmp3, $3  }
0x1b1: {  	_ =	sdelay $0x1  }
0x1b2: {  	[sflag:s10] =	ssyncset.done $0x0  }
0x1b3: {  	[sflag:s10] =	ssyncadd.s32 $0xFFFFF400  }
0x1b4: {  	_ =	sfence.sel $0x180000  }
0x1b5: {  	[bflag:$0x0] =	sbarrier.arrive $0xFFFF  }
0x1b6: {  	_ =	strace $0x9000004A  }
0x1b7: {  	s0 =	stileid.u32;
	[bflag:$0x2] =	sbarrier.arrive $0xFFFF  }
0x1b8: {  	p0 =	sne.s32 s0, $0x0;
	s0 =	rddreg [dreg:$0x4]  }
0x1b9: {  	s0 =	sadd.s32 @!p0 $0x100000, s0  }
0x1ba: {  	[sflag:s0] =	ssyncadd.tile.s32 @!p0 $0x1;
	_ =	shalt  }
.Lfunc_end2:
_tile_overlayer_lowered:
.L_overlay_start_2:
0x1bb: {  	(tag) =	ssettag $0x2  }
0x1bc: {  	s0 =	rddreg [dreg:$0x0];
	s2 =	stileid.u32  }
0x1bd: {  	s1 =	rddreg [dreg:$0x1];
	p0 =	sne.s32 s2, $0x0  }
0x1be: {  	s3 =	rddreg [dreg:$0x2];
	[bflag:$0x3] =	sbarrier.arrive $0xFFFF;
	s2 =	simm.s32 @!p0 $0x1C12  }
0x1bf: {  	[timem:s3], [sflag:s2] =	dma.local @!p0 [hbm:s0], s1  }
0x1c0: {  	s0 =	simm.s32 @!p0 $0x12  }
0x1c1: {  	_ =	swait.ge @!p0 [sflag:s0], s1  }
0x1c2: {  	s1 =	ssub.s32 @!p0 $0x0, s1;
	[sflag:s0] =	ssyncset.done @!p0 $0x0  }
0x1c3: {  	[sflag:s0] =	ssyncadd.s32 @!p0 s1  }
0x1c4: {  	[bflag:$0x3] =	sbarrier.arrive $0xFFFF  }
0x1c5: {  	_ =	shalt  }

// kernel: kernel.7.cloned.1.call-start
scs
__scs_entry_jumppad:
0x0: {  	(pc) =	sbr.rel $0x88, $3  }
0x1: {  	(tag) =	ssettag $0x0;
	lr =	simm.s32 $0x1  }
0x2: {  	[smem:$0x3F9B] =	sst lr;
	_ =	strace $0xD0000000  }
0x3: {  	_ = 	snop  }
0x4: {  	_ = 	snop  }
0x5: {  	_ = 	snop  }
0x6: {  	_ = 	snop  }
0x7: {  	_ = 	snop  }
__scs_overlays_trampoline_lowered:
0x8: {  	[smem:$0x3FAA] =	sst s0  }
0x9: {  	[smem:$0x3FAB] =	sst s1  }
0xa: {  	[smem:$0x3FAC] =	sst s2  }
0xb: {  	[smem:$0x3FAD] =	sst s3  }
0xc: {  	[smem:$0x3FAE] =	sst s4  }
0xd: {  	[smem:$0x3FAF] =	sst s5  }
0xe: {  	[smem:$0x3FB0] =	sst s6  }
0xf: {  	[smem:$0x3FB1] =	sst s7  }
0x10: {  	[smem:$0x3FB2] =	sst s8  }
0x11: {  	[smem:$0x3FB3] =	sst s9;
	s0 =	simm.s32 @!p0 $0x0  }
0x12: {  	s1 =	sld [smem:$0x3F99];
	s0 =	simm.s32 @p0 $0x1  }
0x13: {  	[smem:$0x3FB4] =	sst s0;
	s0 =	simm.s32 @!p1 $0x0  }
0x14: {  	s2 =	sld [smem:$0x3F98];
	s0 =	simm.s32 @p1 $0x1  }
0x15: {  	[smem:$0x3FB5] =	sst s0;
	s0 =	simm.s32 @!p2 $0x0  }
0x16: {  	s3 =	sld [smem:$0x3FDB];
	s0 =	simm.s32 @p2 $0x1  }
0x17: {  	s4 =	simm.s32 $0x1BF5;
	[smem:$0x3FB7] =	sst s0  }
0x18: {  	s0 =	sld [smem:$0x3F9A];
	_ =	swait.ge [sflag:s4], $0x0  }
0x19: {  	s7 =	sld [smem:$0x3F9B]  }
0x1a: {  	s8 =	sadd.s32 $0xFFFFE003, lr  }
0x1b: {  	s9 =	sadd.s32 $0xFFFFFEF7, lr;
	s5 =	simm.s32 $0xFFFFFFFF;
	p2 =	slt.u32 s8, $0xFFFFF086  }
0x1c: {  	p1 =	slt.u32 s9, $0xF7A;
	s5 =	simm.s32 @!p2 $0x0  }
0x1d: {  	s5 =	simm.s32 @p1 $0x1;
	p0 =	seq.s32 s7, s2  }
0x1e: {  	s7 =	smul.u32 @!p0 $0xF7A, s2;
	p2 =	seq.s32 @!p0 s5, $0x0  }
0x1f: {  	s9 =	smul.u32 $0xF7A, s1;
	s8 =	simm.s32 @!p0 $0x1BF5;
	p2 =	por !p2, p0  }
0x20: {  	[sflag:s8] =	ssyncset.s32 @!p0 $0xFFFFF086;
	s6 =	sadd.s32 @!p0 s3, s7;
	s7 =	simm.s32 @!p0 $0x108  }
0x21: {  	s3 =	sadd.s32 s3, s9;
	s6 =	sadd.s32 @!p0 $0x88, s6;
	s7 =	simm.s32 @p2 $0x1082  }
0x22: {  	[simem:s7], [sflag:s8] =	dma.local @!p0 [hbm:s6], $0xF7A  }
0x23: {  	s9 =	sor.u32 $0xD0000000, s2;
	s6 =	simm.s32 $0x108;
	_ =	swait.ge @!p0 [sflag:s8], $0x0  }
0x24: {  	s3 =	sadd.s32 $0x88, s3;
	s6 =	simm.s32 @!p1 $0x1082;
	[sflag:s4] =	ssyncset.s32 $0xFFFFF086  }
0x25: {  	[simem:s6], [sflag:s4] =	dma.local [hbm:s3], $0xF7A  }
0x26: {  	[smem:$0x3F9B] =	sst s1;
	(tag) =	ssettag s2;
	_ =	strace s9  }
0x27: {  	s1 =	sld [smem:$0x3FAB]  }
0x28: {  	s2 =	sld [smem:$0x3FAC]  }
0x29: {  	s4 =	sld [smem:$0x3FAE]  }
0x2a: {  	p0 =	seq.s32 s5, $0x0;
	s5 =	sld [smem:$0x3FAF]  }
0x2b: {  	s6 =	sld [smem:$0x3FB0]  }
0x2c: {  	s7 =	sld [smem:$0x3FB1]  }
0x2d: {  	s3 =	simm.s32 $0x108;
	s8 =	sld [smem:$0x3FB2]  }
0x2e: {  	s3 =	simm.s32 @!p0 $0x1082;
	s9 =	sld [smem:$0x3FB3]  }
0x2f: {  	lr =	sadd.s32 s0, s3;
	s0 =	sld [smem:$0x3FAA]  }
0x30: {  	s3 =	sld [smem:$0x3FAD]  }
0x31: {  	[smem:$0x3FB6] =	sst s10  }
0x32: {  	s10 =	sld [smem:$0x3FB4];
	_ =	sdelay $0x3  }
0x33: {  	p0 =	seq.s32 s10, $0x1;
	s10 =	sld [smem:$0x3FB6];
	_ =	sdelay $0x3  }
0x34: {  	[smem:$0x3FB6] =	sst s10  }
0x35: {  	s10 =	sld [smem:$0x3FB5];
	_ =	sdelay $0x3  }
0x36: {  	p1 =	seq.s32 s10, $0x1;
	s10 =	sld [smem:$0x3FB6];
	_ =	sdelay $0x3  }
0x37: {  	[smem:$0x3FB6] =	sst s10  }
0x38: {  	s10 =	sld [smem:$0x3FB7]  }
0x39: {  	_ = 	snop;
	(pc) =	sbr.ind lr, $3  }
0x3a: {  	_ = 	snop  }
0x3b: {  	_ = 	snop  }
0x3c: {  	p2 =	seq.s32 s10, $0x1;
	s10 =	sld [smem:$0x3FB6]  }
0x3d: {  	_ =	shalt  }
0x3e: {  	_ =	shalt  }
0x3f: {  	_ =	shalt  }
0x40: {  	_ =	shalt  }
0x41: {  	_ =	shalt  }
0x42: {  	_ =	shalt  }
0x43: {  	_ =	shalt  }
0x44: {  	_ =	shalt  }
0x45: {  	_ =	shalt  }
0x46: {  	_ =	shalt  }
0x47: {  	_ =	shalt  }
0x48: {  	_ =	shalt  }
0x49: {  	_ =	shalt  }
0x4a: {  	_ =	shalt  }
0x4b: {  	_ =	shalt  }
0x4c: {  	_ =	shalt  }
0x4d: {  	_ =	shalt  }
0x4e: {  	_ =	shalt  }
0x4f: {  	_ =	shalt  }
0x50: {  	_ =	shalt  }
0x51: {  	_ =	shalt  }
0x52: {  	_ =	shalt  }
0x53: {  	_ =	shalt  }
0x54: {  	_ =	shalt  }
0x55: {  	_ =	shalt  }
0x56: {  	_ =	shalt  }
0x57: {  	_ =	shalt  }
0x58: {  	_ =	shalt  }
0x59: {  	_ =	shalt  }
0x5a: {  	_ =	shalt  }
0x5b: {  	_ =	shalt  }
0x5c: {  	_ =	shalt  }
0x5d: {  	_ =	shalt  }
0x5e: {  	_ =	shalt  }
0x5f: {  	_ =	shalt  }
0x60: {  	_ =	shalt  }
0x61: {  	_ =	shalt  }
0x62: {  	_ =	shalt  }
0x63: {  	_ =	shalt  }
0x64: {  	_ =	shalt  }
0x65: {  	_ =	shalt  }
0x66: {  	_ =	shalt  }
0x67: {  	_ =	shalt  }
0x68: {  	_ =	shalt  }
0x69: {  	_ =	shalt  }
0x6a: {  	_ =	shalt  }
0x6b: {  	_ =	shalt  }
0x6c: {  	_ =	shalt  }
0x6d: {  	_ =	shalt  }
0x6e: {  	_ =	shalt  }
0x6f: {  	_ =	shalt  }
0x70: {  	_ =	shalt  }
0x71: {  	_ =	shalt  }
0x72: {  	_ =	shalt  }
0x73: {  	_ =	shalt  }
0x74: {  	_ =	shalt  }
0x75: {  	_ =	shalt  }
0x76: {  	_ =	shalt  }
0x77: {  	_ =	shalt  }
0x78: {  	_ =	shalt  }
0x79: {  	_ =	shalt  }
0x7a: {  	_ =	shalt  }
0x7b: {  	_ =	shalt  }
0x7c: {  	_ =	shalt  }
0x7d: {  	_ =	shalt  }
0x7e: {  	_ =	shalt  }
0x7f: {  	_ =	shalt  }
0x80: {  	_ =	shalt  }
0x81: {  	_ =	shalt  }
0x82: {  	_ =	shalt  }
0x83: {  	_ =	shalt  }
0x84: {  	_ =	shalt  }
0x85: {  	_ =	shalt  }
0x86: {  	_ =	shalt  }
0x87: {  	_ =	shalt  }
.Lfunc_end0:
.L_simem_size_0:
called_computation_lowered:
.L_overlay_start_0:
0x88: {  	s2 =	sld [smem:$0x3FD9]  }
0x89: {  	s3 =	sld [smem:$0x3FFE];
	_ =	sdelay $0x1  }
0x8a: {  	s1 =	srdreg.scid  }
0x8b: {  	s0 =	sand.u32 $0x1, s1  }
0x8c: {  	s17 =	sshll.u32 s0, $0xA;
	s2 =	sadd.s32 s3, s2  }
0x8d: {  	s2 =	sadd.s32 s2, s17  }
0x8e: {  	[smem:$0x3FC2] =	sst s2  }
0x8f: {  	_ = 	snop  }
0x90: {  	s2 =	sld [smem:$0x3FD0];
	(tm) =	ssettm $0x1  }
0x91: {  	s18 =	sld [smem:$0x3FFB];
	_ =	sdelay $0x3  }
0x92: {  	_ =	strace s18  }
0x93: {  	s3 =	sld [smem:$0x3FFC];
	_ =	sdelay $0x3  }
0x94: {  	_ =	strace s3  }
0x95: {  	s3 =	sld [smem:$0x3FFD];
	_ =	sdelay $0x3  }
0x96: {  	_ =	strace s3  }
0x97: {  	_ =	strace $0x8FFFFFFF  }
0x98: {  	s19 =	sld [smem:$0x3FDB];
	_ =	sdelay $0x1  }
0x99: {  	s4 =	simm.s32 $_scs_section_size  }
0x9a: {  	s5 =	simm.s32 $_size__tile_overlayer_lowered;
	s6 =	simm.s32 $_tile_overlayer_lowered  }
0x9b: {  	s22 =	simm.s32 $0x1BFF;
	s21 =	sshll.u32 s6, $0x1;
	s3 =	sadd.s32 s4, s19  }
0x9c: {  	s7 =	simm.s32 $0x0;
	s20 =	sshll.u32 s5, $0x1;
	s5 =	sadd.s32 s21, s3  }
0x9d: {  	[timem:s7], [sflag:s22] =	dma.local [hbm:s5], s20  }
0x9e: {  	_ =	swait.ge [sflag:s22], s20  }
0x9f: {  	s4 =	ssub.s32 $0x0, s20;
	[sflag:s22] =	ssyncset.done $0x0  }
0xa0: {  	[sflag:s22] =	ssyncadd.s32 s4;
	_ =	sdelay $0x1  }
0xa1: {  	s23 =	simm.s32 $0x1B8B  }
0xa2: {  	_ =	swait.ge [sflag:s23], $0x1  }
0xa3: {  	[sflag:s23] =	ssyncset.done $0x0  }
0xa4: {  	s25 =	simm.s32 $0x1B8E;
	s24 =	sld [smem:$0x3FFE];
	[sflag:s23] =	ssyncadd.s32 $0xFFFFFFFF  }
0xa5: {  	s26 =	simm.s32 $execute0_lowered;
	[smem:$0x3FD2] =	sst s25  }
0xa6: {  	s5 =	sshll.u32 s26, $0x1;
	_ =	strace $0x80000046;
	[dreg:$0x1] =	wrdreg $0xFFFFFFFF  }
0xa7: {  	s28 =	simm.s32 $_size_execute0_lowered;
	s3 =	sadd.s32 s3, s5;
	[dreg:$0x0] =	wrdreg $0x0  }
0xa8: {  	s5 =	sshll.u32 s28, $0x1;
	[dreg:$0x2] =	wrdreg s3  }
0xa9: {  	[dreg:$0x3] =	wrdreg s5  }
0xaa: {  	[dreg:$0x4] =	wrdreg $0xC0  }
0xab: {  	_ =	task [dreg:s7], $0x5FFFF  }
0xac: {  	[dreg:$0x1] =	wrdreg $0xFFFFFFFF  }
0xad: {  	[dreg:$0x0] =	wrdreg $0x60  }
0xae: {  	[dreg:$0x2] =	wrdreg s2  }
0xaf: {  	[dreg:$0x3] =	wrdreg s24  }
0xb0: {  	[dreg:$0x4] =	wrdreg $0x53800  }
0xb1: {  	[dreg:$0x5] =	wrdreg $0x9  }
0xb2: {  	_ =	task.clear_ibuf [dreg:s7], $0x6FFFF;
	_ =	strace $0x90000046  }
0xb3: {  	s29 =	simm.s32 $0x9;
	_ =	strace $0x80000048  }
0xb4: {  	_ =	swait.ge [sflag:s29], $0x1  }
0xb5: {  	[sflag:s29] =	ssyncadd.s32 $0xFFFFFFFF  }
0xb6: {  	_ =	strace $0x90000048  }
0xb7: {  	_ =	sfence  }
0xb8: {  	s30 =	sld [smem:$0x0];
	_ =	sdelay $0x2  }
0xb9: {  	s31 =	sshll.u32 s1, $0xD;
	s1 =	sshrl.u32 s1, $0x2  }
0xba: {  	s3 =	sand.u32 $0x4000, s31;
	s1 =	sadd.s32 s1, s30  }
0xbb: {  	s0 =	sor.u32 s3, s0;
	s1 =	sshll.u32 s1, $0x11  }
0xbc: {  	s0 =	sor.u32 s1, s0  }
0xbd: {  	s0 =	sadd.s32 $0x8F2B, s0  }
0xbe: {  	[sflag:s0] =	ssyncadd.remote.s32 $0x1  }
0xbf: {  	_ =	sfence.sel $0xFFFF  }
0xc0: {  	[dreg:$0x0] =	wrdreg $0xFFFFFFFF;
	(pc) =	sbr.abs _section_cstart, $3  }
0xc1: {  	[dreg:$0x1] =	wrdreg $0xFFFFFFFF  }
0xc2: {  	_ =	task.clear_ibuf [dreg:s7], $0x2FFFF;
	_ =	strace $0x9FFFFFFF  }
0xc3: {  	(tm) =	ssettm $0x7FFFFFFF  }
tec
execute0_lowered:
.L_overlay_start_1:
0x0: {  	(tag) =	ssettag $0x1  }
0x1: {  	s2 =	rddreg [dreg:$0x0]  }
0x2: {  	s5 =	rddreg [dreg:$0x1]  }
0x3: {  	s3 =	rddreg [dreg:$0x2];
	s4 =	srdreg.scid  }
0x4: {  	s1 =	stileid.u32;
	s0 =	rddreg [dreg:$0x3];
	s12 =	simm.s32 $0x5080  }
0x5: {  	s13 =	simm.s32 $0x2;
	s15 =	simm.s32 $0x5100;
	s16 =	simm.s32 $0x1  }
0x6: {  	s21 =	simm.s32 $0x0;
	s6 =	sand.u32 $0x1, s4;
	s7 =	smul.u32 $0x280, s1  }
0x7: {  	s4 =	simm.s32 $0x0;
	s8 =	smul.u32 $0x2800, s6;
	s9 =	sshll.u32 s6, $0x4  }
0x8: {  	s31 =	sshll.u32 s1, $0x6;
	[smem:$0x7FF] =	sst s4;
	s9 =	sor.u32 s1, s9  }
0x9: {  	s6 =	ssub.s32 $0x2, s6;
	s8 =	sadd.s32 s7, s8;
	s14 =	smul.u32 $0x50, s9  }
0xa: {  	_ =	strace $0x80000047;
	s30 =	sshrl.u32 s6, $0x1;
	s8 =	sshrl.u32 s8, $0x3  }
0xb: {  	s9 =	ssub.s32 s6, s30;
	s8 =	sadd.s32 s8, s5;
	s17 =	sadd.s32 $0x10, s14  }
0xc: {  	v4 =	vlaneseq.u32;
	s18 =	sadd.s32 $0x20, s14;
	s19 =	sadd.s32 $0x30, s14;
	s20 =	sadd.s32 $0x40, s14  }
0xd: {  	s5 =	sadd.s32 s7, s3;
	s7 =	smax.u32 s9, $0x1;
	v0 =	vor.u32 s14, v4;
	s14 =	simm.s32 $0x50  }
0xe: {  	s6 =	sadd.s32 $0xA00, s8;
	s8 =	sadd.s32 $0x80, s5;
	s9 =	sadd.s32 $0x100, s5  }
0xf: {  	v5 =	vimm.f32 $1.000000000e+00;
	v6 =	vimm.f32 $0.0e+00;
	s10 =	sadd.s32 $0x180, s5;
	s11 =	sadd.s32 $0x200, s5;
	v1 =	vor.u32 s17, v4;
	s17 =	simm.s32 $0x80  }
0x10: {  	v2 =	vor.u32 s18, v4;
	v3 =	vor.u32 s19, v4;
	s18 =	simm.s32 $0x5000;
	v4 =	vor.u32 s20, v4;
	s19 =	sor.u32 $0x1C02, s31;
	s20 =	sshrl.u32 s5, $0x3  }
.LBB2_1:
0x11: {  	[tilespmem:$0x5000] =	vst v5  }
0x12: {  	[tilespmem:$0x5080] =	vst v6  }
0x13: {  	[tilespmem:$0x5010] =	vst v5  }
0x14: {  	[tilespmem:$0x5090] =	vst v6  }
0x15: {  	[tilespmem:$0x5020] =	vst v5  }
0x16: {  	[tilespmem:$0x50A0] =	vst v6  }
0x17: {  	[tilespmem:$0x5030] =	vst v5  }
0x18: {  	[tilespmem:$0x50B0] =	vst v6  }
0x19: {  	[tilespmem:$0x5040] =	vst v5  }
0x1a: {  	[tilespmem:$0x50C0] =	vst v6  }
0x1b: {  	[tilespmem:$0x5050] =	vst v5  }
0x1c: {  	[tilespmem:$0x50D0] =	vst v6  }
0x1d: {  	[tilespmem:$0x5060] =	vst v5  }
0x1e: {  	[tilespmem:$0x50E0] =	vst v6  }
0x1f: {  	[tilespmem:$0x5070] =	vst v5  }
0x20: {  	[tilespmem:$0x50F0] =	vst v6  }
0x21: {  	[tilespmem:$0x5100] =	vst v0  }
0x22: {  	[tilespmem:$0x5110] =	vst v1  }
0x23: {  	[tilespmem:$0x5120] =	vst v2  }
0x24: {  	[tilespmem:$0x5130] =	vst v3  }
0x25: {  	[tilespmem:$0x5140] =	vst v4  }
0x26: {  	[spmem:s5] =	stream.linear.scatter [tilespmem:s12], [sflag:$0x2], $0x80, $0x38;
	[tilespmem:$0x5600] =	vst v63  }
0x27: {  	_ =	swait.ge [sflag:s13], $0x80  }
0x28: {  	[sflag:s13] =	ssyncset.done $0x0  }
0x29: {  	[sflag:s13] =	ssyncadd.s32 $0xFFFFFF80  }
0x2a: {  	[spmem:s8] =	stream.linear.scatter [tilespmem:s12], [sflag:$0x2], $0x80, $0x38;
	[tilespmem:$0x5600] =	vst v63  }
0x2b: {  	_ =	swait.ge [sflag:s13], $0x80  }
0x2c: {  	[sflag:s13] =	ssyncset.done $0x0  }
0x2d: {  	[sflag:s13] =	ssyncadd.s32 $0xFFFFFF80  }
0x2e: {  	[spmem:s9] =	stream.linear.scatter [tilespmem:s12], [sflag:$0x2], $0x80, $0x38;
	[tilespmem:$0x5600] =	vst v63  }
0x2f: {  	_ =	swait.ge [sflag:s13], $0x80  }
0x30: {  	[sflag:s13] =	ssyncset.done $0x0  }
0x31: {  	[sflag:s13] =	ssyncadd.s32 $0xFFFFFF80  }
0x32: {  	[spmem:s10] =	stream.linear.scatter [tilespmem:s12], [sflag:$0x2], $0x80, $0x38;
	[tilespmem:$0x5600] =	vst v63  }
0x33: {  	_ =	swait.ge [sflag:s13], $0x80  }
0x34: {  	[sflag:s13] =	ssyncset.done $0x0  }
0x35: {  	[sflag:s13] =	ssyncadd.s32 $0xFFFFFF80  }
0x36: {  	[spmem:s11] =	stream.linear.scatter [tilespmem:s12], [sflag:$0x2], $0x80, $0x38;
	[tilespmem:$0x5600] =	vst v63  }
0x37: {  	_ =	swait.ge [sflag:s13], $0x80  }
0x38: {  	[sflag:s13] =	ssyncset.done $0x0  }
0x39: {  	[sflag:s13] =	ssyncadd.s32 $0xFFFFFF80  }
0x3a: {  	[tilespmem:s4], [sflag:$0x1] =	stream.indirect.gather [hbm4b:s2+s14], $0x80, s15, s14, $0xb8;
	[tilespmem:$0x5600] =	vst v63  }
0x3b: {  	_ =	swait.ge [sflag:s16], $0x2800  }
0x3c: {  	[sflag:s16] =	ssyncset.done $0x0  }
0x3d: {  	s23 =	simm.s32 $0x0;
	[sflag:s16] =	ssyncadd.s32 $0xFFFFD800  }
0x3e: {  	v8 =	vld [tilespmem:s23+$0x70]  }
0x3f: {  	v11 =	vld [tilespmem:s23+$0x0]  }
0x40: {  	v12 =	vld [tilespmem:s23+$0x10]  }
0x41: {  	v10 =	vld [tilespmem:s23+$0x20]  }
0x42: {  	v9 =	vld [tilespmem:s23+$0x30]  }
0x43: {  	v7 =	vld [tilespmem:s23+$0x40];
	v13 =	vshrl.u32 v8, $0x10  }
0x44: {  	v8 =	vld [tilespmem:s23+$0x50];
	v11 =	vshrl.u32 v11, $0x10;
	[tilespmem:s23+$0x2870] =	vst v13  }
0x45: {  	s22 =	simm.s32 $0x80;
	s24 =	simm.s32 $0x400;
	v12 =	vshrl.u32 v12, $0x10;
	[tilespmem:s23+$0x2800] =	vst v11;
	v11 =	vld [tilespmem:s23+$0x60]  }
.LBB2_2:
0x46: {  	p0 =	sne.s32 s24, $0x9E00;
	v13 =	vld [tilespmem:s22+$0x70];
	[tilespmem:s23+$0x2810] =	vst v12;
	v10 =	vshrl.u32 v10, $0x10  }
0x47: {  	v12 =	vld [tilespmem:s22+$0x0];
	[tilespmem:s23+$0x2820] =	vst v10;
	v9 =	vshrl.u32 v9, $0x10  }
0x48: {  	v14 =	vld [tilespmem:s22+$0x10];
	[tilespmem:s23+$0x2830] =	vst v9;
	v7 =	vshrl.u32 v7, $0x10  }
.Ltmp0:
0x49: {  	v10 =	vld [tilespmem:s22+$0x20];
	[tilespmem:s23+$0x2840] =	vst v7;
	v7 =	vshrl.u32 v8, $0x10;
	(pc) =	sbr.rel @p0 .LBB2_2-.Ltmp0, $4  }
0x4a: {  	v9 =	vld [tilespmem:s22+$0x30];
	[tilespmem:s23+$0x2850] =	vst v7;
	v8 =	vshrl.u32 v11, $0x10  }
0x4b: {  	v7 =	vld [tilespmem:s22+$0x40];
	v11 =	vshrl.u32 v13, $0x10;
	[tilespmem:s23+$0x2860] =	vst v8;
	s23 =	smov.u32 s22  }
0x4c: {  	v12 =	vshrl.u32 v12, $0x10;
	v8 =	vld [tilespmem:s23+$0x50];
	[tilespmem:s23+$0x2870] =	vst v11  }
0x4d: {  	s22 =	sshra.s32 s24, $0x2;
	s24 =	sadd.s32 $0x200, s24;
	[tilespmem:s23+$0x2800] =	vst v12;
	v12 =	vshrl.u32 v14, $0x10;
	v11 =	vld [tilespmem:s23+$0x60]  }
0x4e: {  	v13 =	vld [tilespmem:s22+$0x70];
	[tilespmem:s23+$0x2810] =	vst v12;
	v10 =	vshrl.u32 v10, $0x10  }
0x4f: {  	v12 =	vld [tilespmem:s22+$0x0];
	[tilespmem:s23+$0x2820] =	vst v10;
	v9 =	vshrl.u32 v9, $0x10  }
0x50: {  	v10 =	vld [tilespmem:s22+$0x10];
	[tilespmem:s23+$0x2830] =	vst v9;
	v7 =	vshrl.u32 v7, $0x10  }
0x51: {  	v9 =	vld [tilespmem:s22+$0x20];
	[tilespmem:s23+$0x2840] =	vst v7;
	v7 =	vshrl.u32 v8, $0x10  }
0x52: {  	v8 =	vld [tilespmem:s22+$0x30];
	[tilespmem:s23+$0x2850] =	vst v7;
	v7 =	vshrl.u32 v11, $0x10  }
0x53: {  	v61 =	vld [tilespmem:s22+$0x40];
	[tilespmem:s23+$0x2860] =	vst v7;
	v7 =	vshrl.u32 v13, $0x10  }
0x54: {  	v62 =	vld [tilespmem:s22+$0x50];
	v12 =	vshrl.u32 v12, $0x10;
	[tilespmem:s22+$0x2870] =	vst v7  }
0x55: {  	v63 =	vld [tilespmem:s22+$0x60];
	[tilespmem:s22+$0x2800] =	vst v12;
	v7 =	vshrl.u32 v10, $0x10  }
0x56: {  	[tilespmem:s22+$0x2810] =	vst v7;
	v7 =	vshrl.u32 v9, $0x10  }
0x57: {  	[tilespmem:s22+$0x2820] =	vst v7;
	v7 =	vshrl.u32 v8, $0x10  }
0x58: {  	[tilespmem:s22+$0x2830] =	vst v7;
	v7 =	vshrl.u32 v61, $0x10  }
0x59: {  	[tilespmem:s22+$0x2840] =	vst v7;
	v7 =	vshrl.u32 v62, $0x10  }
0x5a: {  	[tilespmem:s22+$0x2850] =	vst v7;
	v7 =	vshrl.u32 v63, $0x10  }
0x5b: {  	[tilespmem:s22+$0x2860] =	vst v7  }
0x5c: {  	s22 =	simm.s32 $0x0;
	[bflag:$0x0] =	sbarrier.arrive $0xFFFF  }
.LBB2_4:
0x5d: {  	p0 =	sne.s32 s22, $0x9E00  }
.Ltmp1:
0x5e: {  	_ = 	snop;
	(pc) =	sbr.rel @p0 .LBB2_4-.Ltmp1, $4  }
0x5f: {  	_ = 	snop  }
0x60: {  	s23 =	sshra.s32 s22, $0x2  }
0x61: {  	s22 =	sadd.s32 $0x200, s22;
	s23 =	sadd.s32 $0x2800, s23  }
0x62: {  	[spmem:s3] =	stream.indirect.scatter.add.f32 [tilespmem:s18], [sflag:$0x1], $0x1, s23, s17, $0xb8;
	[tilespmem:$0x5600] =	vst v63  }
0x63: {  	_ =	swait.ge [sflag:s16], $0x80  }
0x64: {  	s22 =	simm.s32 $0x4F;
	[sflag:s16] =	ssyncset.done $0x0  }
.LBB2_6:
0x65: {  	p0 =	sne.s32 s22, $0x1;
	s22 =	sadd.s32 $0xFFFFFFFF, s22;
	[sflag:s16] =	ssyncadd.s32 $0xFFFFFF80  }
.Ltmp2:
0x66: {  	(pc) =	sbr.rel @p0 .LBB2_6-.Ltmp2, $3  }
0x67: {  	_ =	sdelay $0x1  }
0x68: {  	_ =	swait.ge [sflag:s16], $0x80  }
0x69: {  	[sflag:s16] =	ssyncset.done $0x0  }
0x6a: {  	s21 =	sadd.s32 $0x1, s21  }
0x6b: {  	[sflag:s16] =	ssyncadd.s32 $0xFFFFFF80;
	p0 =	sne.s32 s21, s7  }
.Ltmp3:
0x6c: {  	[bflag:$0x0] =	sbarrier.arrive $0xFFFF;
	(pc) =	sbr.rel @p0 .LBB2_1-.Ltmp3, $4  }
0x6d: {  	[hbm:s6], [sflag:s19] =	dma.local [spmem:s20], $0x50  }
0x6e: {  	_ =	swait.ge [sflag:s13], $0x50  }
0x6f: {  	[sflag:s13] =	ssyncset.done $0x0  }
0x70: {  	[sflag:s13] =	ssyncadd.s32 $0xFFFFFFB0  }
0x71: {  	_ =	sfence.sel $0x180000  }
0x72: {  	[bflag:$0x0] =	sbarrier.arrive $0xFFFF  }
0x73: {  	p0 =	sne.s32 s1, $0x0;
	_ =	strace $0x90000047  }
0x74: {  	s0 =	sadd.s32 @!p0 $0x100000, s0;
	[bflag:$0x2] =	sbarrier.arrive $0xFFFF  }
0x75: {  	[sflag:s0] =	ssyncadd.tile.s32 @!p0 $0x1;
	_ =	shalt  }
.Lfunc_end2:
_tile_overlayer_lowered:
.L_overlay_start_2:
0x76: {  	(tag) =	ssettag $0x2  }
0x77: {  	s0 =	rddreg [dreg:$0x0];
	s2 =	stileid.u32  }
0x78: {  	s1 =	rddreg [dreg:$0x1];
	p0 =	sne.s32 s2, $0x0  }
0x79: {  	s3 =	rddreg [dreg:$0x2];
	[bflag:$0x3] =	sbarrier.arrive $0xFFFF;
	s2 =	simm.s32 @!p0 $0x1C02  }
0x7a: {  	[timem:s3], [sflag:s2] =	dma.local @!p0 [hbm:s0], s1  }
0x7b: {  	s0 =	simm.s32 @!p0 $0x2  }
0x7c: {  	_ =	swait.ge @!p0 [sflag:s0], s1  }
0x7d: {  	s1 =	ssub.s32 @!p0 $0x0, s1;
	[sflag:s0] =	ssyncset.done @!p0 $0x0  }
0x7e: {  	[sflag:s0] =	ssyncadd.s32 @!p0 s1  }
0x7f: {  	[bflag:$0x3] =	sbarrier.arrive $0xFFFF  }
0x80: {  	_ =	shalt  }

</sc_bundles>
